<compile_context>
chip_gen: v7x
topology: tpu7x:2x2x1
jax: 0.10.2.dev20260603
libtpu: 0.0.44.dev20260713+nightly
codegen_flags: <defaults>
</compile_context>

<pallas_src>
import jax
import jax.numpy as jnp
from jax import lax
from jax.experimental import pallas as pl
from jax.experimental.pallas import tpu as pltpu
from jax.experimental.pallas import tpu_sc as plsc

N = 10000
E = 320000
IN = 128
HID = 256
HALF = 64
NT = 16
NSUB = 16
CH = 80
CPT = E // (2 * NSUB * CH)
NB = 25
BN = N // NB


def _tc_pre_body(x_ref, emb_ref, wt1_ref, bt1_ref, wt2_ref, bt2_ref,
                 ws1_ref, bs1_ref, ws2_ref, bs2_ref, z_ref, sf_ref):
    x = x_ref[...]
    wt1 = wt1_ref[...]
    wt2 = wt2_ref[...]
    bt2 = bt2_ref[...]
    y = jnp.dot(x, wt1[IN:, :], preferred_element_type=jnp.float32)
    t = (jnp.dot(emb_ref[...], wt1[:IN, :],
                 preferred_element_type=jnp.float32) + bt1_ref[...])
    for ti in range(NT):
        r = jnp.maximum(y + t[ti:ti + 1, :], 0.0)
        z_ref[ti, :, :] = (jnp.dot(r, wt2,
                                   preferred_element_type=jnp.float32) + bt2)
    h = jnp.maximum(jnp.dot(x, ws1_ref[...],
                            preferred_element_type=jnp.float32)
                    + bs1_ref[...], 0.0)
    sf_ref[...] = (jnp.dot(h, ws2_ref[...],
                           preferred_element_type=jnp.float32) + bs2_ref[...])


def _tc_pre(x, emb, Wt1, bt1, Wt2, bt2, Ws1, bs1, Ws2, bs2):
    return pl.pallas_call(
        _tc_pre_body,
        grid=(NB,),
        in_specs=[
            pl.BlockSpec((BN, IN), lambda i: (i, 0)),
            pl.BlockSpec((NT, IN), lambda i: (0, 0)),
            pl.BlockSpec((HID, HID), lambda i: (0, 0)),
            pl.BlockSpec((1, HID), lambda i: (0, 0)),
            pl.BlockSpec((HID, HALF), lambda i: (0, 0)),
            pl.BlockSpec((1, HALF), lambda i: (0, 0)),
            pl.BlockSpec((IN, IN), lambda i: (0, 0)),
            pl.BlockSpec((1, IN), lambda i: (0, 0)),
            pl.BlockSpec((IN, HALF), lambda i: (0, 0)),
            pl.BlockSpec((1, HALF), lambda i: (0, 0)),
        ],
        out_specs=[
            pl.BlockSpec((NT, BN, HALF), lambda i: (0, i, 0)),
            pl.BlockSpec((BN, HALF), lambda i: (i, 0)),
        ],
        out_shape=[
            jax.ShapeDtypeStruct((NT, N, HALF), jnp.float32),
            jax.ShapeDtypeStruct((N, HALF), jnp.float32),
        ],
    )(x, emb, Wt1, bt1.reshape(1, HID), Wt2, bt2.reshape(1, HALF),
      Ws1, bs1.reshape(1, IN), Ws2, bs2.reshape(1, HALF))


def _sc_edges_body(eidx_h, z_h,
                   h0_out, h1_out,
                   h_sh, idx0, idx1, sb0, sb1, rows0, rows1,
                   isem0, isem1, gsem0, gsem1, ssem0, ssem1):
    c = lax.axis_index("c")
    s = lax.axis_index("s")

    zero16 = jnp.zeros((16,), jnp.float32)
    rows = (rows0, rows1)
    idxb = (idx0, idx1)
    sbuf = (sb0, sb1)
    isem = (isem0, isem1)
    gsem = (gsem0, gsem1)
    ssem = (ssem0, ssem1)

    def z_row(i, carry):
        for j in range(4):
            rows0[i, pl.ds(j * 16, 16)] = zero16
        return carry
    lax.fori_loop(0, CH, z_row, 0)

    r0 = s * 624
    for k in range(7):
        pltpu.sync_copy(rows0, h_sh.at[pl.ds(r0 + k * CH, CH)])

    @pl.when(s < 15)
    def _():
        pltpu.sync_copy(rows0.at[pl.ds(0, 64)], h_sh.at[pl.ds(r0 + 560, 64)])

    @pl.when(s == 15)
    def _():
        pltpu.sync_copy(rows0, h_sh.at[pl.ds(r0 + 560, CH)])

    plsc.subcore_barrier()

    row_t = c * (NSUB * CPT) + s * CPT

    def idx_desc(b, il):
        return pltpu.make_async_copy(eidx_h.at[row_t + il], idxb[b], isem[b])

    def gather_descs(b):
        return [
            pltpu.make_async_copy(z_h.at[idxb[b].at[0, pl.ds(0, 40)]],
                                  rows[b].at[pl.ds(0, 40)], gsem[b]),
            pltpu.make_async_copy(z_h.at[idxb[b].at[0, pl.ds(40, 40)]],
                                  rows[b].at[pl.ds(40, 40)], gsem[b]),
        ]

    def gather_start(b):
        for d in gather_descs(b):
            d.start()

    def gather_wait(b):
        for d in gather_descs(b):
            d.wait()

    def scat_desc(b):
        return pltpu.make_async_copy(rows[b], h_sh.at[sbuf[b].at[0]], ssem[b])

    def stash(b):
        for j in range(5):
            sl = pl.ds(j * 16, 16)
            sbuf[b][0, sl] = idxb[b][1, sl]

    def scatter(b):
        pltpu.async_copy(rows[b], h_sh.at[sbuf[b].at[0]], ssem[b], add=True)

    pltpu.sync_copy(eidx_h.at[row_t], idx0)
    idx_desc(1, 1).start()
    gather_start(0)

    def pair(g, carry):
        @pl.when(g > 0)
        def _():
            scat_desc(1).wait()
        idx_desc(1, 0).wait()
        gather_start(1)
        gather_wait(0)
        stash(0)
        idx_desc(0, 2 * g + 2).start()
        scatter(0)

        scat_desc(0).wait()
        idx_desc(0, 0).wait()
        gather_start(0)
        gather_wait(1)
        stash(1)

        @pl.when(g < CPT // 2 - 1)
        def _():
            idx_desc(1, 2 * g + 3).start()
        scatter(1)
        return carry

    lax.fori_loop(0, CPT // 2, pair, 0)

    scat_desc(1).wait()
    gather_wait(0)
    stash(0)
    scatter(0)
    scat_desc(0).wait()
    plsc.subcore_barrier()

    def stripe_out(h_out):
        for k in range(7):
            pltpu.sync_copy(h_sh.at[pl.ds(r0 + k * CH, CH)], rows0)
            pltpu.sync_copy(rows0, h_out.at[pl.ds(r0 + k * CH, CH)])

        @pl.when(s < 15)
        def _():
            pltpu.sync_copy(h_sh.at[pl.ds(r0 + 560, 64)],
                            rows0.at[pl.ds(0, 64)])
            pltpu.sync_copy(rows0.at[pl.ds(0, 64)],
                            h_out.at[pl.ds(r0 + 560, 64)])

        @pl.when(s == 15)
        def _():
            pltpu.sync_copy(h_sh.at[pl.ds(r0 + 560, CH)], rows0)
            pltpu.sync_copy(rows0, h_out.at[pl.ds(r0 + 560, CH)])

    @pl.when(c == 0)
    def _():
        stripe_out(h0_out)

    @pl.when(c == 1)
    def _():
        stripe_out(h1_out)


def _sc_edges(cidx, dst, z):
    eidx = jnp.stack([cidx.reshape(E // CH, CH), dst.reshape(E // CH, CH)],
                     axis=1)
    mesh = plsc.VectorSubcoreMesh(core_axis_name="c", subcore_axis_name="s")
    f = pl.kernel(
        _sc_edges_body,
        out_type=[
            jax.ShapeDtypeStruct((N, HALF), jnp.float32),
            jax.ShapeDtypeStruct((N, HALF), jnp.float32),
        ],
        mesh=mesh,
        scratch_types=[
            pltpu.VMEM_SHARED((N, HALF), jnp.float32),
            pltpu.VMEM((2, CH), jnp.int32),
            pltpu.VMEM((2, CH), jnp.int32),
            pltpu.VMEM((1, CH), jnp.int32),
            pltpu.VMEM((1, CH), jnp.int32),
            pltpu.VMEM((CH, HALF), jnp.float32),
            pltpu.VMEM((CH, HALF), jnp.float32),
            pltpu.SemaphoreType.DMA,
            pltpu.SemaphoreType.DMA,
            pltpu.SemaphoreType.DMA,
            pltpu.SemaphoreType.DMA,
            pltpu.SemaphoreType.DMA,
            pltpu.SemaphoreType.DMA,
        ],
        compiler_params=pltpu.CompilerParams(use_tc_tiling_on_sc=False,
                                             needs_layout_passes=False),
    )
    return f(eidx, z.reshape(NT * N, HALF))


def _tc_post_body(h0_ref, h1_ref, sf_ref, out_ref):
    msg = h0_ref[...] + h1_ref[...]
    out_ref[...] = jnp.concatenate([sf_ref[...], msg], axis=-1)


def _tc_post(h0, h1, sf):
    return pl.pallas_call(
        _tc_post_body,
        out_shape=jax.ShapeDtypeStruct((N, 2 * HALF), jnp.float32),
    )(h0, h1, sf)


def kernel(x, edge_index, edge_type, emb, Ws1, bs1, Ws2, bs2,
           Wt1, bt1, Wt2, bt2):
    src = edge_index[0].astype(jnp.int32)
    dst = edge_index[1].astype(jnp.int32)
    et = edge_type.astype(jnp.int32)
    cidx = et * N + src

    z, sf = _tc_pre(x, emb, Wt1, bt1, Wt2, bt2, Ws1, bs1, Ws2, bs2)
    h0, h1 = _sc_edges(cidx, dst, z)
    return _tc_post(h0, h1, sf)

# --- scband reference (transcript-rebuilt; emitter-appended) ---
"""Pipeline reference for scband-wlsmlplayer-edge-49065706389982 (READ-ONLY COPY).

The authoritative reference and input builder live on the scoring server;
editing this copy changes nothing except your own understanding.
"""

import jax, jax.numpy as jnp
import numpy as np

N_NODES = 10000
N_EDGES = 320000
IN_DIM = 128
OUT_DIM = 128
NUM_EDGE_TYPES = 16
HALF = OUT_DIM // 2


def setup_inputs(seed: int = 0) -> dict:
    key = jax.random.key(seed)
    ks = jax.random.split(key, 12)
    x = jax.random.normal(ks[0], (N_NODES, IN_DIM), dtype=jnp.float32)
    edge_index = jax.random.randint(ks[1], (2, N_EDGES), 0, N_NODES, dtype=jnp.int64)
    edge_type = jax.random.randint(ks[2], (N_EDGES,), 0, NUM_EDGE_TYPES, dtype=jnp.int64)
    # learned params: edge-type embedding + two KernelMLPs
    # KernelMLP(in, out, n_hidden=1, scale_hidden=1): Linear(in, in) -> ReLU -> Linear(in, out)
    emb = jax.random.normal(ks[3], (NUM_EDGE_TYPES, IN_DIM), dtype=jnp.float32) * 0.02
    # transform_self: IN_DIM -> IN_DIM -> HALF
    Ws1 = jax.random.normal(ks[4], (IN_DIM, IN_DIM), dtype=jnp.float32) * (1.0 / np.sqrt(IN_DIM))
    bs1 = jnp.zeros((IN_DIM,), dtype=jnp.float32)
    Ws2 = jax.random.normal(ks[5], (IN_DIM, HALF), dtype=jnp.float32) * (1.0 / np.sqrt(IN_DIM))
    bs2 = jnp.zeros((HALF,), dtype=jnp.float32)
    # transform (messages): 2*IN_DIM -> 2*IN_DIM -> HALF
    Wt1 = jax.random.normal(ks[6], (2 * IN_DIM, 2 * IN_DIM), dtype=jnp.float32) * (1.0 / np.sqrt(2 * IN_DIM))
    bt1 = jnp.zeros((2 * IN_DIM,), dtype=jnp.float32)
    Wt2 = jax.random.normal(ks[7], (2 * IN_DIM, HALF), dtype=jnp.float32) * (1.0 / np.sqrt(2 * IN_DIM))
    bt2 = jnp.zeros((HALF,), dtype=jnp.float32)
    return {"x": x, "edge_index": edge_index, "edge_type": edge_type,
            "emb": emb, "Ws1": Ws1, "bs1": bs1, "Ws2": Ws2, "bs2": bs2,
            "Wt1": Wt1, "bt1": bt1, "Wt2": Wt2, "bt2": bt2}


def _kernel_mlp(z, W1, b1, W2, b2):
    h = jax.nn.relu(jnp.dot(z, W1) + b1)
    return jnp.dot(h, W2) + b2


def reference(x, edge_index, edge_type, emb, Ws1, bs1, Ws2, bs2, Wt1, bt1, Wt2, bt2):
    src = edge_index[0]
    dst = edge_index[1]
    # message_fn: e_feat = embedding(edges.data['feat']); cat([e_feat, edges.src['h']]); transform
    e_feat = jnp.take(emb, edge_type, axis=0)              # [E, IN_DIM]
    msg_in = jnp.concatenate([e_feat, jnp.take(x, src, axis=0)], axis=-1)  # [E, 2*IN_DIM]
    m = _kernel_mlp(msg_in, Wt1, bt1, Wt2, bt2)            # [E, HALF]
    # agg_fn = fn.sum(msg='m', out='h')
    h = jax.ops.segment_sum(m, dst, num_segments=x.shape[0])  # [N, HALF]
    # self transform + concat
    self_f = _kernel_mlp(x, Ws1, bs1, Ws2, bs2)            # [N, HALF]
    return jnp.concatenate([self_f, h], axis=-1)           # [N, OUT_DIM]

if __name__ == "__main__":
    import jax
    _d = setup_inputs()
    print(jax.jit(kernel)(*tuple(_d.values())))

</pallas_src>

<mosaic_0001>
#map = affine_map<(d0, d1) -> (0, 0, 0)>
#map1 = affine_map<(d0, d1) -> (0, 0)>
module attributes {stable_mosaic.version = 14 : i64} {
  func.func @_sc_edges_body(%arg0: i32, %arg1: i32, %arg2: memref<4000x2x80xi32, #tpu.memory_space<hbm>>, %arg3: memref<160000x64xf32, #tpu.memory_space<hbm>>, %arg4: memref<10000x64xf32, #tpu.memory_space<hbm>>, %arg5: memref<10000x64xf32, #tpu.memory_space<hbm>>, %arg6: memref<10000x64xf32, #tpu.memory_space<vmem_shared>>, %arg7: memref<2x80xi32, #tpu.memory_space<vmem>>, %arg8: memref<2x80xi32, #tpu.memory_space<vmem>>, %arg9: memref<1x80xi32, #tpu.memory_space<vmem>>, %arg10: memref<1x80xi32, #tpu.memory_space<vmem>>, %arg11: memref<80x64xf32, #tpu.memory_space<vmem>>, %arg12: memref<80x64xf32, #tpu.memory_space<vmem>>, %arg13: memref<!tpu.dma_semaphore, #tpu.memory_space<semaphore_mem>>, %arg14: memref<!tpu.dma_semaphore, #tpu.memory_space<semaphore_mem>>, %arg15: memref<!tpu.dma_semaphore, #tpu.memory_space<semaphore_mem>>, %arg16: memref<!tpu.dma_semaphore, #tpu.memory_space<semaphore_mem>>, %arg17: memref<!tpu.dma_semaphore, #tpu.memory_space<semaphore_mem>>, %arg18: memref<!tpu.dma_semaphore, #tpu.memory_space<semaphore_mem>>) attributes {dimension_semantics = [#tpu.dimension_semantics<core_parallel>, #tpu.dimension_semantics<subcore_parallel>], iteration_bounds = array<i64: 2, 16>, scalar_prefetch = 0 : i64, scratch_operands = 13 : i64, tpu.core_type = #tpu.core_type<sc_vector_subcore>, window_params = [{transform_indices = #map}, {transform_indices = #map1}, {transform_indices = #map1}, {transform_indices = #map1}]} {
    %broadcast_in_dim3A = arith.constant 0.000000e+00 : f32
    %broadcast_in_dim3A_0 = vector.broadcast %broadcast_in_dim3A : f32 to vector<16xf32>
    %scan3A = arith.constant 0 : i32
    %scan3A_1 = arith.constant 0 : i32
    %scan3A_2 = arith.constant 80 : i32
    %scan3A_3 = arith.addi %scan3A_1, %scan3A_2 : i32
    %scan3A_4 = arith.constant 1 : i32
    scf.for %scan3A_155 = %scan3A_1 to %scan3A_3 step %scan3A_4  : i32 {
      %swap3A_156 = arith.index_cast %scan3A_155 : i32 to index
      %swap3A_157 = arith.constant 0 : index
      %swap3A_158 = tpu.vector_load %arg11[%swap3A_156, %swap3A_157] {strides = array<i32>} : memref<80x64xf32, #tpu.memory_space<vmem>>, vector<16xf32>,
      tpu.vector_store %arg11[%swap3A_156, %swap3A_157], %broadcast_in_dim3A_0 {strides = array<i32>} : memref<80x64xf32, #tpu.memory_space<vmem>>, vector<16xf32>,
      %swap3A_159 = arith.index_cast %scan3A_155 : i32 to index
      %swap3A_160 = arith.constant 16 : index
      %swap3A_161 = tpu.vector_load %arg11[%swap3A_159, %swap3A_160] {strides = array<i32>} : memref<80x64xf32, #tpu.memory_space<vmem>>, vector<16xf32>,
      tpu.vector_store %arg11[%swap3A_159, %swap3A_160], %broadcast_in_dim3A_0 {strides = array<i32>} : memref<80x64xf32, #tpu.memory_space<vmem>>, vector<16xf32>,
      %swap3A_162 = arith.index_cast %scan3A_155 : i32 to index
      %swap3A_163 = arith.constant 32 : index
      %swap3A_164 = tpu.vector_load %arg11[%swap3A_162, %swap3A_163] {strides = array<i32>} : memref<80x64xf32, #tpu.memory_space<vmem>>, vector<16xf32>,
      tpu.vector_store %arg11[%swap3A_162, %swap3A_163], %broadcast_in_dim3A_0 {strides = array<i32>} : memref<80x64xf32, #tpu.memory_space<vmem>>, vector<16xf32>,
      %swap3A_165 = arith.index_cast %scan3A_155 : i32 to index
      %swap3A_166 = arith.constant 48 : index
      %swap3A_167 = tpu.vector_load %arg11[%swap3A_165, %swap3A_166] {strides = array<i32>} : memref<80x64xf32, #tpu.memory_space<vmem>>, vector<16xf32>,
      tpu.vector_store %arg11[%swap3A_165, %swap3A_166], %broadcast_in_dim3A_0 {strides = array<i32>} : memref<80x64xf32, #tpu.memory_space<vmem>>, vector<16xf32>,
    }
    %scan3A_5 = arith.constant 80 : i32
    %mul3A = arith.constant 624 : i32
    %mul3A_6 = arith.muli %arg1, %mul3A : i32
    %add3A = arith.constant 0 : i32
    %add3A_7 = arith.addi %mul3A_6, %add3A : i32
    "tpu.region"() ({
      %run_scoped3A = tpu.sem_alloc : memref<!tpu.dma_semaphore, #tpu.memory_space<semaphore_mem>>
      %dma_start3A_155 = arith.constant 0 : i32
      %dma_start3A_156 = tpu.memref_slice %arg6[%add3A_7, %dma_start3A_155] : memref<10000x64xf32, #tpu.memory_space<vmem_shared>> -> memref<80x64xf32, #tpu.memory_space<vmem_shared>>
      %dma_start3A_157 = arith.constant 0 : i32
      %dma_start3A_158 = tpu.memref_slice %arg6[%add3A_7, %dma_start3A_157] : memref<10000x64xf32, #tpu.memory_space<vmem_shared>> -> memref<80x64xf32, #tpu.memory_space<vmem_shared>>
      tpu.enqueue_dma source(%arg11 : memref<80x64xf32, #tpu.memory_space<vmem>>) target(%dma_start3A_158 : memref<80x64xf32, #tpu.memory_space<vmem_shared>>) target_semaphore(%run_scoped3A : memref<!tpu.dma_semaphore, #tpu.memory_space<semaphore_mem>>)
      %dma_wait3A_159 = arith.constant 0 : i32
      %dma_wait3A_160 = tpu.memref_slice %arg6[%add3A_7, %dma_wait3A_159] : memref<10000x64xf32, #tpu.memory_space<vmem_shared>> -> memref<80x64xf32, #tpu.memory_space<vmem_shared>>
      %dma_wait3A_161 = arith.constant 0 : i32
      %dma_wait3A_162 = tpu.memref_slice %arg6[%add3A_7, %dma_wait3A_161] : memref<10000x64xf32, #tpu.memory_space<vmem_shared>> -> memref<80x64xf32, #tpu.memory_space<vmem_shared>>
      tpu.wait_dma2 semaphore(%run_scoped3A : memref<!tpu.dma_semaphore, #tpu.memory_space<semaphore_mem>>) src(%arg11 : memref<80x64xf32, #tpu.memory_space<vmem>>) dst(%dma_wait3A_162 : memref<80x64xf32, #tpu.memory_space<vmem_shared>>)
      tpu.yield
    }) : () -> ()
    %add3A_8 = arith.constant 80 : i32
    %add3A_9 = arith.addi %mul3A_6, %add3A_8 : i32
    "tpu.region"() ({
      %run_scoped3A = tpu.sem_alloc : memref<!tpu.dma_semaphore, #tpu.memory_space<semaphore_mem>>
      %dma_start3A_155 = arith.constant 0 : i32
      %dma_start3A_156 = tpu.memref_slice %arg6[%add3A_9, %dma_start3A_155] : memref<10000x64xf32, #tpu.memory_space<vmem_shared>> -> memref<80x64xf32, #tpu.memory_space<vmem_shared>>
      %dma_start3A_157 = arith.constant 0 : i32
      %dma_start3A_158 = tpu.memref_slice %arg6[%add3A_9, %dma_start3A_157] : memref<10000x64xf32, #tpu.memory_space<vmem_shared>> -> memref<80x64xf32, #tpu.memory_space<vmem_shared>>
      tpu.enqueue_dma source(%arg11 : memref<80x64xf32, #tpu.memory_space<vmem>>) target(%dma_start3A_158 : memref<80x64xf32, #tpu.memory_space<vmem_shared>>) target_semaphore(%run_scoped3A : memref<!tpu.dma_semaphore, #tpu.memory_space<semaphore_mem>>)
      %dma_wait3A_159 = arith.constant 0 : i32
      %dma_wait3A_160 = tpu.memref_slice %arg6[%add3A_9, %dma_wait3A_159] : memref<10000x64xf32, #tpu.memory_space<vmem_shared>> -> memref<80x64xf32, #tpu.memory_space<vmem_shared>>
      %dma_wait3A_161 = arith.constant 0 : i32
      %dma_wait3A_162 = tpu.memref_slice %arg6[%add3A_9, %dma_wait3A_161] : memref<10000x64xf32, #tpu.memory_space<vmem_shared>> -> memref<80x64xf32, #tpu.memory_space<vmem_shared>>
      tpu.wait_dma2 semaphore(%run_scoped3A : memref<!tpu.dma_semaphore, #tpu.memory_space<semaphore_mem>>) src(%arg11 : memref<80x64xf32, #tpu.memory_space<vmem>>) dst(%dma_wait3A_162 : memref<80x64xf32, #tpu.memory_space<vmem_shared>>)
      tpu.yield
    }) : () -> ()
    %add3A_10 = arith.constant 160 : i32
    %add3A_11 = arith.addi %mul3A_6, %add3A_10 : i32
    "tpu.region"() ({
      %run_scoped3A = tpu.sem_alloc : memref<!tpu.dma_semaphore, #tpu.memory_space<semaphore_mem>>
      %dma_start3A_155 = arith.constant 0 : i32
      %dma_start3A_156 = tpu.memref_slice %arg6[%add3A_11, %dma_start3A_155] : memref<10000x64xf32, #tpu.memory_space<vmem_shared>> -> memref<80x64xf32, #tpu.memory_space<vmem_shared>>
      %dma_start3A_157 = arith.constant 0 : i32
      %dma_start3A_158 = tpu.memref_slice %arg6[%add3A_11, %dma_start3A_157] : memref<10000x64xf32, #tpu.memory_space<vmem_shared>> -> memref<80x64xf32, #tpu.memory_space<vmem_shared>>
      tpu.enqueue_dma source(%arg11 : memref<80x64xf32, #tpu.memory_space<vmem>>) target(%dma_start3A_158 : memref<80x64xf32, #tpu.memory_space<vmem_shared>>) target_semaphore(%run_scoped3A : memref<!tpu.dma_semaphore, #tpu.memory_space<semaphore_mem>>)
      %dma_wait3A_159 = arith.constant 0 : i32
      %dma_wait3A_160 = tpu.memref_slice %arg6[%add3A_11, %dma_wait3A_159] : memref<10000x64xf32, #tpu.memory_space<vmem_shared>> -> memref<80x64xf32, #tpu.memory_space<vmem_shared>>
      %dma_wait3A_161 = arith.constant 0 : i32
      %dma_wait3A_162 = tpu.memref_slice %arg6[%add3A_11, %dma_wait3A_161] : memref<10000x64xf32, #tpu.memory_space<vmem_shared>> -> memref<80x64xf32, #tpu.memory_space<vmem_shared>>
      tpu.wait_dma2 semaphore(%run_scoped3A : memref<!tpu.dma_semaphore, #tpu.memory_space<semaphore_mem>>) src(%arg11 : memref<80x64xf32, #tpu.memory_space<vmem>>) dst(%dma_wait3A_162 : memref<80x64xf32, #tpu.memory_space<vmem_shared>>)
      tpu.yield
    }) : () -> ()
    %add3A_12 = arith.constant 240 : i32
    %add3A_13 = arith.addi %mul3A_6, %add3A_12 : i32
    "tpu.region"() ({
      %run_scoped3A = tpu.sem_alloc : memref<!tpu.dma_semaphore, #tpu.memory_space<semaphore_mem>>
      %dma_start3A_155 = arith.constant 0 : i32
      %dma_start3A_156 = tpu.memref_slice %arg6[%add3A_13, %dma_start3A_155] : memref<10000x64xf32, #tpu.memory_space<vmem_shared>> -> memref<80x64xf32, #tpu.memory_space<vmem_shared>>
      %dma_start3A_157 = arith.constant 0 : i32
      %dma_start3A_158 = tpu.memref_slice %arg6[%add3A_13, %dma_start3A_157] : memref<10000x64xf32, #tpu.memory_space<vmem_shared>> -> memref<80x64xf32, #tpu.memory_space<vmem_shared>>
      tpu.enqueue_dma source(%arg11 : memref<80x64xf32, #tpu.memory_space<vmem>>) target(%dma_start3A_158 : memref<80x64xf32, #tpu.memory_space<vmem_shared>>) target_semaphore(%run_scoped3A : memref<!tpu.dma_semaphore, #tpu.memory_space<semaphore_mem>>)
      %dma_wait3A_159 = arith.constant 0 : i32
      %dma_wait3A_160 = tpu.memref_slice %arg6[%add3A_13, %dma_wait3A_159] : memref<10000x64xf32, #tpu.memory_space<vmem_shared>> -> memref<80x64xf32, #tpu.memory_space<vmem_shared>>
      %dma_wait3A_161 = arith.constant 0 : i32
      %dma_wait3A_162 = tpu.memref_slice %arg6[%add3A_13, %dma_wait3A_161] : memref<10000x64xf32, #tpu.memory_space<vmem_shared>> -> memref<80x64xf32, #tpu.memory_space<vmem_shared>>
      tpu.wait_dma2 semaphore(%run_scoped3A : memref<!tpu.dma_semaphore, #tpu.memory_space<semaphore_mem>>) src(%arg11 : memref<80x64xf32, #tpu.memory_space<vmem>>) dst(%dma_wait3A_162 : memref<80x64xf32, #tpu.memory_space<vmem_shared>>)
      tpu.yield
    }) : () -> ()
    %add3A_14 = arith.constant 320 : i32
    %add3A_15 = arith.addi %mul3A_6, %add3A_14 : i32
    "tpu.region"() ({
      %run_scoped3A = tpu.sem_alloc : memref<!tpu.dma_semaphore, #tpu.memory_space<semaphore_mem>>
      %dma_start3A_155 = arith.constant 0 : i32
      %dma_start3A_156 = tpu.memref_slice %arg6[%add3A_15, %dma_start3A_155] : memref<10000x64xf32, #tpu.memory_space<vmem_shared>> -> memref<80x64xf32, #tpu.memory_space<vmem_shared>>
      %dma_start3A_157 = arith.constant 0 : i32
      %dma_start3A_158 = tpu.memref_slice %arg6[%add3A_15, %dma_start3A_157] : memref<10000x64xf32, #tpu.memory_space<vmem_shared>> -> memref<80x64xf32, #tpu.memory_space<vmem_shared>>
      tpu.enqueue_dma source(%arg11 : memref<80x64xf32, #tpu.memory_space<vmem>>) target(%dma_start3A_158 : memref<80x64xf32, #tpu.memory_space<vmem_shared>>) target_semaphore(%run_scoped3A : memref<!tpu.dma_semaphore, #tpu.memory_space<semaphore_mem>>)
      %dma_wait3A_159 = arith.constant 0 : i32
      %dma_wait3A_160 = tpu.memref_slice %arg6[%add3A_15, %dma_wait3A_159] : memref<10000x64xf32, #tpu.memory_space<vmem_shared>> -> memref<80x64xf32, #tpu.memory_space<vmem_shared>>
      %dma_wait3A_161 = arith.constant 0 : i32
      %dma_wait3A_162 = tpu.memref_slice %arg6[%add3A_15, %dma_wait3A_161] : memref<10000x64xf32, #tpu.memory_space<vmem_shared>> -> memref<80x64xf32, #tpu.memory_space<vmem_shared>>
      tpu.wait_dma2 semaphore(%run_scoped3A : memref<!tpu.dma_semaphore, #tpu.memory_space<semaphore_mem>>) src(%arg11 : memref<80x64xf32, #tpu.memory_space<vmem>>) dst(%dma_wait3A_162 : memref<80x64xf32, #tpu.memory_space<vmem_shared>>)
      tpu.yield
    }) : () -> ()
    %add3A_16 = arith.constant 400 : i32
    %add3A_17 = arith.addi %mul3A_6, %add3A_16 : i32
    "tpu.region"() ({
      %run_scoped3A = tpu.sem_alloc : memref<!tpu.dma_semaphore, #tpu.memory_space<semaphore_mem>>
      %dma_start3A_155 = arith.constant 0 : i32
      %dma_start3A_156 = tpu.memref_slice %arg6[%add3A_17, %dma_start3A_155] : memref<10000x64xf32, #tpu.memory_space<vmem_shared>> -> memref<80x64xf32, #tpu.memory_space<vmem_shared>>
      %dma_start3A_157 = arith.constant 0 : i32
      %dma_start3A_158 = tpu.memref_slice %arg6[%add3A_17, %dma_start3A_157] : memref<10000x64xf32, #tpu.memory_space<vmem_shared>> -> memref<80x64xf32, #tpu.memory_space<vmem_shared>>
      tpu.enqueue_dma source(%arg11 : memref<80x64xf32, #tpu.memory_space<vmem>>) target(%dma_start3A_158 : memref<80x64xf32, #tpu.memory_space<vmem_shared>>) target_semaphore(%run_scoped3A : memref<!tpu.dma_semaphore, #tpu.memory_space<semaphore_mem>>)
      %dma_wait3A_159 = arith.constant 0 : i32
      %dma_wait3A_160 = tpu.memref_slice %arg6[%add3A_17, %dma_wait3A_159] : memref<10000x64xf32, #tpu.memory_space<vmem_shared>> -> memref<80x64xf32, #tpu.memory_space<vmem_shared>>
      %dma_wait3A_161 = arith.constant 0 : i32
      %dma_wait3A_162 = tpu.memref_slice %arg6[%add3A_17, %dma_wait3A_161] : memref<10000x64xf32, #tpu.memory_space<vmem_shared>> -> memref<80x64xf32, #tpu.memory_space<vmem_shared>>
      tpu.wait_dma2 semaphore(%run_scoped3A : memref<!tpu.dma_semaphore, #tpu.memory_space<semaphore_mem>>) src(%arg11 : memref<80x64xf32, #tpu.memory_space<vmem>>) dst(%dma_wait3A_162 : memref<80x64xf32, #tpu.memory_space<vmem_shared>>)
      tpu.yield
    }) : () -> ()
    %add3A_18 = arith.constant 480 : i32
    %add3A_19 = arith.addi %mul3A_6, %add3A_18 : i32
    "tpu.region"() ({
      %run_scoped3A = tpu.sem_alloc : memref<!tpu.dma_semaphore, #tpu.memory_space<semaphore_mem>>
      %dma_start3A_155 = arith.constant 0 : i32
      %dma_start3A_156 = tpu.memref_slice %arg6[%add3A_19, %dma_start3A_155] : memref<10000x64xf32, #tpu.memory_space<vmem_shared>> -> memref<80x64xf32, #tpu.memory_space<vmem_shared>>
      %dma_start3A_157 = arith.constant 0 : i32
      %dma_start3A_158 = tpu.memref_slice %arg6[%add3A_19, %dma_start3A_157] : memref<10000x64xf32, #tpu.memory_space<vmem_shared>> -> memref<80x64xf32, #tpu.memory_space<vmem_shared>>
      tpu.enqueue_dma source(%arg11 : memref<80x64xf32, #tpu.memory_space<vmem>>) target(%dma_start3A_158 : memref<80x64xf32, #tpu.memory_space<vmem_shared>>) target_semaphore(%run_scoped3A : memref<!tpu.dma_semaphore, #tpu.memory_space<semaphore_mem>>)
      %dma_wait3A_159 = arith.constant 0 : i32
      %dma_wait3A_160 = tpu.memref_slice %arg6[%add3A_19, %dma_wait3A_159] : memref<10000x64xf32, #tpu.memory_space<vmem_shared>> -> memref<80x64xf32, #tpu.memory_space<vmem_shared>>
      %dma_wait3A_161 = arith.constant 0 : i32
      %dma_wait3A_162 = tpu.memref_slice %arg6[%add3A_19, %dma_wait3A_161] : memref<10000x64xf32, #tpu.memory_space<vmem_shared>> -> memref<80x64xf32, #tpu.memory_space<vmem_shared>>
      tpu.wait_dma2 semaphore(%run_scoped3A : memref<!tpu.dma_semaphore, #tpu.memory_space<semaphore_mem>>) src(%arg11 : memref<80x64xf32, #tpu.memory_space<vmem>>) dst(%dma_wait3A_162 : memref<80x64xf32, #tpu.memory_space<vmem_shared>>)
      tpu.yield
    }) : () -> ()
    %lt3A = arith.constant 15 : i32
    %lt3A_20 = arith.cmpi slt, %arg1, %lt3A : i32
    %convert_element_type3A = arith.extui %lt3A_20 : i1 to i32
    %cond3A = arith.constant 0 : i32
    %cond3A_21 = arith.cmpi ne, %convert_element_type3A, %cond3A : i32
    scf.if %cond3A_21 {
      %add3A_155 = arith.constant 560 : i32
      %add3A_156 = arith.addi %mul3A_6, %add3A_155 : i32
      "tpu.region"() ({
        %run_scoped3A = tpu.sem_alloc : memref<!tpu.dma_semaphore, #tpu.memory_space<semaphore_mem>>
        %dma_start3A_157 = arith.constant 0 : i32
        %dma_start3A_158 = arith.constant 0 : i32
        %dma_start3A_159 = tpu.memref_slice %arg11[%dma_start3A_157, %dma_start3A_158] : memref<80x64xf32, #tpu.memory_space<vmem>> -> memref<64x64xf32, #tpu.memory_space<vmem>>
        %dma_start3A_160 = arith.constant 0 : i32
        %dma_start3A_161 = tpu.memref_slice %arg6[%add3A_156, %dma_start3A_160] : memref<10000x64xf32, #tpu.memory_space<vmem_shared>> -> memref<64x64xf32, #tpu.memory_space<vmem_shared>>
        %dma_start3A_162 = arith.constant 0 : i32
        %dma_start3A_163 = tpu.memref_slice %arg6[%add3A_156, %dma_start3A_162] : memref<10000x64xf32, #tpu.memory_space<vmem_shared>> -> memref<64x64xf32, #tpu.memory_space<vmem_shared>>
        %dma_start3A_164 = arith.constant 0 : i32
        %dma_start3A_165 = arith.constant 0 : i32
        %dma_start3A_166 = tpu.memref_slice %arg11[%dma_start3A_164, %dma_start3A_165] : memref<80x64xf32, #tpu.memory_space<vmem>> -> memref<64x64xf32, #tpu.memory_space<vmem>>
        tpu.enqueue_dma source(%dma_start3A_166 : memref<64x64xf32, #tpu.memory_space<vmem>>) target(%dma_start3A_163 : memref<64x64xf32, #tpu.memory_space<vmem_shared>>) target_semaphore(%run_scoped3A : memref<!tpu.dma_semaphore, #tpu.memory_space<semaphore_mem>>)
        %dma_wait3A_167 = arith.constant 0 : i32
        %dma_wait3A_168 = arith.constant 0 : i32
        %dma_wait3A_169 = tpu.memref_slice %arg11[%dma_wait3A_167, %dma_wait3A_168] : memref<80x64xf32, #tpu.memory_space<vmem>> -> memref<64x64xf32, #tpu.memory_space<vmem>>
        %dma_wait3A_170 = arith.constant 0 : i32
        %dma_wait3A_171 = tpu.memref_slice %arg6[%add3A_156, %dma_wait3A_170] : memref<10000x64xf32, #tpu.memory_space<vmem_shared>> -> memref<64x64xf32, #tpu.memory_space<vmem_shared>>
        %dma_wait3A_172 = arith.constant 0 : i32
        %dma_wait3A_173 = tpu.memref_slice %arg6[%add3A_156, %dma_wait3A_172] : memref<10000x64xf32, #tpu.memory_space<vmem_shared>> -> memref<64x64xf32, #tpu.memory_space<vmem_shared>>
        %dma_wait3A_174 = arith.constant 0 : i32
        %dma_wait3A_175 = arith.constant 0 : i32
        %dma_wait3A_176 = tpu.memref_slice %arg11[%dma_wait3A_174, %dma_wait3A_175] : memref<80x64xf32, #tpu.memory_space<vmem>> -> memref<64x64xf32, #tpu.memory_space<vmem>>
        tpu.wait_dma2 semaphore(%run_scoped3A : memref<!tpu.dma_semaphore, #tpu.memory_space<semaphore_mem>>) src(%dma_wait3A_176 : memref<64x64xf32, #tpu.memory_space<vmem>>) dst(%dma_wait3A_173 : memref<64x64xf32, #tpu.memory_space<vmem_shared>>)
        tpu.yield
      }) : () -> ()
    } else {
    }
    %eq3A = arith.constant 15 : i32
    %eq3A_22 = arith.cmpi eq, %arg1, %eq3A : i32
    %convert_element_type3A_23 = arith.extui %eq3A_22 : i1 to i32
    %cond3A_24 = arith.constant 0 : i32
    %cond3A_25 = arith.cmpi ne, %convert_element_type3A_23, %cond3A_24 : i32
    scf.if %cond3A_25 {
      %add3A_155 = arith.constant 560 : i32
      %add3A_156 = arith.addi %mul3A_6, %add3A_155 : i32
      "tpu.region"() ({
        %run_scoped3A = tpu.sem_alloc : memref<!tpu.dma_semaphore, #tpu.memory_space<semaphore_mem>>
        %dma_start3A_157 = arith.constant 0 : i32
        %dma_start3A_158 = tpu.memref_slice %arg6[%add3A_156, %dma_start3A_157] : memref<10000x64xf32, #tpu.memory_space<vmem_shared>> -> memref<80x64xf32, #tpu.memory_space<vmem_shared>>
        %dma_start3A_159 = arith.constant 0 : i32
        %dma_start3A_160 = tpu.memref_slice %arg6[%add3A_156, %dma_start3A_159] : memref<10000x64xf32, #tpu.memory_space<vmem_shared>> -> memref<80x64xf32, #tpu.memory_space<vmem_shared>>
        tpu.enqueue_dma source(%arg11 : memref<80x64xf32, #tpu.memory_space<vmem>>) target(%dma_start3A_160 : memref<80x64xf32, #tpu.memory_space<vmem_shared>>) target_semaphore(%run_scoped3A : memref<!tpu.dma_semaphore, #tpu.memory_space<semaphore_mem>>)
        %dma_wait3A_161 = arith.constant 0 : i32
        %dma_wait3A_162 = tpu.memref_slice %arg6[%add3A_156, %dma_wait3A_161] : memref<10000x64xf32, #tpu.memory_space<vmem_shared>> -> memref<80x64xf32, #tpu.memory_space<vmem_shared>>
        %dma_wait3A_163 = arith.constant 0 : i32
        %dma_wait3A_164 = tpu.memref_slice %arg6[%add3A_156, %dma_wait3A_163] : memref<10000x64xf32, #tpu.memory_space<vmem_shared>> -> memref<80x64xf32, #tpu.memory_space<vmem_shared>>
        tpu.wait_dma2 semaphore(%run_scoped3A : memref<!tpu.dma_semaphore, #tpu.memory_space<semaphore_mem>>) src(%arg11 : memref<80x64xf32, #tpu.memory_space<vmem>>) dst(%dma_wait3A_164 : memref<80x64xf32, #tpu.memory_space<vmem_shared>>)
        tpu.yield
      }) : () -> ()
    } else {
    }
    %barrier3A = arith.constant 0 : index
    tpu.barrier barrier_id(%barrier3A)
    %mul3A_26 = arith.constant 2000 : i32
    %mul3A_27 = arith.muli %arg0, %mul3A_26 : i32
    %mul3A_28 = arith.constant 125 : i32
    %mul3A_29 = arith.muli %arg1, %mul3A_28 : i32
    %add3A_30 = arith.addi %mul3A_27, %mul3A_29 : i32
    "tpu.region"() ({
      %run_scoped3A = tpu.sem_alloc : memref<!tpu.dma_semaphore, #tpu.memory_space<semaphore_mem>>
      %dma_start3A_155 = arith.constant 0 : i32
      %dma_start3A_156 = arith.constant 0 : i32
      %dma_start3A_157 = tpu.memref_slice %arg2[%add3A_30, %dma_start3A_155, %dma_start3A_156] : memref<4000x2x80xi32, #tpu.memory_space<hbm>> -> memref<1x2x80xi32, #tpu.memory_space<hbm>>
      %dma_start3A_158 = tpu.memref_squeeze %dma_start3A_157 : memref<1x2x80xi32, #tpu.memory_space<hbm>> -> memref<2x80xi32, #tpu.memory_space<hbm>>
      %dma_start3A_159 = arith.constant 0 : i32
      %dma_start3A_160 = arith.constant 0 : i32
      %dma_start3A_161 = tpu.memref_slice %arg2[%add3A_30, %dma_start3A_159, %dma_start3A_160] : memref<4000x2x80xi32, #tpu.memory_space<hbm>> -> memref<1x2x80xi32, #tpu.memory_space<hbm>>
      %dma_start3A_162 = tpu.memref_squeeze %dma_start3A_161 : memref<1x2x80xi32, #tpu.memory_space<hbm>> -> memref<2x80xi32, #tpu.memory_space<hbm>>
      tpu.enqueue_dma source(%dma_start3A_162 : memref<2x80xi32, #tpu.memory_space<hbm>>) target(%arg7 : memref<2x80xi32, #tpu.memory_space<vmem>>) target_semaphore(%run_scoped3A : memref<!tpu.dma_semaphore, #tpu.memory_space<semaphore_mem>>)
      %dma_wait3A_163 = arith.constant 0 : i32
      %dma_wait3A_164 = arith.constant 0 : i32
      %dma_wait3A_165 = tpu.memref_slice %arg2[%add3A_30, %dma_wait3A_163, %dma_wait3A_164] : memref<4000x2x80xi32, #tpu.memory_space<hbm>> -> memref<1x2x80xi32, #tpu.memory_space<hbm>>
      %dma_wait3A_166 = tpu.memref_squeeze %dma_wait3A_165 : memref<1x2x80xi32, #tpu.memory_space<hbm>> -> memref<2x80xi32, #tpu.memory_space<hbm>>
      %dma_wait3A_167 = arith.constant 0 : i32
      %dma_wait3A_168 = arith.constant 0 : i32
      %dma_wait3A_169 = tpu.memref_slice %arg2[%add3A_30, %dma_wait3A_167, %dma_wait3A_168] : memref<4000x2x80xi32, #tpu.memory_space<hbm>> -> memref<1x2x80xi32, #tpu.memory_space<hbm>>
      %dma_wait3A_170 = tpu.memref_squeeze %dma_wait3A_169 : memref<1x2x80xi32, #tpu.memory_space<hbm>> -> memref<2x80xi32, #tpu.memory_space<hbm>>
      tpu.wait_dma2 semaphore(%run_scoped3A : memref<!tpu.dma_semaphore, #tpu.memory_space<semaphore_mem>>) src(%dma_wait3A_170 : memref<2x80xi32, #tpu.memory_space<hbm>>) dst(%arg7 : memref<2x80xi32, #tpu.memory_space<vmem>>)
      tpu.yield
    }) : () -> ()
    %add3A_31 = arith.constant 1 : i32
    %add3A_32 = arith.addi %add3A_30, %add3A_31 : i32
    %dma_start3A = arith.constant 0 : i32
    %dma_start3A_33 = arith.constant 0 : i32
    %dma_start3A_34 = tpu.memref_slice %arg2[%add3A_32, %dma_start3A, %dma_start3A_33] : memref<4000x2x80xi32, #tpu.memory_space<hbm>> -> memref<1x2x80xi32, #tpu.memory_space<hbm>>
    %dma_start3A_35 = tpu.memref_squeeze %dma_start3A_34 : memref<1x2x80xi32, #tpu.memory_space<hbm>> -> memref<2x80xi32, #tpu.memory_space<hbm>>
    %dma_start3A_36 = arith.constant 0 : i32
    %dma_start3A_37 = arith.constant 0 : i32
    %dma_start3A_38 = tpu.memref_slice %arg2[%add3A_32, %dma_start3A_36, %dma_start3A_37] : memref<4000x2x80xi32, #tpu.memory_space<hbm>> -> memref<1x2x80xi32, #tpu.memory_space<hbm>>
    %dma_start3A_39 = tpu.memref_squeeze %dma_start3A_38 : memref<1x2x80xi32, #tpu.memory_space<hbm>> -> memref<2x80xi32, #tpu.memory_space<hbm>>
    tpu.enqueue_dma source(%dma_start3A_39 : memref<2x80xi32, #tpu.memory_space<hbm>>) target(%arg8 : memref<2x80xi32, #tpu.memory_space<vmem>>) target_semaphore(%arg14 : memref<!tpu.dma_semaphore, #tpu.memory_space<semaphore_mem>>)
    %dma_start3A_40 = arith.constant 0 : i32
    %dma_start3A_41 = arith.constant 0 : i32
    %dma_start3A_42 = arith.constant 0 : i32
    %dma_start3A_43 = tpu.memref_slice %arg11[%dma_start3A_41, %dma_start3A_42] : memref<80x64xf32, #tpu.memory_space<vmem>> -> memref<40x64xf32, #tpu.memory_space<vmem>>
    %dma_start3A_44 = arith.constant 0 : i32
    %dma_start3A_45 = tpu.memref_slice %arg7[%dma_start3A_40, %dma_start3A_44] : memref<2x80xi32, #tpu.memory_space<vmem>> -> memref<1x40xi32, #tpu.memory_space<vmem>>
    %dma_start3A_46 = tpu.memref_squeeze %dma_start3A_45 : memref<1x40xi32, #tpu.memory_space<vmem>> -> memref<40xi32, #tpu.memory_space<vmem>>
    %dma_start3A_47 = arith.constant 0 : i32
    %dma_start3A_48 = arith.constant 0 : i32
    %dma_start3A_49 = tpu.memref_slice %arg3[%dma_start3A_47, %dma_start3A_48] : memref<160000x64xf32, #tpu.memory_space<hbm>> -> memref<160000x64xf32, #tpu.memory_space<hbm>>
    tpu.enqueue_indirect_dma source(%dma_start3A_49 : memref<160000x64xf32, #tpu.memory_space<hbm>>) target(%dma_start3A_43 : memref<40x64xf32, #tpu.memory_space<vmem>>) offsets(%dma_start3A_46 : memref<40xi32, #tpu.memory_space<vmem>>) semaphore(%arg15 : memref<!tpu.dma_semaphore, #tpu.memory_space<semaphore_mem>>)
    %dma_start3A_50 = arith.constant 0 : i32
    %dma_start3A_51 = arith.constant 40 : i32
    %dma_start3A_52 = arith.constant 0 : i32
    %dma_start3A_53 = tpu.memref_slice %arg11[%dma_start3A_51, %dma_start3A_52] : memref<80x64xf32, #tpu.memory_space<vmem>> -> memref<40x64xf32, #tpu.memory_space<vmem>>
    %dma_start3A_54 = arith.constant 40 : i32
    %dma_start3A_55 = tpu.memref_slice %arg7[%dma_start3A_50, %dma_start3A_54] : memref<2x80xi32, #tpu.memory_space<vmem>> -> memref<1x40xi32, #tpu.memory_space<vmem>>
    %dma_start3A_56 = tpu.memref_squeeze %dma_start3A_55 : memref<1x40xi32, #tpu.memory_space<vmem>> -> memref<40xi32, #tpu.memory_space<vmem>>
    %dma_start3A_57 = arith.constant 0 : i32
    %dma_start3A_58 = arith.constant 0 : i32
    %dma_start3A_59 = tpu.memref_slice %arg3[%dma_start3A_57, %dma_start3A_58] : memref<160000x64xf32, #tpu.memory_space<hbm>> -> memref<160000x64xf32, #tpu.memory_space<hbm>>
    tpu.enqueue_indirect_dma source(%dma_start3A_59 : memref<160000x64xf32, #tpu.memory_space<hbm>>) target(%dma_start3A_53 : memref<40x64xf32, #tpu.memory_space<vmem>>) offsets(%dma_start3A_56 : memref<40xi32, #tpu.memory_space<vmem>>) semaphore(%arg15 : memref<!tpu.dma_semaphore, #tpu.memory_space<semaphore_mem>>)
    %scan3A_60 = arith.constant 0 : i32
    %scan3A_61 = arith.constant 0 : i32
    %scan3A_62 = arith.constant 62 : i32
    %scan3A_63 = arith.addi %scan3A_61, %scan3A_62 : i32
    %scan3A_64 = arith.constant 1 : i32
    scf.for %scan3A_155 = %scan3A_61 to %scan3A_63 step %scan3A_64  : i32 {
      %gt3A = arith.constant 0 : i32
      %gt3A_156 = arith.cmpi sgt, %scan3A_155, %gt3A : i32
      %convert_element_type3A_157 = arith.extui %gt3A_156 : i1 to i32
      %cond3A_158 = arith.constant 0 : i32
      %cond3A_159 = arith.cmpi ne, %convert_element_type3A_157, %cond3A_158 : i32
      scf.if %cond3A_159 {
        %dma_wait3A_379 = arith.constant 0 : i32
        %dma_wait3A_380 = arith.constant 0 : i32
        %dma_wait3A_381 = tpu.memref_slice %arg10[%dma_wait3A_379, %dma_wait3A_380] : memref<1x80xi32, #tpu.memory_space<vmem>> -> memref<1x80xi32, #tpu.memory_space<vmem>>
        %dma_wait3A_382 = tpu.memref_squeeze %dma_wait3A_381 : memref<1x80xi32, #tpu.memory_space<vmem>> -> memref<80xi32, #tpu.memory_space<vmem>>
        %dma_wait3A_383 = arith.constant 0 : i32
        %dma_wait3A_384 = arith.constant 0 : i32
        %dma_wait3A_385 = tpu.memref_slice %arg6[%dma_wait3A_383, %dma_wait3A_384] : memref<10000x64xf32, #tpu.memory_space<vmem_shared>> -> memref<10000x64xf32, #tpu.memory_space<vmem_shared>>
        tpu.wait_indirect_dma semaphore(%arg18 : memref<!tpu.dma_semaphore, #tpu.memory_space<semaphore_mem>>) src(%arg12 : memref<80x64xf32, #tpu.memory_space<vmem>>) dst(%dma_wait3A_385 : memref<10000x64xf32, #tpu.memory_space<vmem_shared>>)
      } else {
      }
      %add3A_160 = arith.constant 0 : i32
      %add3A_161 = arith.addi %add3A_30, %add3A_160 : i32
      %dma_wait3A_162 = arith.constant 0 : i32
      %dma_wait3A_163 = arith.constant 0 : i32
      %dma_wait3A_164 = tpu.memref_slice %arg2[%add3A_161, %dma_wait3A_162, %dma_wait3A_163] : memref<4000x2x80xi32, #tpu.memory_space<hbm>> -> memref<1x2x80xi32, #tpu.memory_space<hbm>>
      %dma_wait3A_165 = tpu.memref_squeeze %dma_wait3A_164 : memref<1x2x80xi32, #tpu.memory_space<hbm>> -> memref<2x80xi32, #tpu.memory_space<hbm>>
      %dma_wait3A_166 = arith.constant 0 : i32
      %dma_wait3A_167 = arith.constant 0 : i32
      %dma_wait3A_168 = tpu.memref_slice %arg2[%add3A_161, %dma_wait3A_166, %dma_wait3A_167] : memref<4000x2x80xi32, #tpu.memory_space<hbm>> -> memref<1x2x80xi32, #tpu.memory_space<hbm>>
      %dma_wait3A_169 = tpu.memref_squeeze %dma_wait3A_168 : memref<1x2x80xi32, #tpu.memory_space<hbm>> -> memref<2x80xi32, #tpu.memory_space<hbm>>
      tpu.wait_dma2 semaphore(%arg14 : memref<!tpu.dma_semaphore, #tpu.memory_space<semaphore_mem>>) src(%dma_wait3A_169 : memref<2x80xi32, #tpu.memory_space<hbm>>) dst(%arg8 : memref<2x80xi32, #tpu.memory_space<vmem>>)
      %dma_start3A_170 = arith.constant 0 : i32
      %dma_start3A_171 = arith.constant 0 : i32
      %dma_start3A_172 = arith.constant 0 : i32
      %dma_start3A_173 = tpu.memref_slice %arg12[%dma_start3A_171, %dma_start3A_172] : memref<80x64xf32, #tpu.memory_space<vmem>> -> memref<40x64xf32, #tpu.memory_space<vmem>>
      %dma_start3A_174 = arith.constant 0 : i32
      %dma_start3A_175 = tpu.memref_slice %arg8[%dma_start3A_170, %dma_start3A_174] : memref<2x80xi32, #tpu.memory_space<vmem>> -> memref<1x40xi32, #tpu.memory_space<vmem>>
      %dma_start3A_176 = tpu.memref_squeeze %dma_start3A_175 : memref<1x40xi32, #tpu.memory_space<vmem>> -> memref<40xi32, #tpu.memory_space<vmem>>
      %dma_start3A_177 = arith.constant 0 : i32
      %dma_start3A_178 = arith.constant 0 : i32
      %dma_start3A_179 = tpu.memref_slice %arg3[%dma_start3A_177, %dma_start3A_178] : memref<160000x64xf32, #tpu.memory_space<hbm>> -> memref<160000x64xf32, #tpu.memory_space<hbm>>
      tpu.enqueue_indirect_dma source(%dma_start3A_179 : memref<160000x64xf32, #tpu.memory_space<hbm>>) target(%dma_start3A_173 : memref<40x64xf32, #tpu.memory_space<vmem>>) offsets(%dma_start3A_176 : memref<40xi32, #tpu.memory_space<vmem>>) semaphore(%arg16 : memref<!tpu.dma_semaphore, #tpu.memory_space<semaphore_mem>>)
      %dma_start3A_180 = arith.constant 0 : i32
      %dma_start3A_181 = arith.constant 40 : i32
      %dma_start3A_182 = arith.constant 0 : i32
      %dma_start3A_183 = tpu.memref_slice %arg12[%dma_start3A_181, %dma_start3A_182] : memref<80x64xf32, #tpu.memory_space<vmem>> -> memref<40x64xf32, #tpu.memory_space<vmem>>
      %dma_start3A_184 = arith.constant 40 : i32
      %dma_start3A_185 = tpu.memref_slice %arg8[%dma_start3A_180, %dma_start3A_184] : memref<2x80xi32, #tpu.memory_space<vmem>> -> memref<1x40xi32, #tpu.memory_space<vmem>>
      %dma_start3A_186 = tpu.memref_squeeze %dma_start3A_185 : memref<1x40xi32, #tpu.memory_space<vmem>> -> memref<40xi32, #tpu.memory_space<vmem>>
      %dma_start3A_187 = arith.constant 0 : i32
      %dma_start3A_188 = arith.constant 0 : i32
      %dma_start3A_189 = tpu.memref_slice %arg3[%dma_start3A_187, %dma_start3A_188] : memref<160000x64xf32, #tpu.memory_space<hbm>> -> memref<160000x64xf32, #tpu.memory_space<hbm>>
      tpu.enqueue_indirect_dma source(%dma_start3A_189 : memref<160000x64xf32, #tpu.memory_space<hbm>>) target(%dma_start3A_183 : memref<40x64xf32, #tpu.memory_space<vmem>>) offsets(%dma_start3A_186 : memref<40xi32, #tpu.memory_space<vmem>>) semaphore(%arg16 : memref<!tpu.dma_semaphore, #tpu.memory_space<semaphore_mem>>)
      %dma_wait3A_190 = arith.constant 0 : i32
      %dma_wait3A_191 = arith.constant 0 : i32
      %dma_wait3A_192 = arith.constant 0 : i32
      %dma_wait3A_193 = tpu.memref_slice %arg11[%dma_wait3A_191, %dma_wait3A_192] : memref<80x64xf32, #tpu.memory_space<vmem>> -> memref<40x64xf32, #tpu.memory_space<vmem>>
      %dma_wait3A_194 = arith.constant 0 : i32
      %dma_wait3A_195 = tpu.memref_slice %arg7[%dma_wait3A_190, %dma_wait3A_194] : memref<2x80xi32, #tpu.memory_space<vmem>> -> memref<1x40xi32, #tpu.memory_space<vmem>>
      %dma_wait3A_196 = tpu.memref_squeeze %dma_wait3A_195 : memref<1x40xi32, #tpu.memory_space<vmem>> -> memref<40xi32, #tpu.memory_space<vmem>>
      %dma_wait3A_197 = arith.constant 0 : i32
      %dma_wait3A_198 = arith.constant 0 : i32
      %dma_wait3A_199 = tpu.memref_slice %arg3[%dma_wait3A_197, %dma_wait3A_198] : memref<160000x64xf32, #tpu.memory_space<hbm>> -> memref<160000x64xf32, #tpu.memory_space<hbm>>
      tpu.wait_indirect_dma semaphore(%arg15 : memref<!tpu.dma_semaphore, #tpu.memory_space<semaphore_mem>>) src(%dma_wait3A_199 : memref<160000x64xf32, #tpu.memory_space<hbm>>) dst(%dma_wait3A_193 : memref<40x64xf32, #tpu.memory_space<vmem>>)
      %dma_wait3A_200 = arith.constant 0 : i32
      %dma_wait3A_201 = arith.constant 40 : i32
      %dma_wait3A_202 = arith.constant 0 : i32
      %dma_wait3A_203 = tpu.memref_slice %arg11[%dma_wait3A_201, %dma_wait3A_202] : memref<80x64xf32, #tpu.memory_space<vmem>> -> memref<40x64xf32, #tpu.memory_space<vmem>>
      %dma_wait3A_204 = arith.constant 40 : i32
      %dma_wait3A_205 = tpu.memref_slice %arg7[%dma_wait3A_200, %dma_wait3A_204] : memref<2x80xi32, #tpu.memory_space<vmem>> -> memref<1x40xi32, #tpu.memory_space<vmem>>
      %dma_wait3A_206 = tpu.memref_squeeze %dma_wait3A_205 : memref<1x40xi32, #tpu.memory_space<vmem>> -> memref<40xi32, #tpu.memory_space<vmem>>
      %dma_wait3A_207 = arith.constant 0 : i32
      %dma_wait3A_208 = arith.constant 0 : i32
      %dma_wait3A_209 = tpu.memref_slice %arg3[%dma_wait3A_207, %dma_wait3A_208] : memref<160000x64xf32, #tpu.memory_space<hbm>> -> memref<160000x64xf32, #tpu.memory_space<hbm>>
      tpu.wait_indirect_dma semaphore(%arg15 : memref<!tpu.dma_semaphore, #tpu.memory_space<semaphore_mem>>) src(%dma_wait3A_209 : memref<160000x64xf32, #tpu.memory_space<hbm>>) dst(%dma_wait3A_203 : memref<40x64xf32, #tpu.memory_space<vmem>>)
      %get3A_210 = arith.constant 1 : i32
      %get3A_211 = arith.index_cast %get3A_210 : i32 to index
      %get3A_212 = arith.constant 0 : index
      %get3A_213 = tpu.vector_load %arg7[%get3A_211, %get3A_212] {strides = array<i32>} : memref<2x80xi32, #tpu.memory_space<vmem>>, vector<16xi32>,
      %swap3A_214 = arith.constant 0 : i32
      %swap3A_215 = arith.index_cast %swap3A_214 : i32 to index
      %swap3A_216 = arith.constant 0 : index
      %swap3A_217 = tpu.vector_load %arg9[%swap3A_215, %swap3A_216] {strides = array<i32>} : memref<1x80xi32, #tpu.memory_space<vmem>>, vector<16xi32>,
      tpu.vector_store %arg9[%swap3A_215, %swap3A_216], %get3A_213 {strides = array<i32>} : memref<1x80xi32, #tpu.memory_space<vmem>>, vector<16xi32>,
      %get3A_218 = arith.constant 1 : i32
      %get3A_219 = arith.index_cast %get3A_218 : i32 to index
      %get3A_220 = arith.constant 16 : index
      %get3A_221 = tpu.vector_load %arg7[%get3A_219, %get3A_220] {strides = array<i32>} : memref<2x80xi32, #tpu.memory_space<vmem>>, vector<16xi32>,
      %swap3A_222 = arith.constant 0 : i32
      %swap3A_223 = arith.index_cast %swap3A_222 : i32 to index
      %swap3A_224 = arith.constant 16 : index
      %swap3A_225 = tpu.vector_load %arg9[%swap3A_223, %swap3A_224] {strides = array<i32>} : memref<1x80xi32, #tpu.memory_space<vmem>>, vector<16xi32>,
      tpu.vector_store %arg9[%swap3A_223, %swap3A_224], %get3A_221 {strides = array<i32>} : memref<1x80xi32, #tpu.memory_space<vmem>>, vector<16xi32>,
      %get3A_226 = arith.constant 1 : i32
      %get3A_227 = arith.index_cast %get3A_226 : i32 to index
      %get3A_228 = arith.constant 32 : index
      %get3A_229 = tpu.vector_load %arg7[%get3A_227, %get3A_228] {strides = array<i32>} : memref<2x80xi32, #tpu.memory_space<vmem>>, vector<16xi32>,
      %swap3A_230 = arith.constant 0 : i32
      %swap3A_231 = arith.index_cast %swap3A_230 : i32 to index
      %swap3A_232 = arith.constant 32 : index
      %swap3A_233 = tpu.vector_load %arg9[%swap3A_231, %swap3A_232] {strides = array<i32>} : memref<1x80xi32, #tpu.memory_space<vmem>>, vector<16xi32>,
      tpu.vector_store %arg9[%swap3A_231, %swap3A_232], %get3A_229 {strides = array<i32>} : memref<1x80xi32, #tpu.memory_space<vmem>>, vector<16xi32>,
      %get3A_234 = arith.constant 1 : i32
      %get3A_235 = arith.index_cast %get3A_234 : i32 to index
      %get3A_236 = arith.constant 48 : index
      %get3A_237 = tpu.vector_load %arg7[%get3A_235, %get3A_236] {strides = array<i32>} : memref<2x80xi32, #tpu.memory_space<vmem>>, vector<16xi32>,
      %swap3A_238 = arith.constant 0 : i32
      %swap3A_239 = arith.index_cast %swap3A_238 : i32 to index
      %swap3A_240 = arith.constant 48 : index
      %swap3A_241 = tpu.vector_load %arg9[%swap3A_239, %swap3A_240] {strides = array<i32>} : memref<1x80xi32, #tpu.memory_space<vmem>>, vector<16xi32>,
      tpu.vector_store %arg9[%swap3A_239, %swap3A_240], %get3A_237 {strides = array<i32>} : memref<1x80xi32, #tpu.memory_space<vmem>>, vector<16xi32>,
      %get3A_242 = arith.constant 1 : i32
      %get3A_243 = arith.index_cast %get3A_242 : i32 to index
      %get3A_244 = arith.constant 64 : index
      %get3A_245 = tpu.vector_load %arg7[%get3A_243, %get3A_244] {strides = array<i32>} : memref<2x80xi32, #tpu.memory_space<vmem>>, vector<16xi32>,
      %swap3A_246 = arith.constant 0 : i32
      %swap3A_247 = arith.index_cast %swap3A_246 : i32 to index
      %swap3A_248 = arith.constant 64 : index
      %swap3A_249 = tpu.vector_load %arg9[%swap3A_247, %swap3A_248] {strides = array<i32>} : memref<1x80xi32, #tpu.memory_space<vmem>>, vector<16xi32>,
      tpu.vector_store %arg9[%swap3A_247, %swap3A_248], %get3A_245 {strides = array<i32>} : memref<1x80xi32, #tpu.memory_space<vmem>>, vector<16xi32>,
      %mul3A_250 = arith.constant 2 : i32
      %mul3A_251 = arith.muli %mul3A_250, %scan3A_155 : i32
      %add3A_252 = arith.constant 2 : i32
      %add3A_253 = arith.addi %mul3A_251, %add3A_252 : i32
      %add3A_254 = arith.addi %add3A_30, %add3A_253 : i32
      %dma_start3A_255 = arith.constant 0 : i32
      %dma_start3A_256 = arith.constant 0 : i32
      %dma_start3A_257 = tpu.memref_slice %arg2[%add3A_254, %dma_start3A_255, %dma_start3A_256] : memref<4000x2x80xi32, #tpu.memory_space<hbm>> -> memref<1x2x80xi32, #tpu.memory_space<hbm>>
      %dma_start3A_258 = tpu.memref_squeeze %dma_start3A_257 : memref<1x2x80xi32, #tpu.memory_space<hbm>> -> memref<2x80xi32, #tpu.memory_space<hbm>>
      %dma_start3A_259 = arith.constant 0 : i32
      %dma_start3A_260 = arith.constant 0 : i32
      %dma_start3A_261 = tpu.memref_slice %arg2[%add3A_254, %dma_start3A_259, %dma_start3A_260] : memref<4000x2x80xi32, #tpu.memory_space<hbm>> -> memref<1x2x80xi32, #tpu.memory_space<hbm>>
      %dma_start3A_262 = tpu.memref_squeeze %dma_start3A_261 : memref<1x2x80xi32, #tpu.memory_space<hbm>> -> memref<2x80xi32, #tpu.memory_space<hbm>>
      tpu.enqueue_dma source(%dma_start3A_262 : memref<2x80xi32, #tpu.memory_space<hbm>>) target(%arg7 : memref<2x80xi32, #tpu.memory_space<vmem>>) target_semaphore(%arg13 : memref<!tpu.dma_semaphore, #tpu.memory_space<semaphore_mem>>)
      %dma_start3A_263 = arith.constant 0 : i32
      %dma_start3A_264 = arith.constant 0 : i32
      %dma_start3A_265 = tpu.memref_slice %arg9[%dma_start3A_263, %dma_start3A_264] : memref<1x80xi32, #tpu.memory_space<vmem>> -> memref<1x80xi32, #tpu.memory_space<vmem>>
      %dma_start3A_266 = tpu.memref_squeeze %dma_start3A_265 : memref<1x80xi32, #tpu.memory_space<vmem>> -> memref<80xi32, #tpu.memory_space<vmem>>
      %dma_start3A_267 = arith.constant 0 : i32
      %dma_start3A_268 = arith.constant 0 : i32
      %dma_start3A_269 = tpu.memref_slice %arg6[%dma_start3A_267, %dma_start3A_268] : memref<10000x64xf32, #tpu.memory_space<vmem_shared>> -> memref<10000x64xf32, #tpu.memory_space<vmem_shared>>
      tpu.enqueue_indirect_dma source(%arg11 : memref<80x64xf32, #tpu.memory_space<vmem>>) target(%dma_start3A_269 : memref<10000x64xf32, #tpu.memory_space<vmem_shared>>) offsets(%dma_start3A_266 : memref<80xi32, #tpu.memory_space<vmem>>) semaphore(%arg17 : memref<!tpu.dma_semaphore, #tpu.memory_space<semaphore_mem>>) {add = true}
      %dma_wait3A_270 = arith.constant 0 : i32
      %dma_wait3A_271 = arith.constant 0 : i32
      %dma_wait3A_272 = tpu.memref_slice %arg9[%dma_wait3A_270, %dma_wait3A_271] : memref<1x80xi32, #tpu.memory_space<vmem>> -> memref<1x80xi32, #tpu.memory_space<vmem>>
      %dma_wait3A_273 = tpu.memref_squeeze %dma_wait3A_272 : memref<1x80xi32, #tpu.memory_space<vmem>> -> memref<80xi32, #tpu.memory_space<vmem>>
      %dma_wait3A_274 = arith.constant 0 : i32
      %dma_wait3A_275 = arith.constant 0 : i32
      %dma_wait3A_276 = tpu.memref_slice %arg6[%dma_wait3A_274, %dma_wait3A_275] : memref<10000x64xf32, #tpu.memory_space<vmem_shared>> -> memref<10000x64xf32, #tpu.memory_space<vmem_shared>>
      tpu.wait_indirect_dma semaphore(%arg17 : memref<!tpu.dma_semaphore, #tpu.memory_space<semaphore_mem>>) src(%arg11 : memref<80x64xf32, #tpu.memory_space<vmem>>) dst(%dma_wait3A_276 : memref<10000x64xf32, #tpu.memory_space<vmem_shared>>)
      %add3A_277 = arith.constant 0 : i32
      %add3A_278 = arith.addi %add3A_30, %add3A_277 : i32
      %dma_wait3A_279 = arith.constant 0 : i32
      %dma_wait3A_280 = arith.constant 0 : i32
      %dma_wait3A_281 = tpu.memref_slice %arg2[%add3A_278, %dma_wait3A_279, %dma_wait3A_280] : memref<4000x2x80xi32, #tpu.memory_space<hbm>> -> memref<1x2x80xi32, #tpu.memory_space<hbm>>
      %dma_wait3A_282 = tpu.memref_squeeze %dma_wait3A_281 : memref<1x2x80xi32, #tpu.memory_space<hbm>> -> memref<2x80xi32, #tpu.memory_space<hbm>>
      %dma_wait3A_283 = arith.constant 0 : i32
      %dma_wait3A_284 = arith.constant 0 : i32
      %dma_wait3A_285 = tpu.memref_slice %arg2[%add3A_278, %dma_wait3A_283, %dma_wait3A_284] : memref<4000x2x80xi32, #tpu.memory_space<hbm>> -> memref<1x2x80xi32, #tpu.memory_space<hbm>>
      %dma_wait3A_286 = tpu.memref_squeeze %dma_wait3A_285 : memref<1x2x80xi32, #tpu.memory_space<hbm>> -> memref<2x80xi32, #tpu.memory_space<hbm>>
      tpu.wait_dma2 semaphore(%arg13 : memref<!tpu.dma_semaphore, #tpu.memory_space<semaphore_mem>>) src(%dma_wait3A_286 : memref<2x80xi32, #tpu.memory_space<hbm>>) dst(%arg7 : memref<2x80xi32, #tpu.memory_space<vmem>>)
      %dma_start3A_287 = arith.constant 0 : i32
      %dma_start3A_288 = arith.constant 0 : i32
      %dma_start3A_289 = arith.constant 0 : i32
      %dma_start3A_290 = tpu.memref_slice %arg11[%dma_start3A_288, %dma_start3A_289] : memref<80x64xf32, #tpu.memory_space<vmem>> -> memref<40x64xf32, #tpu.memory_space<vmem>>
      %dma_start3A_291 = arith.constant 0 : i32
      %dma_start3A_292 = tpu.memref_slice %arg7[%dma_start3A_287, %dma_start3A_291] : memref<2x80xi32, #tpu.memory_space<vmem>> -> memref<1x40xi32, #tpu.memory_space<vmem>>
      %dma_start3A_293 = tpu.memref_squeeze %dma_start3A_292 : memref<1x40xi32, #tpu.memory_space<vmem>> -> memref<40xi32, #tpu.memory_space<vmem>>
      %dma_start3A_294 = arith.constant 0 : i32
      %dma_start3A_295 = arith.constant 0 : i32
      %dma_start3A_296 = tpu.memref_slice %arg3[%dma_start3A_294, %dma_start3A_295] : memref<160000x64xf32, #tpu.memory_space<hbm>> -> memref<160000x64xf32, #tpu.memory_space<hbm>>
      tpu.enqueue_indirect_dma source(%dma_start3A_296 : memref<160000x64xf32, #tpu.memory_space<hbm>>) target(%dma_start3A_290 : memref<40x64xf32, #tpu.memory_space<vmem>>) offsets(%dma_start3A_293 : memref<40xi32, #tpu.memory_space<vmem>>) semaphore(%arg15 : memref<!tpu.dma_semaphore, #tpu.memory_space<semaphore_mem>>)
      %dma_start3A_297 = arith.constant 0 : i32
      %dma_start3A_298 = arith.constant 40 : i32
      %dma_start3A_299 = arith.constant 0 : i32
      %dma_start3A_300 = tpu.memref_slice %arg11[%dma_start3A_298, %dma_start3A_299] : memref<80x64xf32, #tpu.memory_space<vmem>> -> memref<40x64xf32, #tpu.memory_space<vmem>>
      %dma_start3A_301 = arith.constant 40 : i32
      %dma_start3A_302 = tpu.memref_slice %arg7[%dma_start3A_297, %dma_start3A_301] : memref<2x80xi32, #tpu.memory_space<vmem>> -> memref<1x40xi32, #tpu.memory_space<vmem>>
      %dma_start3A_303 = tpu.memref_squeeze %dma_start3A_302 : memref<1x40xi32, #tpu.memory_space<vmem>> -> memref<40xi32, #tpu.memory_space<vmem>>
      %dma_start3A_304 = arith.constant 0 : i32
      %dma_start3A_305 = arith.constant 0 : i32
      %dma_start3A_306 = tpu.memref_slice %arg3[%dma_start3A_304, %dma_start3A_305] : memref<160000x64xf32, #tpu.memory_space<hbm>> -> memref<160000x64xf32, #tpu.memory_space<hbm>>
      tpu.enqueue_indirect_dma source(%dma_start3A_306 : memref<160000x64xf32, #tpu.memory_space<hbm>>) target(%dma_start3A_300 : memref<40x64xf32, #tpu.memory_space<vmem>>) offsets(%dma_start3A_303 : memref<40xi32, #tpu.memory_space<vmem>>) semaphore(%arg15 : memref<!tpu.dma_semaphore, #tpu.memory_space<semaphore_mem>>)
      %dma_wait3A_307 = arith.constant 0 : i32
      %dma_wait3A_308 = arith.constant 0 : i32
      %dma_wait3A_309 = arith.constant 0 : i32
      %dma_wait3A_310 = tpu.memref_slice %arg12[%dma_wait3A_308, %dma_wait3A_309] : memref<80x64xf32, #tpu.memory_space<vmem>> -> memref<40x64xf32, #tpu.memory_space<vmem>>
      %dma_wait3A_311 = arith.constant 0 : i32
      %dma_wait3A_312 = tpu.memref_slice %arg8[%dma_wait3A_307, %dma_wait3A_311] : memref<2x80xi32, #tpu.memory_space<vmem>> -> memref<1x40xi32, #tpu.memory_space<vmem>>
      %dma_wait3A_313 = tpu.memref_squeeze %dma_wait3A_312 : memref<1x40xi32, #tpu.memory_space<vmem>> -> memref<40xi32, #tpu.memory_space<vmem>>
      %dma_wait3A_314 = arith.constant 0 : i32
      %dma_wait3A_315 = arith.constant 0 : i32
      %dma_wait3A_316 = tpu.memref_slice %arg3[%dma_wait3A_314, %dma_wait3A_315] : memref<160000x64xf32, #tpu.memory_space<hbm>> -> memref<160000x64xf32, #tpu.memory_space<hbm>>
      tpu.wait_indirect_dma semaphore(%arg16 : memref<!tpu.dma_semaphore, #tpu.memory_space<semaphore_mem>>) src(%dma_wait3A_316 : memref<160000x64xf32, #tpu.memory_space<hbm>>) dst(%dma_wait3A_310 : memref<40x64xf32, #tpu.memory_space<vmem>>)
      %dma_wait3A_317 = arith.constant 0 : i32
      %dma_wait3A_318 = arith.constant 40 : i32
      %dma_wait3A_319 = arith.constant 0 : i32
      %dma_wait3A_320 = tpu.memref_slice %arg12[%dma_wait3A_318, %dma_wait3A_319] : memref<80x64xf32, #tpu.memory_space<vmem>> -> memref<40x64xf32, #tpu.memory_space<vmem>>
      %dma_wait3A_321 = arith.constant 40 : i32
      %dma_wait3A_322 = tpu.memref_slice %arg8[%dma_wait3A_317, %dma_wait3A_321] : memref<2x80xi32, #tpu.memory_space<vmem>> -> memref<1x40xi32, #tpu.memory_space<vmem>>
      %dma_wait3A_323 = tpu.memref_squeeze %dma_wait3A_322 : memref<1x40xi32, #tpu.memory_space<vmem>> -> memref<40xi32, #tpu.memory_space<vmem>>
      %dma_wait3A_324 = arith.constant 0 : i32
      %dma_wait3A_325 = arith.constant 0 : i32
      %dma_wait3A_326 = tpu.memref_slice %arg3[%dma_wait3A_324, %dma_wait3A_325] : memref<160000x64xf32, #tpu.memory_space<hbm>> -> memref<160000x64xf32, #tpu.memory_space<hbm>>
      tpu.wait_indirect_dma semaphore(%arg16 : memref<!tpu.dma_semaphore, #tpu.memory_space<semaphore_mem>>) src(%dma_wait3A_326 : memref<160000x64xf32, #tpu.memory_space<hbm>>) dst(%dma_wait3A_320 : memref<40x64xf32, #tpu.memory_space<vmem>>)
      %get3A_327 = arith.constant 1 : i32
      %get3A_328 = arith.index_cast %get3A_327 : i32 to index
      %get3A_329 = arith.constant 0 : index
      %get3A_330 = tpu.vector_load %arg8[%get3A_328, %get3A_329] {strides = array<i32>} : memref<2x80xi32, #tpu.memory_space<vmem>>, vector<16xi32>,
      %swap3A_331 = arith.constant 0 : i32
      %swap3A_332 = arith.index_cast %swap3A_331 : i32 to index
      %swap3A_333 = arith.constant 0 : index
      %swap3A_334 = tpu.vector_load %arg10[%swap3A_332, %swap3A_333] {strides = array<i32>} : memref<1x80xi32, #tpu.memory_space<vmem>>, vector<16xi32>,
      tpu.vector_store %arg10[%swap3A_332, %swap3A_333], %get3A_330 {strides = array<i32>} : memref<1x80xi32, #tpu.memory_space<vmem>>, vector<16xi32>,
      %get3A_335 = arith.constant 1 : i32
      %get3A_336 = arith.index_cast %get3A_335 : i32 to index
      %get3A_337 = arith.constant 16 : index
      %get3A_338 = tpu.vector_load %arg8[%get3A_336, %get3A_337] {strides = array<i32>} : memref<2x80xi32, #tpu.memory_space<vmem>>, vector<16xi32>,
      %swap3A_339 = arith.constant 0 : i32
      %swap3A_340 = arith.index_cast %swap3A_339 : i32 to index
      %swap3A_341 = arith.constant 16 : index
      %swap3A_342 = tpu.vector_load %arg10[%swap3A_340, %swap3A_341] {strides = array<i32>} : memref<1x80xi32, #tpu.memory_space<vmem>>, vector<16xi32>,
      tpu.vector_store %arg10[%swap3A_340, %swap3A_341], %get3A_338 {strides = array<i32>} : memref<1x80xi32, #tpu.memory_space<vmem>>, vector<16xi32>,
      %get3A_343 = arith.constant 1 : i32
      %get3A_344 = arith.index_cast %get3A_343 : i32 to index
      %get3A_345 = arith.constant 32 : index
      %get3A_346 = tpu.vector_load %arg8[%get3A_344, %get3A_345] {strides = array<i32>} : memref<2x80xi32, #tpu.memory_space<vmem>>, vector<16xi32>,
      %swap3A_347 = arith.constant 0 : i32
      %swap3A_348 = arith.index_cast %swap3A_347 : i32 to index
      %swap3A_349 = arith.constant 32 : index
      %swap3A_350 = tpu.vector_load %arg10[%swap3A_348, %swap3A_349] {strides = array<i32>} : memref<1x80xi32, #tpu.memory_space<vmem>>, vector<16xi32>,
      tpu.vector_store %arg10[%swap3A_348, %swap3A_349], %get3A_346 {strides = array<i32>} : memref<1x80xi32, #tpu.memory_space<vmem>>, vector<16xi32>,
      %get3A_351 = arith.constant 1 : i32
      %get3A_352 = arith.index_cast %get3A_351 : i32 to index
      %get3A_353 = arith.constant 48 : index
      %get3A_354 = tpu.vector_load %arg8[%get3A_352, %get3A_353] {strides = array<i32>} : memref<2x80xi32, #tpu.memory_space<vmem>>, vector<16xi32>,
      %swap3A_355 = arith.constant 0 : i32
      %swap3A_356 = arith.index_cast %swap3A_355 : i32 to index
      %swap3A_357 = arith.constant 48 : index
      %swap3A_358 = tpu.vector_load %arg10[%swap3A_356, %swap3A_357] {strides = array<i32>} : memref<1x80xi32, #tpu.memory_space<vmem>>, vector<16xi32>,
      tpu.vector_store %arg10[%swap3A_356, %swap3A_357], %get3A_354 {strides = array<i32>} : memref<1x80xi32, #tpu.memory_space<vmem>>, vector<16xi32>,
      %get3A_359 = arith.constant 1 : i32
      %get3A_360 = arith.index_cast %get3A_359 : i32 to index
      %get3A_361 = arith.constant 64 : index
      %get3A_362 = tpu.vector_load %arg8[%get3A_360, %get3A_361] {strides = array<i32>} : memref<2x80xi32, #tpu.memory_space<vmem>>, vector<16xi32>,
      %swap3A_363 = arith.constant 0 : i32
      %swap3A_364 = arith.index_cast %swap3A_363 : i32 to index
      %swap3A_365 = arith.constant 64 : index
      %swap3A_366 = tpu.vector_load %arg10[%swap3A_364, %swap3A_365] {strides = array<i32>} : memref<1x80xi32, #tpu.memory_space<vmem>>, vector<16xi32>,
      tpu.vector_store %arg10[%swap3A_364, %swap3A_365], %get3A_362 {strides = array<i32>} : memref<1x80xi32, #tpu.memory_space<vmem>>, vector<16xi32>,
      %lt3A_367 = arith.constant 61 : i32
      %lt3A_368 = arith.cmpi slt, %scan3A_155, %lt3A_367 : i32
      %convert_element_type3A_369 = arith.extui %lt3A_368 : i1 to i32
      %cond3A_370 = arith.constant 0 : i32
      %cond3A_371 = arith.cmpi ne, %convert_element_type3A_369, %cond3A_370 : i32
      scf.if %cond3A_371 {
        %mul3A_379 = arith.constant 2 : i32
        %mul3A_380 = arith.muli %mul3A_379, %scan3A_155 : i32
        %add3A_381 = arith.constant 3 : i32
        %add3A_382 = arith.addi %mul3A_380, %add3A_381 : i32
        %add3A_383 = arith.addi %add3A_30, %add3A_382 : i32
        %dma_start3A_384 = arith.constant 0 : i32
        %dma_start3A_385 = arith.constant 0 : i32
        %dma_start3A_386 = tpu.memref_slice %arg2[%add3A_383, %dma_start3A_384, %dma_start3A_385] : memref<4000x2x80xi32, #tpu.memory_space<hbm>> -> memref<1x2x80xi32, #tpu.memory_space<hbm>>
        %dma_start3A_387 = tpu.memref_squeeze %dma_start3A_386 : memref<1x2x80xi32, #tpu.memory_space<hbm>> -> memref<2x80xi32, #tpu.memory_space<hbm>>
        %dma_start3A_388 = arith.constant 0 : i32
        %dma_start3A_389 = arith.constant 0 : i32
        %dma_start3A_390 = tpu.memref_slice %arg2[%add3A_383, %dma_start3A_388, %dma_start3A_389] : memref<4000x2x80xi32, #tpu.memory_space<hbm>> -> memref<1x2x80xi32, #tpu.memory_space<hbm>>
        %dma_start3A_391 = tpu.memref_squeeze %dma_start3A_390 : memref<1x2x80xi32, #tpu.memory_space<hbm>> -> memref<2x80xi32, #tpu.memory_space<hbm>>
        tpu.enqueue_dma source(%dma_start3A_391 : memref<2x80xi32, #tpu.memory_space<hbm>>) target(%arg8 : memref<2x80xi32, #tpu.memory_space<vmem>>) target_semaphore(%arg14 : memref<!tpu.dma_semaphore, #tpu.memory_space<semaphore_mem>>)
      } else {
      }
      %dma_start3A_372 = arith.constant 0 : i32
      %dma_start3A_373 = arith.constant 0 : i32
      %dma_start3A_374 = tpu.memref_slice %arg10[%dma_start3A_372, %dma_start3A_373] : memref<1x80xi32, #tpu.memory_space<vmem>> -> memref<1x80xi32, #tpu.memory_space<vmem>>
      %dma_start3A_375 = tpu.memref_squeeze %dma_start3A_374 : memref<1x80xi32, #tpu.memory_space<vmem>> -> memref<80xi32, #tpu.memory_space<vmem>>
      %dma_start3A_376 = arith.constant 0 : i32
      %dma_start3A_377 = arith.constant 0 : i32
      %dma_start3A_378 = tpu.memref_slice %arg6[%dma_start3A_376, %dma_start3A_377] : memref<10000x64xf32, #tpu.memory_space<vmem_shared>> -> memref<10000x64xf32, #tpu.memory_space<vmem_shared>>
      tpu.enqueue_indirect_dma source(%arg12 : memref<80x64xf32, #tpu.memory_space<vmem>>) target(%dma_start3A_378 : memref<10000x64xf32, #tpu.memory_space<vmem_shared>>) offsets(%dma_start3A_375 : memref<80xi32, #tpu.memory_space<vmem>>) semaphore(%arg18 : memref<!tpu.dma_semaphore, #tpu.memory_space<semaphore_mem>>) {add = true}
    }
    %scan3A_65 = arith.constant 62 : i32
    %dma_wait3A = arith.constant 0 : i32
    %dma_wait3A_66 = arith.constant 0 : i32
    %dma_wait3A_67 = tpu.memref_slice %arg10[%dma_wait3A, %dma_wait3A_66] : memref<1x80xi32, #tpu.memory_space<vmem>> -> memref<1x80xi32, #tpu.memory_space<vmem>>
    %dma_wait3A_68 = tpu.memref_squeeze %dma_wait3A_67 : memref<1x80xi32, #tpu.memory_space<vmem>> -> memref<80xi32, #tpu.memory_space<vmem>>
    %dma_wait3A_69 = arith.constant 0 : i32
    %dma_wait3A_70 = arith.constant 0 : i32
    %dma_wait3A_71 = tpu.memref_slice %arg6[%dma_wait3A_69, %dma_wait3A_70] : memref<10000x64xf32, #tpu.memory_space<vmem_shared>> -> memref<10000x64xf32, #tpu.memory_space<vmem_shared>>
    tpu.wait_indirect_dma semaphore(%arg18 : memref<!tpu.dma_semaphore, #tpu.memory_space<semaphore_mem>>) src(%arg12 : memref<80x64xf32, #tpu.memory_space<vmem>>) dst(%dma_wait3A_71 : memref<10000x64xf32, #tpu.memory_space<vmem_shared>>)
    %dma_wait3A_72 = arith.constant 0 : i32
    %dma_wait3A_73 = arith.constant 0 : i32
    %dma_wait3A_74 = arith.constant 0 : i32
    %dma_wait3A_75 = tpu.memref_slice %arg11[%dma_wait3A_73, %dma_wait3A_74] : memref<80x64xf32, #tpu.memory_space<vmem>> -> memref<40x64xf32, #tpu.memory_space<vmem>>
    %dma_wait3A_76 = arith.constant 0 : i32
    %dma_wait3A_77 = tpu.memref_slice %arg7[%dma_wait3A_72, %dma_wait3A_76] : memref<2x80xi32, #tpu.memory_space<vmem>> -> memref<1x40xi32, #tpu.memory_space<vmem>>
    %dma_wait3A_78 = tpu.memref_squeeze %dma_wait3A_77 : memref<1x40xi32, #tpu.memory_space<vmem>> -> memref<40xi32, #tpu.memory_space<vmem>>
    %dma_wait3A_79 = arith.constant 0 : i32
    %dma_wait3A_80 = arith.constant 0 : i32
    %dma_wait3A_81 = tpu.memref_slice %arg3[%dma_wait3A_79, %dma_wait3A_80] : memref<160000x64xf32, #tpu.memory_space<hbm>> -> memref<160000x64xf32, #tpu.memory_space<hbm>>
    tpu.wait_indirect_dma semaphore(%arg15 : memref<!tpu.dma_semaphore, #tpu.memory_space<semaphore_mem>>) src(%dma_wait3A_81 : memref<160000x64xf32, #tpu.memory_space<hbm>>) dst(%dma_wait3A_75 : memref<40x64xf32, #tpu.memory_space<vmem>>)
    %dma_wait3A_82 = arith.constant 0 : i32
    %dma_wait3A_83 = arith.constant 40 : i32
    %dma_wait3A_84 = arith.constant 0 : i32
    %dma_wait3A_85 = tpu.memref_slice %arg11[%dma_wait3A_83, %dma_wait3A_84] : memref<80x64xf32, #tpu.memory_space<vmem>> -> memref<40x64xf32, #tpu.memory_space<vmem>>
    %dma_wait3A_86 = arith.constant 40 : i32
    %dma_wait3A_87 = tpu.memref_slice %arg7[%dma_wait3A_82, %dma_wait3A_86] : memref<2x80xi32, #tpu.memory_space<vmem>> -> memref<1x40xi32, #tpu.memory_space<vmem>>
    %dma_wait3A_88 = tpu.memref_squeeze %dma_wait3A_87 : memref<1x40xi32, #tpu.memory_space<vmem>> -> memref<40xi32, #tpu.memory_space<vmem>>
    %dma_wait3A_89 = arith.constant 0 : i32
    %dma_wait3A_90 = arith.constant 0 : i32
    %dma_wait3A_91 = tpu.memref_slice %arg3[%dma_wait3A_89, %dma_wait3A_90] : memref<160000x64xf32, #tpu.memory_space<hbm>> -> memref<160000x64xf32, #tpu.memory_space<hbm>>
    tpu.wait_indirect_dma semaphore(%arg15 : memref<!tpu.dma_semaphore, #tpu.memory_space<semaphore_mem>>) src(%dma_wait3A_91 : memref<160000x64xf32, #tpu.memory_space<hbm>>) dst(%dma_wait3A_85 : memref<40x64xf32, #tpu.memory_space<vmem>>)
    %get3A = arith.constant 1 : i32
    %get3A_92 = arith.index_cast %get3A : i32 to index
    %get3A_93 = arith.constant 0 : index
    %get3A_94 = tpu.vector_load %arg7[%get3A_92, %get3A_93] {strides = array<i32>} : memref<2x80xi32, #tpu.memory_space<vmem>>, vector<16xi32>,
    %swap3A = arith.constant 0 : i32
    %swap3A_95 = arith.index_cast %swap3A : i32 to index
    %swap3A_96 = arith.constant 0 : index
    %swap3A_97 = tpu.vector_load %arg9[%swap3A_95, %swap3A_96] {strides = array<i32>} : memref<1x80xi32, #tpu.memory_space<vmem>>, vector<16xi32>,
    tpu.vector_store %arg9[%swap3A_95, %swap3A_96], %get3A_94 {strides = array<i32>} : memref<1x80xi32, #tpu.memory_space<vmem>>, vector<16xi32>,
    %get3A_98 = arith.constant 1 : i32
    %get3A_99 = arith.index_cast %get3A_98 : i32 to index
    %get3A_100 = arith.constant 16 : index
    %get3A_101 = tpu.vector_load %arg7[%get3A_99, %get3A_100] {strides = array<i32>} : memref<2x80xi32, #tpu.memory_space<vmem>>, vector<16xi32>,
    %swap3A_102 = arith.constant 0 : i32
    %swap3A_103 = arith.index_cast %swap3A_102 : i32 to index
    %swap3A_104 = arith.constant 16 : index
    %swap3A_105 = tpu.vector_load %arg9[%swap3A_103, %swap3A_104] {strides = array<i32>} : memref<1x80xi32, #tpu.memory_space<vmem>>, vector<16xi32>,
    tpu.vector_store %arg9[%swap3A_103, %swap3A_104], %get3A_101 {strides = array<i32>} : memref<1x80xi32, #tpu.memory_space<vmem>>, vector<16xi32>,
    %get3A_106 = arith.constant 1 : i32
    %get3A_107 = arith.index_cast %get3A_106 : i32 to index
    %get3A_108 = arith.constant 32 : index
    %get3A_109 = tpu.vector_load %arg7[%get3A_107, %get3A_108] {strides = array<i32>} : memref<2x80xi32, #tpu.memory_space<vmem>>, vector<16xi32>,
    %swap3A_110 = arith.constant 0 : i32
    %swap3A_111 = arith.index_cast %swap3A_110 : i32 to index
    %swap3A_112 = arith.constant 32 : index
    %swap3A_113 = tpu.vector_load %arg9[%swap3A_111, %swap3A_112] {strides = array<i32>} : memref<1x80xi32, #tpu.memory_space<vmem>>, vector<16xi32>,
    tpu.vector_store %arg9[%swap3A_111, %swap3A_112], %get3A_109 {strides = array<i32>} : memref<1x80xi32, #tpu.memory_space<vmem>>, vector<16xi32>,
    %get3A_114 = arith.constant 1 : i32
    %get3A_115 = arith.index_cast %get3A_114 : i32 to index
    %get3A_116 = arith.constant 48 : index
    %get3A_117 = tpu.vector_load %arg7[%get3A_115, %get3A_116] {strides = array<i32>} : memref<2x80xi32, #tpu.memory_space<vmem>>, vector<16xi32>,
    %swap3A_118 = arith.constant 0 : i32
    %swap3A_119 = arith.index_cast %swap3A_118 : i32 to index
    %swap3A_120 = arith.constant 48 : index
    %swap3A_121 = tpu.vector_load %arg9[%swap3A_119, %swap3A_120] {strides = array<i32>} : memref<1x80xi32, #tpu.memory_space<vmem>>, vector<16xi32>,
    tpu.vector_store %arg9[%swap3A_119, %swap3A_120], %get3A_117 {strides = array<i32>} : memref<1x80xi32, #tpu.memory_space<vmem>>, vector<16xi32>,
    %get3A_122 = arith.constant 1 : i32
    %get3A_123 = arith.index_cast %get3A_122 : i32 to index
    %get3A_124 = arith.constant 64 : index
    %get3A_125 = tpu.vector_load %arg7[%get3A_123, %get3A_124] {strides = array<i32>} : memref<2x80xi32, #tpu.memory_space<vmem>>, vector<16xi32>,
    %swap3A_126 = arith.constant 0 : i32
    %swap3A_127 = arith.index_cast %swap3A_126 : i32 to index
    %swap3A_128 = arith.constant 64 : index
    %swap3A_129 = tpu.vector_load %arg9[%swap3A_127, %swap3A_128] {strides = array<i32>} : memref<1x80xi32, #tpu.memory_space<vmem>>, vector<16xi32>,
    tpu.vector_store %arg9[%swap3A_127, %swap3A_128], %get3A_125 {strides = array<i32>} : memref<1x80xi32, #tpu.memory_space<vmem>>, vector<16xi32>,
    %dma_start3A_130 = arith.constant 0 : i32
    %dma_start3A_131 = arith.constant 0 : i32
    %dma_start3A_132 = tpu.memref_slice %arg9[%dma_start3A_130, %dma_start3A_131] : memref<1x80xi32, #tpu.memory_space<vmem>> -> memref<1x80xi32, #tpu.memory_space<vmem>>
    %dma_start3A_133 = tpu.memref_squeeze %dma_start3A_132 : memref<1x80xi32, #tpu.memory_space<vmem>> -> memref<80xi32, #tpu.memory_space<vmem>>
    %dma_start3A_134 = arith.constant 0 : i32
    %dma_start3A_135 = arith.constant 0 : i32
    %dma_start3A_136 = tpu.memref_slice %arg6[%dma_start3A_134, %dma_start3A_135] : memref<10000x64xf32, #tpu.memory_space<vmem_shared>> -> memref<10000x64xf32, #tpu.memory_space<vmem_shared>>
    tpu.enqueue_indirect_dma source(%arg11 : memref<80x64xf32, #tpu.memory_space<vmem>>) target(%dma_start3A_136 : memref<10000x64xf32, #tpu.memory_space<vmem_shared>>) offsets(%dma_start3A_133 : memref<80xi32, #tpu.memory_space<vmem>>) semaphore(%arg17 : memref<!tpu.dma_semaphore, #tpu.memory_space<semaphore_mem>>) {add = true}
    %dma_wait3A_137 = arith.constant 0 : i32
    %dma_wait3A_138 = arith.constant 0 : i32
    %dma_wait3A_139 = tpu.memref_slice %arg9[%dma_wait3A_137, %dma_wait3A_138] : memref<1x80xi32, #tpu.memory_space<vmem>> -> memref<1x80xi32, #tpu.memory_space<vmem>>
    %dma_wait3A_140 = tpu.memref_squeeze %dma_wait3A_139 : memref<1x80xi32, #tpu.memory_space<vmem>> -> memref<80xi32, #tpu.memory_space<vmem>>
    %dma_wait3A_141 = arith.constant 0 : i32
    %dma_wait3A_142 = arith.constant 0 : i32
    %dma_wait3A_143 = tpu.memref_slice %arg6[%dma_wait3A_141, %dma_wait3A_142] : memref<10000x64xf32, #tpu.memory_space<vmem_shared>> -> memref<10000x64xf32, #tpu.memory_space<vmem_shared>>
    tpu.wait_indirect_dma semaphore(%arg17 : memref<!tpu.dma_semaphore, #tpu.memory_space<semaphore_mem>>) src(%arg11 : memref<80x64xf32, #tpu.memory_space<vmem>>) dst(%dma_wait3A_143 : memref<10000x64xf32, #tpu.memory_space<vmem_shared>>)
    %barrier3A_144 = arith.constant 0 : index
    tpu.barrier barrier_id(%barrier3A_144)
    %eq3A_145 = arith.constant 0 : i32
    %eq3A_146 = arith.cmpi eq, %arg0, %eq3A_145 : i32
    %convert_element_type3A_147 = arith.extui %eq3A_146 : i1 to i32
    %cond3A_148 = arith.constant 0 : i32
    %cond3A_149 = arith.cmpi ne, %convert_element_type3A_147, %cond3A_148 : i32
    scf.if %cond3A_149 {
      %add3A_155 = arith.constant 0 : i32
      %add3A_156 = arith.addi %mul3A_6, %add3A_155 : i32
      "tpu.region"() ({
        %run_scoped3A = tpu.sem_alloc : memref<!tpu.dma_semaphore, #tpu.memory_space<semaphore_mem>>
        %dma_start3A_193 = arith.constant 0 : i32
        %dma_start3A_194 = tpu.memref_slice %arg6[%add3A_156, %dma_start3A_193] : memref<10000x64xf32, #tpu.memory_space<vmem_shared>> -> memref<80x64xf32, #tpu.memory_space<vmem_shared>>
        %dma_start3A_195 = arith.constant 0 : i32
        %dma_start3A_196 = tpu.memref_slice %arg6[%add3A_156, %dma_start3A_195] : memref<10000x64xf32, #tpu.memory_space<vmem_shared>> -> memref<80x64xf32, #tpu.memory_space<vmem_shared>>
        tpu.enqueue_dma source(%dma_start3A_196 : memref<80x64xf32, #tpu.memory_space<vmem_shared>>) target(%arg11 : memref<80x64xf32, #tpu.memory_space<vmem>>) target_semaphore(%run_scoped3A : memref<!tpu.dma_semaphore, #tpu.memory_space<semaphore_mem>>)
        %dma_wait3A_197 = arith.constant 0 : i32
        %dma_wait3A_198 = tpu.memref_slice %arg6[%add3A_156, %dma_wait3A_197] : memref<10000x64xf32, #tpu.memory_space<vmem_shared>> -> memref<80x64xf32, #tpu.memory_space<vmem_shared>>
        %dma_wait3A_199 = arith.constant 0 : i32
        %dma_wait3A_200 = tpu.memref_slice %arg6[%add3A_156, %dma_wait3A_199] : memref<10000x64xf32, #tpu.memory_space<vmem_shared>> -> memref<80x64xf32, #tpu.memory_space<vmem_shared>>
        tpu.wait_dma2 semaphore(%run_scoped3A : memref<!tpu.dma_semaphore, #tpu.memory_space<semaphore_mem>>) src(%dma_wait3A_200 : memref<80x64xf32, #tpu.memory_space<vmem_shared>>) dst(%arg11 : memref<80x64xf32, #tpu.memory_space<vmem>>)
        tpu.yield
      }) : () -> ()
      %add3A_157 = arith.constant 0 : i32
      %add3A_158 = arith.addi %mul3A_6, %add3A_157 : i32
      "tpu.region"() ({
        %run_scoped3A = tpu.sem_alloc : memref<!tpu.dma_semaphore, #tpu.memory_space<semaphore_mem>>
        %dma_start3A_193 = arith.constant 0 : i32
        %dma_start3A_194 = tpu.memref_slice %arg4[%add3A_158, %dma_start3A_193] : memref<10000x64xf32, #tpu.memory_space<hbm>> -> memref<80x64xf32, #tpu.memory_space<hbm>>
        %dma_start3A_195 = arith.constant 0 : i32
        %dma_start3A_196 = tpu.memref_slice %arg4[%add3A_158, %dma_start3A_195] : memref<10000x64xf32, #tpu.memory_space<hbm>> -> memref<80x64xf32, #tpu.memory_space<hbm>>
        tpu.enqueue_dma source(%arg11 : memref<80x64xf32, #tpu.memory_space<vmem>>) target(%dma_start3A_196 : memref<80x64xf32, #tpu.memory_space<hbm>>) target_semaphore(%run_scoped3A : memref<!tpu.dma_semaphore, #tpu.memory_space<semaphore_mem>>)
        %dma_wait3A_197 = arith.constant 0 : i32
        %dma_wait3A_198 = tpu.memref_slice %arg4[%add3A_158, %dma_wait3A_197] : memref<10000x64xf32, #tpu.memory_space<hbm>> -> memref<80x64xf32, #tpu.memory_space<hbm>>
        %dma_wait3A_199 = arith.constant 0 : i32
        %dma_wait3A_200 = tpu.memref_slice %arg4[%add3A_158, %dma_wait3A_199] : memref<10000x64xf32, #tpu.memory_space<hbm>> -> memref<80x64xf32, #tpu.memory_space<hbm>>
        tpu.wait_dma2 semaphore(%run_scoped3A : memref<!tpu.dma_semaphore, #tpu.memory_space<semaphore_mem>>) src(%arg11 : memref<80x64xf32, #tpu.memory_space<vmem>>) dst(%dma_wait3A_200 : memref<80x64xf32, #tpu.memory_space<hbm>>)
        tpu.yield
      }) : () -> ()
      %add3A_159 = arith.constant 80 : i32
      %add3A_160 = arith.addi %mul3A_6, %add3A_159 : i32
      "tpu.region"() ({
        %run_scoped3A = tpu.sem_alloc : memref<!tpu.dma_semaphore, #tpu.memory_space<semaphore_mem>>
        %dma_start3A_193 = arith.constant 0 : i32
        %dma_start3A_194 = tpu.memref_slice %arg6[%add3A_160, %dma_start3A_193] : memref<10000x64xf32, #tpu.memory_space<vmem_shared>> -> memref<80x64xf32, #tpu.memory_space<vmem_shared>>
        %dma_start3A_195 = arith.constant 0 : i32
        %dma_start3A_196 = tpu.memref_slice %arg6[%add3A_160, %dma_start3A_195] : memref<10000x64xf32, #tpu.memory_space<vmem_shared>> -> memref<80x64xf32, #tpu.memory_space<vmem_shared>>
        tpu.enqueue_dma source(%dma_start3A_196 : memref<80x64xf32, #tpu.memory_space<vmem_shared>>) target(%arg11 : memref<80x64xf32, #tpu.memory_space<vmem>>) target_semaphore(%run_scoped3A : memref<!tpu.dma_semaphore, #tpu.memory_space<semaphore_mem>>)
        %dma_wait3A_197 = arith.constant 0 : i32
        %dma_wait3A_198 = tpu.memref_slice %arg6[%add3A_160, %dma_wait3A_197] : memref<10000x64xf32, #tpu.memory_space<vmem_shared>> -> memref<80x64xf32, #tpu.memory_space<vmem_shared>>
        %dma_wait3A_199 = arith.constant 0 : i32
        %dma_wait3A_200 = tpu.memref_slice %arg6[%add3A_160, %dma_wait3A_199] : memref<10000x64xf32, #tpu.memory_space<vmem_shared>> -> memref<80x64xf32, #tpu.memory_space<vmem_shared>>
        tpu.wait_dma2 semaphore(%run_scoped3A : memref<!tpu.dma_semaphore, #tpu.memory_space<semaphore_mem>>) src(%dma_wait3A_200 : memref<80x64xf32, #tpu.memory_space<vmem_shared>>) dst(%arg11 : memref<80x64xf32, #tpu.memory_space<vmem>>)
        tpu.yield
      }) : () -> ()
      %add3A_161 = arith.constant 80 : i32
      %add3A_162 = arith.addi %mul3A_6, %add3A_161 : i32
      "tpu.region"() ({
        %run_scoped3A = tpu.sem_alloc : memref<!tpu.dma_semaphore, #tpu.memory_space<semaphore_mem>>
        %dma_start3A_193 = arith.constant 0 : i32
        %dma_start3A_194 = tpu.memref_slice %arg4[%add3A_162, %dma_start3A_193] : memref<10000x64xf32, #tpu.memory_space<hbm>> -> memref<80x64xf32, #tpu.memory_space<hbm>>
        %dma_start3A_195 = arith.constant 0 : i32
        %dma_start3A_196 = tpu.memref_slice %arg4[%add3A_162, %dma_start3A_195] : memref<10000x64xf32, #tpu.memory_space<hbm>> -> memref<80x64xf32, #tpu.memory_space<hbm>>
        tpu.enqueue_dma source(%arg11 : memref<80x64xf32, #tpu.memory_space<vmem>>) target(%dma_start3A_196 : memref<80x64xf32, #tpu.memory_space<hbm>>) target_semaphore(%run_scoped3A : memref<!tpu.dma_semaphore, #tpu.memory_space<semaphore_mem>>)
        %dma_wait3A_197 = arith.constant 0 : i32
        %dma_wait3A_198 = tpu.memref_slice %arg4[%add3A_162, %dma_wait3A_197] : memref<10000x64xf32, #tpu.memory_space<hbm>> -> memref<80x64xf32, #tpu.memory_space<hbm>>
        %dma_wait3A_199 = arith.constant 0 : i32
        %dma_wait3A_200 = tpu.memref_slice %arg4[%add3A_162, %dma_wait3A_199] : memref<10000x64xf32, #tpu.memory_space<hbm>> -> memref<80x64xf32, #tpu.memory_space<hbm>>
        tpu.wait_dma2 semaphore(%run_scoped3A : memref<!tpu.dma_semaphore, #tpu.memory_space<semaphore_mem>>) src(%arg11 : memref<80x64xf32, #tpu.memory_space<vmem>>) dst(%dma_wait3A_200 : memref<80x64xf32, #tpu.memory_space<hbm>>)
        tpu.yield
      }) : () -> ()
      %add3A_163 = arith.constant 160 : i32
      %add3A_164 = arith.addi %mul3A_6, %add3A_163 : i32
      "tpu.region"() ({
        %run_scoped3A = tpu.sem_alloc : memref<!tpu.dma_semaphore, #tpu.memory_space<semaphore_mem>>
        %dma_start3A_193 = arith.constant 0 : i32
        %dma_start3A_194 = tpu.memref_slice %arg6[%add3A_164, %dma_start3A_193] : memref<10000x64xf32, #tpu.memory_space<vmem_shared>> -> memref<80x64xf32, #tpu.memory_space<vmem_shared>>
        %dma_start3A_195 = arith.constant 0 : i32
        %dma_start3A_196 = tpu.memref_slice %arg6[%add3A_164, %dma_start3A_195] : memref<10000x64xf32, #tpu.memory_space<vmem_shared>> -> memref<80x64xf32, #tpu.memory_space<vmem_shared>>
        tpu.enqueue_dma source(%dma_start3A_196 : memref<80x64xf32, #tpu.memory_space<vmem_shared>>) target(%arg11 : memref<80x64xf32, #tpu.memory_space<vmem>>) target_semaphore(%run_scoped3A : memref<!tpu.dma_semaphore, #tpu.memory_space<semaphore_mem>>)
        %dma_wait3A_197 = arith.constant 0 : i32
        %dma_wait3A_198 = tpu.memref_slice %arg6[%add3A_164, %dma_wait3A_197] : memref<10000x64xf32, #tpu.memory_space<vmem_shared>> -> memref<80x64xf32, #tpu.memory_space<vmem_shared>>
        %dma_wait3A_199 = arith.constant 0 : i32
        %dma_wait3A_200 = tpu.memref_slice %arg6[%add3A_164, %dma_wait3A_199] : memref<10000x64xf32, #tpu.memory_space<vmem_shared>> -> memref<80x64xf32, #tpu.memory_space<vmem_shared>>
        tpu.wait_dma2 semaphore(%run_scoped3A : memref<!tpu.dma_semaphore, #tpu.memory_space<semaphore_mem>>) src(%dma_wait3A_200 : memref<80x64xf32, #tpu.memory_space<vmem_shared>>) dst(%arg11 : memref<80x64xf32, #tpu.memory_space<vmem>>)
        tpu.yield
      }) : () -> ()
      %add3A_165 = arith.constant 160 : i32
      %add3A_166 = arith.addi %mul3A_6, %add3A_165 : i32
      "tpu.region"() ({
        %run_scoped3A = tpu.sem_alloc : memref<!tpu.dma_semaphore, #tpu.memory_space<semaphore_mem>>
        %dma_start3A_193 = arith.constant 0 : i32
        %dma_start3A_194 = tpu.memref_slice %arg4[%add3A_166, %dma_start3A_193] : memref<10000x64xf32, #tpu.memory_space<hbm>> -> memref<80x64xf32, #tpu.memory_space<hbm>>
        %dma_start3A_195 = arith.constant 0 : i32
        %dma_start3A_196 = tpu.memref_slice %arg4[%add3A_166, %dma_start3A_195] : memref<10000x64xf32, #tpu.memory_space<hbm>> -> memref<80x64xf32, #tpu.memory_space<hbm>>
        tpu.enqueue_dma source(%arg11 : memref<80x64xf32, #tpu.memory_space<vmem>>) target(%dma_start3A_196 : memref<80x64xf32, #tpu.memory_space<hbm>>) target_semaphore(%run_scoped3A : memref<!tpu.dma_semaphore, #tpu.memory_space<semaphore_mem>>)
        %dma_wait3A_197 = arith.constant 0 : i32
        %dma_wait3A_198 = tpu.memref_slice %arg4[%add3A_166, %dma_wait3A_197] : memref<10000x64xf32, #tpu.memory_space<hbm>> -> memref<80x64xf32, #tpu.memory_space<hbm>>
        %dma_wait3A_199 = arith.constant 0 : i32
        %dma_wait3A_200 = tpu.memref_slice %arg4[%add3A_166, %dma_wait3A_199] : memref<10000x64xf32, #tpu.memory_space<hbm>> -> memref<80x64xf32, #tpu.memory_space<hbm>>
        tpu.wait_dma2 semaphore(%run_scoped3A : memref<!tpu.dma_semaphore, #tpu.memory_space<semaphore_mem>>) src(%arg11 : memref<80x64xf32, #tpu.memory_space<vmem>>) dst(%dma_wait3A_200 : memref<80x64xf32, #tpu.memory_space<hbm>>)
        tpu.yield
      }) : () -> ()
      %add3A_167 = arith.constant 240 : i32
      %add3A_168 = arith.addi %mul3A_6, %add3A_167 : i32
      "tpu.region"() ({
        %run_scoped3A = tpu.sem_alloc : memref<!tpu.dma_semaphore, #tpu.memory_space<semaphore_mem>>
        %dma_start3A_193 = arith.constant 0 : i32
        %dma_start3A_194 = tpu.memref_slice %arg6[%add3A_168, %dma_start3A_193] : memref<10000x64xf32, #tpu.memory_space<vmem_shared>> -> memref<80x64xf32, #tpu.memory_space<vmem_shared>>
        %dma_start3A_195 = arith.constant 0 : i32
        %dma_start3A_196 = tpu.memref_slice %arg6[%add3A_168, %dma_start3A_195] : memref<10000x64xf32, #tpu.memory_space<vmem_shared>> -> memref<80x64xf32, #tpu.memory_space<vmem_shared>>
        tpu.enqueue_dma source(%dma_start3A_196 : memref<80x64xf32, #tpu.memory_space<vmem_shared>>) target(%arg11 : memref<80x64xf32, #tpu.memory_space<vmem>>) target_semaphore(%run_scoped3A : memref<!tpu.dma_semaphore, #tpu.memory_space<semaphore_mem>>)
        %dma_wait3A_197 = arith.constant 0 : i32
        %dma_wait3A_198 = tpu.memref_slice %arg6[%add3A_168, %dma_wait3A_197] : memref<10000x64xf32, #tpu.memory_space<vmem_shared>> -> memref<80x64xf32, #tpu.memory_space<vmem_shared>>
        %dma_wait3A_199 = arith.constant 0 : i32
        %dma_wait3A_200 = tpu.memref_slice %arg6[%add3A_168, %dma_wait3A_199] : memref<10000x64xf32, #tpu.memory_space<vmem_shared>> -> memref<80x64xf32, #tpu.memory_space<vmem_shared>>
        tpu.wait_dma2 semaphore(%run_scoped3A : memref<!tpu.dma_semaphore, #tpu.memory_space<semaphore_mem>>) src(%dma_wait3A_200 : memref<80x64xf32, #tpu.memory_space<vmem_shared>>) dst(%arg11 : memref<80x64xf32, #tpu.memory_space<vmem>>)
        tpu.yield
      }) : () -> ()
      %add3A_169 = arith.constant 240 : i32
      %add3A_170 = arith.addi %mul3A_6, %add3A_169 : i32
      "tpu.region"() ({
        %run_scoped3A = tpu.sem_alloc : memref<!tpu.dma_semaphore, #tpu.memory_space<semaphore_mem>>
        %dma_start3A_193 = arith.constant 0 : i32
        %dma_start3A_194 = tpu.memref_slice %arg4[%add3A_170, %dma_start3A_193] : memref<10000x64xf32, #tpu.memory_space<hbm>> -> memref<80x64xf32, #tpu.memory_space<hbm>>
        %dma_start3A_195 = arith.constant 0 : i32
        %dma_start3A_196 = tpu.memref_slice %arg4[%add3A_170, %dma_start3A_195] : memref<10000x64xf32, #tpu.memory_space<hbm>> -> memref<80x64xf32, #tpu.memory_space<hbm>>
        tpu.enqueue_dma source(%arg11 : memref<80x64xf32, #tpu.memory_space<vmem>>) target(%dma_start3A_196 : memref<80x64xf32, #tpu.memory_space<hbm>>) target_semaphore(%run_scoped3A : memref<!tpu.dma_semaphore, #tpu.memory_space<semaphore_mem>>)
        %dma_wait3A_197 = arith.constant 0 : i32
        %dma_wait3A_198 = tpu.memref_slice %arg4[%add3A_170, %dma_wait3A_197] : memref<10000x64xf32, #tpu.memory_space<hbm>> -> memref<80x64xf32, #tpu.memory_space<hbm>>
        %dma_wait3A_199 = arith.constant 0 : i32
        %dma_wait3A_200 = tpu.memref_slice %arg4[%add3A_170, %dma_wait3A_199] : memref<10000x64xf32, #tpu.memory_space<hbm>> -> memref<80x64xf32, #tpu.memory_space<hbm>>
        tpu.wait_dma2 semaphore(%run_scoped3A : memref<!tpu.dma_semaphore, #tpu.memory_space<semaphore_mem>>) src(%arg11 : memref<80x64xf32, #tpu.memory_space<vmem>>) dst(%dma_wait3A_200 : memref<80x64xf32, #tpu.memory_space<hbm>>)
        tpu.yield
      }) : () -> ()
      %add3A_171 = arith.constant 320 : i32
      %add3A_172 = arith.addi %mul3A_6, %add3A_171 : i32
      "tpu.region"() ({
        %run_scoped3A = tpu.sem_alloc : memref<!tpu.dma_semaphore, #tpu.memory_space<semaphore_mem>>
        %dma_start3A_193 = arith.constant 0 : i32
        %dma_start3A_194 = tpu.memref_slice %arg6[%add3A_172, %dma_start3A_193] : memref<10000x64xf32, #tpu.memory_space<vmem_shared>> -> memref<80x64xf32, #tpu.memory_space<vmem_shared>>
        %dma_start3A_195 = arith.constant 0 : i32
        %dma_start3A_196 = tpu.memref_slice %arg6[%add3A_172, %dma_start3A_195] : memref<10000x64xf32, #tpu.memory_space<vmem_shared>> -> memref<80x64xf32, #tpu.memory_space<vmem_shared>>
        tpu.enqueue_dma source(%dma_start3A_196 : memref<80x64xf32, #tpu.memory_space<vmem_shared>>) target(%arg11 : memref<80x64xf32, #tpu.memory_space<vmem>>) target_semaphore(%run_scoped3A : memref<!tpu.dma_semaphore, #tpu.memory_space<semaphore_mem>>)
        %dma_wait3A_197 = arith.constant 0 : i32
        %dma_wait3A_198 = tpu.memref_slice %arg6[%add3A_172, %dma_wait3A_197] : memref<10000x64xf32, #tpu.memory_space<vmem_shared>> -> memref<80x64xf32, #tpu.memory_space<vmem_shared>>
        %dma_wait3A_199 = arith.constant 0 : i32
        %dma_wait3A_200 = tpu.memref_slice %arg6[%add3A_172, %dma_wait3A_199] : memref<10000x64xf32, #tpu.memory_space<vmem_shared>> -> memref<80x64xf32, #tpu.memory_space<vmem_shared>>
        tpu.wait_dma2 semaphore(%run_scoped3A : memref<!tpu.dma_semaphore, #tpu.memory_space<semaphore_mem>>) src(%dma_wait3A_200 : memref<80x64xf32, #tpu.memory_space<vmem_shared>>) dst(%arg11 : memref<80x64xf32, #tpu.memory_space<vmem>>)
        tpu.yield
      }) : () -> ()
      %add3A_173 = arith.constant 320 : i32
      %add3A_174 = arith.addi %mul3A_6, %add3A_173 : i32
      "tpu.region"() ({
        %run_scoped3A = tpu.sem_alloc : memref<!tpu.dma_semaphore, #tpu.memory_space<semaphore_mem>>
        %dma_start3A_193 = arith.constant 0 : i32
        %dma_start3A_194 = tpu.memref_slice %arg4[%add3A_174, %dma_start3A_193] : memref<10000x64xf32, #tpu.memory_space<hbm>> -> memref<80x64xf32, #tpu.memory_space<hbm>>
        %dma_start3A_195 = arith.constant 0 : i32
        %dma_start3A_196 = tpu.memref_slice %arg4[%add3A_174, %dma_start3A_195] : memref<10000x64xf32, #tpu.memory_space<hbm>> -> memref<80x64xf32, #tpu.memory_space<hbm>>
        tpu.enqueue_dma source(%arg11 : memref<80x64xf32, #tpu.memory_space<vmem>>) target(%dma_start3A_196 : memref<80x64xf32, #tpu.memory_space<hbm>>) target_semaphore(%run_scoped3A : memref<!tpu.dma_semaphore, #tpu.memory_space<semaphore_mem>>)
        %dma_wait3A_197 = arith.constant 0 : i32
        %dma_wait3A_198 = tpu.memref_slice %arg4[%add3A_174, %dma_wait3A_197] : memref<10000x64xf32, #tpu.memory_space<hbm>> -> memref<80x64xf32, #tpu.memory_space<hbm>>
        %dma_wait3A_199 = arith.constant 0 : i32
        %dma_wait3A_200 = tpu.memref_slice %arg4[%add3A_174, %dma_wait3A_199] : memref<10000x64xf32, #tpu.memory_space<hbm>> -> memref<80x64xf32, #tpu.memory_space<hbm>>
        tpu.wait_dma2 semaphore(%run_scoped3A : memref<!tpu.dma_semaphore, #tpu.memory_space<semaphore_mem>>) src(%arg11 : memref<80x64xf32, #tpu.memory_space<vmem>>) dst(%dma_wait3A_200 : memref<80x64xf32, #tpu.memory_space<hbm>>)
        tpu.yield
      }) : () -> ()
      %add3A_175 = arith.constant 400 : i32
      %add3A_176 = arith.addi %mul3A_6, %add3A_175 : i32
      "tpu.region"() ({
        %run_scoped3A = tpu.sem_alloc : memref<!tpu.dma_semaphore, #tpu.memory_space<semaphore_mem>>
        %dma_start3A_193 = arith.constant 0 : i32
        %dma_start3A_194 = tpu.memref_slice %arg6[%add3A_176, %dma_start3A_193] : memref<10000x64xf32, #tpu.memory_space<vmem_shared>> -> memref<80x64xf32, #tpu.memory_space<vmem_shared>>
        %dma_start3A_195 = arith.constant 0 : i32
        %dma_start3A_196 = tpu.memref_slice %arg6[%add3A_176, %dma_start3A_195] : memref<10000x64xf32, #tpu.memory_space<vmem_shared>> -> memref<80x64xf32, #tpu.memory_space<vmem_shared>>
        tpu.enqueue_dma source(%dma_start3A_196 : memref<80x64xf32, #tpu.memory_space<vmem_shared>>) target(%arg11 : memref<80x64xf32, #tpu.memory_space<vmem>>) target_semaphore(%run_scoped3A : memref<!tpu.dma_semaphore, #tpu.memory_space<semaphore_mem>>)
        %dma_wait3A_197 = arith.constant 0 : i32
        %dma_wait3A_198 = tpu.memref_slice %arg6[%add3A_176, %dma_wait3A_197] : memref<10000x64xf32, #tpu.memory_space<vmem_shared>> -> memref<80x64xf32, #tpu.memory_space<vmem_shared>>
        %dma_wait3A_199 = arith.constant 0 : i32
        %dma_wait3A_200 = tpu.memref_slice %arg6[%add3A_176, %dma_wait3A_199] : memref<10000x64xf32, #tpu.memory_space<vmem_shared>> -> memref<80x64xf32, #tpu.memory_space<vmem_shared>>
        tpu.wait_dma2 semaphore(%run_scoped3A : memref<!tpu.dma_semaphore, #tpu.memory_space<semaphore_mem>>) src(%dma_wait3A_200 : memref<80x64xf32, #tpu.memory_space<vmem_shared>>) dst(%arg11 : memref<80x64xf32, #tpu.memory_space<vmem>>)
        tpu.yield
      }) : () -> ()
      %add3A_177 = arith.constant 400 : i32
      %add3A_178 = arith.addi %mul3A_6, %add3A_177 : i32
      "tpu.region"() ({
        %run_scoped3A = tpu.sem_alloc : memref<!tpu.dma_semaphore, #tpu.memory_space<semaphore_mem>>
        %dma_start3A_193 = arith.constant 0 : i32
        %dma_start3A_194 = tpu.memref_slice %arg4[%add3A_178, %dma_start3A_193] : memref<10000x64xf32, #tpu.memory_space<hbm>> -> memref<80x64xf32, #tpu.memory_space<hbm>>
        %dma_start3A_195 = arith.constant 0 : i32
        %dma_start3A_196 = tpu.memref_slice %arg4[%add3A_178, %dma_start3A_195] : memref<10000x64xf32, #tpu.memory_space<hbm>> -> memref<80x64xf32, #tpu.memory_space<hbm>>
        tpu.enqueue_dma source(%arg11 : memref<80x64xf32, #tpu.memory_space<vmem>>) target(%dma_start3A_196 : memref<80x64xf32, #tpu.memory_space<hbm>>) target_semaphore(%run_scoped3A : memref<!tpu.dma_semaphore, #tpu.memory_space<semaphore_mem>>)
        %dma_wait3A_197 = arith.constant 0 : i32
        %dma_wait3A_198 = tpu.memref_slice %arg4[%add3A_178, %dma_wait3A_197] : memref<10000x64xf32, #tpu.memory_space<hbm>> -> memref<80x64xf32, #tpu.memory_space<hbm>>
        %dma_wait3A_199 = arith.constant 0 : i32
        %dma_wait3A_200 = tpu.memref_slice %arg4[%add3A_178, %dma_wait3A_199] : memref<10000x64xf32, #tpu.memory_space<hbm>> -> memref<80x64xf32, #tpu.memory_space<hbm>>
        tpu.wait_dma2 semaphore(%run_scoped3A : memref<!tpu.dma_semaphore, #tpu.memory_space<semaphore_mem>>) src(%arg11 : memref<80x64xf32, #tpu.memory_space<vmem>>) dst(%dma_wait3A_200 : memref<80x64xf32, #tpu.memory_space<hbm>>)
        tpu.yield
      }) : () -> ()
      %add3A_179 = arith.constant 480 : i32
      %add3A_180 = arith.addi %mul3A_6, %add3A_179 : i32
      "tpu.region"() ({
        %run_scoped3A = tpu.sem_alloc : memref<!tpu.dma_semaphore, #tpu.memory_space<semaphore_mem>>
        %dma_start3A_193 = arith.constant 0 : i32
        %dma_start3A_194 = tpu.memref_slice %arg6[%add3A_180, %dma_start3A_193] : memref<10000x64xf32, #tpu.memory_space<vmem_shared>> -> memref<80x64xf32, #tpu.memory_space<vmem_shared>>
        %dma_start3A_195 = arith.constant 0 : i32
        %dma_start3A_196 = tpu.memref_slice %arg6[%add3A_180, %dma_start3A_195] : memref<10000x64xf32, #tpu.memory_space<vmem_shared>> -> memref<80x64xf32, #tpu.memory_space<vmem_shared>>
        tpu.enqueue_dma source(%dma_start3A_196 : memref<80x64xf32, #tpu.memory_space<vmem_shared>>) target(%arg11 : memref<80x64xf32, #tpu.memory_space<vmem>>) target_semaphore(%run_scoped3A : memref<!tpu.dma_semaphore, #tpu.memory_space<semaphore_mem>>)
        %dma_wait3A_197 = arith.constant 0 : i32
        %dma_wait3A_198 = tpu.memref_slice %arg6[%add3A_180, %dma_wait3A_197] : memref<10000x64xf32, #tpu.memory_space<vmem_shared>> -> memref<80x64xf32, #tpu.memory_space<vmem_shared>>
        %dma_wait3A_199 = arith.constant 0 : i32
        %dma_wait3A_200 = tpu.memref_slice %arg6[%add3A_180, %dma_wait3A_199] : memref<10000x64xf32, #tpu.memory_space<vmem_shared>> -> memref<80x64xf32, #tpu.memory_space<vmem_shared>>
        tpu.wait_dma2 semaphore(%run_scoped3A : memref<!tpu.dma_semaphore, #tpu.memory_space<semaphore_mem>>) src(%dma_wait3A_200 : memref<80x64xf32, #tpu.memory_space<vmem_shared>>) dst(%arg11 : memref<80x64xf32, #tpu.memory_space<vmem>>)
        tpu.yield
      }) : () -> ()
      %add3A_181 = arith.constant 480 : i32
      %add3A_182 = arith.addi %mul3A_6, %add3A_181 : i32
      "tpu.region"() ({
        %run_scoped3A = tpu.sem_alloc : memref<!tpu.dma_semaphore, #tpu.memory_space<semaphore_mem>>
        %dma_start3A_193 = arith.constant 0 : i32
        %dma_start3A_194 = tpu.memref_slice %arg4[%add3A_182, %dma_start3A_193] : memref<10000x64xf32, #tpu.memory_space<hbm>> -> memref<80x64xf32, #tpu.memory_space<hbm>>
        %dma_start3A_195 = arith.constant 0 : i32
        %dma_start3A_196 = tpu.memref_slice %arg4[%add3A_182, %dma_start3A_195] : memref<10000x64xf32, #tpu.memory_space<hbm>> -> memref<80x64xf32, #tpu.memory_space<hbm>>
        tpu.enqueue_dma source(%arg11 : memref<80x64xf32, #tpu.memory_space<vmem>>) target(%dma_start3A_196 : memref<80x64xf32, #tpu.memory_space<hbm>>) target_semaphore(%run_scoped3A : memref<!tpu.dma_semaphore, #tpu.memory_space<semaphore_mem>>)
        %dma_wait3A_197 = arith.constant 0 : i32
        %dma_wait3A_198 = tpu.memref_slice %arg4[%add3A_182, %dma_wait3A_197] : memref<10000x64xf32, #tpu.memory_space<hbm>> -> memref<80x64xf32, #tpu.memory_space<hbm>>
        %dma_wait3A_199 = arith.constant 0 : i32
        %dma_wait3A_200 = tpu.memref_slice %arg4[%add3A_182, %dma_wait3A_199] : memref<10000x64xf32, #tpu.memory_space<hbm>> -> memref<80x64xf32, #tpu.memory_space<hbm>>
        tpu.wait_dma2 semaphore(%run_scoped3A : memref<!tpu.dma_semaphore, #tpu.memory_space<semaphore_mem>>) src(%arg11 : memref<80x64xf32, #tpu.memory_space<vmem>>) dst(%dma_wait3A_200 : memref<80x64xf32, #tpu.memory_space<hbm>>)
        tpu.yield
      }) : () -> ()
      %lt3A_183 = arith.constant 15 : i32
      %lt3A_184 = arith.cmpi slt, %arg1, %lt3A_183 : i32
      %convert_element_type3A_185 = arith.extui %lt3A_184 : i1 to i32
      %cond3A_186 = arith.constant 0 : i32
      %cond3A_187 = arith.cmpi ne, %convert_element_type3A_185, %cond3A_186 : i32
      scf.if %cond3A_187 {
        %add3A_193 = arith.constant 560 : i32
        %add3A_194 = arith.addi %mul3A_6, %add3A_193 : i32
        "tpu.region"() ({
          %run_scoped3A = tpu.sem_alloc : memref<!tpu.dma_semaphore, #tpu.memory_space<semaphore_mem>>
          %dma_start3A_197 = arith.constant 0 : i32
          %dma_start3A_198 = arith.constant 0 : i32
          %dma_start3A_199 = tpu.memref_slice %arg11[%dma_start3A_197, %dma_start3A_198] : memref<80x64xf32, #tpu.memory_space<vmem>> -> memref<64x64xf32, #tpu.memory_space<vmem>>
          %dma_start3A_200 = arith.constant 0 : i32
          %dma_start3A_201 = tpu.memref_slice %arg6[%add3A_194, %dma_start3A_200] : memref<10000x64xf32, #tpu.memory_space<vmem_shared>> -> memref<64x64xf32, #tpu.memory_space<vmem_shared>>
          %dma_start3A_202 = arith.constant 0 : i32
          %dma_start3A_203 = arith.constant 0 : i32
          %dma_start3A_204 = tpu.memref_slice %arg11[%dma_start3A_202, %dma_start3A_203] : memref<80x64xf32, #tpu.memory_space<vmem>> -> memref<64x64xf32, #tpu.memory_space<vmem>>
          %dma_start3A_205 = arith.constant 0 : i32
          %dma_start3A_206 = tpu.memref_slice %arg6[%add3A_194, %dma_start3A_205] : memref<10000x64xf32, #tpu.memory_space<vmem_shared>> -> memref<64x64xf32, #tpu.memory_space<vmem_shared>>
          tpu.enqueue_dma source(%dma_start3A_206 : memref<64x64xf32, #tpu.memory_space<vmem_shared>>) target(%dma_start3A_204 : memref<64x64xf32, #tpu.memory_space<vmem>>) target_semaphore(%run_scoped3A : memref<!tpu.dma_semaphore, #tpu.memory_space<semaphore_mem>>)
          %dma_wait3A_207 = arith.constant 0 : i32
          %dma_wait3A_208 = arith.constant 0 : i32
          %dma_wait3A_209 = tpu.memref_slice %arg11[%dma_wait3A_207, %dma_wait3A_208] : memref<80x64xf32, #tpu.memory_space<vmem>> -> memref<64x64xf32, #tpu.memory_space<vmem>>
          %dma_wait3A_210 = arith.constant 0 : i32
          %dma_wait3A_211 = tpu.memref_slice %arg6[%add3A_194, %dma_wait3A_210] : memref<10000x64xf32, #tpu.memory_space<vmem_shared>> -> memref<64x64xf32, #tpu.memory_space<vmem_shared>>
          %dma_wait3A_212 = arith.constant 0 : i32
          %dma_wait3A_213 = arith.constant 0 : i32
          %dma_wait3A_214 = tpu.memref_slice %arg11[%dma_wait3A_212, %dma_wait3A_213] : memref<80x64xf32, #tpu.memory_space<vmem>> -> memref<64x64xf32, #tpu.memory_space<vmem>>
          %dma_wait3A_215 = arith.constant 0 : i32
          %dma_wait3A_216 = tpu.memref_slice %arg6[%add3A_194, %dma_wait3A_215] : memref<10000x64xf32, #tpu.memory_space<vmem_shared>> -> memref<64x64xf32, #tpu.memory_space<vmem_shared>>
          tpu.wait_dma2 semaphore(%run_scoped3A : memref<!tpu.dma_semaphore, #tpu.memory_space<semaphore_mem>>) src(%dma_wait3A_216 : memref<64x64xf32, #tpu.memory_space<vmem_shared>>) dst(%dma_wait3A_214 : memref<64x64xf32, #tpu.memory_space<vmem>>)
          tpu.yield
        }) : () -> ()
        %add3A_195 = arith.constant 560 : i32
        %add3A_196 = arith.addi %mul3A_6, %add3A_195 : i32
        "tpu.region"() ({
          %run_scoped3A = tpu.sem_alloc : memref<!tpu.dma_semaphore, #tpu.memory_space<semaphore_mem>>
          %dma_start3A_197 = arith.constant 0 : i32
          %dma_start3A_198 = arith.constant 0 : i32
          %dma_start3A_199 = tpu.memref_slice %arg11[%dma_start3A_197, %dma_start3A_198] : memref<80x64xf32, #tpu.memory_space<vmem>> -> memref<64x64xf32, #tpu.memory_space<vmem>>
          %dma_start3A_200 = arith.constant 0 : i32
          %dma_start3A_201 = tpu.memref_slice %arg4[%add3A_196, %dma_start3A_200] : memref<10000x64xf32, #tpu.memory_space<hbm>> -> memref<64x64xf32, #tpu.memory_space<hbm>>
          %dma_start3A_202 = arith.constant 0 : i32
          %dma_start3A_203 = tpu.memref_slice %arg4[%add3A_196, %dma_start3A_202] : memref<10000x64xf32, #tpu.memory_space<hbm>> -> memref<64x64xf32, #tpu.memory_space<hbm>>
          %dma_start3A_204 = arith.constant 0 : i32
          %dma_start3A_205 = arith.constant 0 : i32
          %dma_start3A_206 = tpu.memref_slice %arg11[%dma_start3A_204, %dma_start3A_205] : memref<80x64xf32, #tpu.memory_space<vmem>> -> memref<64x64xf32, #tpu.memory_space<vmem>>
          tpu.enqueue_dma source(%dma_start3A_206 : memref<64x64xf32, #tpu.memory_space<vmem>>) target(%dma_start3A_203 : memref<64x64xf32, #tpu.memory_space<hbm>>) target_semaphore(%run_scoped3A : memref<!tpu.dma_semaphore, #tpu.memory_space<semaphore_mem>>)
          %dma_wait3A_207 = arith.constant 0 : i32
          %dma_wait3A_208 = arith.constant 0 : i32
          %dma_wait3A_209 = tpu.memref_slice %arg11[%dma_wait3A_207, %dma_wait3A_208] : memref<80x64xf32, #tpu.memory_space<vmem>> -> memref<64x64xf32, #tpu.memory_space<vmem>>
          %dma_wait3A_210 = arith.constant 0 : i32
          %dma_wait3A_211 = tpu.memref_slice %arg4[%add3A_196, %dma_wait3A_210] : memref<10000x64xf32, #tpu.memory_space<hbm>> -> memref<64x64xf32, #tpu.memory_space<hbm>>
          %dma_wait3A_212 = arith.constant 0 : i32
          %dma_wait3A_213 = tpu.memref_slice %arg4[%add3A_196, %dma_wait3A_212] : memref<10000x64xf32, #tpu.memory_space<hbm>> -> memref<64x64xf32, #tpu.memory_space<hbm>>
          %dma_wait3A_214 = arith.constant 0 : i32
          %dma_wait3A_215 = arith.constant 0 : i32
          %dma_wait3A_216 = tpu.memref_slice %arg11[%dma_wait3A_214, %dma_wait3A_215] : memref<80x64xf32, #tpu.memory_space<vmem>> -> memref<64x64xf32, #tpu.memory_space<vmem>>
          tpu.wait_dma2 semaphore(%run_scoped3A : memref<!tpu.dma_semaphore, #tpu.memory_space<semaphore_mem>>) src(%dma_wait3A_216 : memref<64x64xf32, #tpu.memory_space<vmem>>) dst(%dma_wait3A_213 : memref<64x64xf32, #tpu.memory_space<hbm>>)
          tpu.yield
        }) : () -> ()
      } else {
      }
      %eq3A_188 = arith.constant 15 : i32
      %eq3A_189 = arith.cmpi eq, %arg1, %eq3A_188 : i32
      %convert_element_type3A_190 = arith.extui %eq3A_189 : i1 to i32
      %cond3A_191 = arith.constant 0 : i32
      %cond3A_192 = arith.cmpi ne, %convert_element_type3A_190, %cond3A_191 : i32
      scf.if %cond3A_192 {
        %add3A_193 = arith.constant 560 : i32
        %add3A_194 = arith.addi %mul3A_6, %add3A_193 : i32
        "tpu.region"() ({
          %run_scoped3A = tpu.sem_alloc : memref<!tpu.dma_semaphore, #tpu.memory_space<semaphore_mem>>
          %dma_start3A_197 = arith.constant 0 : i32
          %dma_start3A_198 = tpu.memref_slice %arg6[%add3A_194, %dma_start3A_197] : memref<10000x64xf32, #tpu.memory_space<vmem_shared>> -> memref<80x64xf32, #tpu.memory_space<vmem_shared>>
          %dma_start3A_199 = arith.constant 0 : i32
          %dma_start3A_200 = tpu.memref_slice %arg6[%add3A_194, %dma_start3A_199] : memref<10000x64xf32, #tpu.memory_space<vmem_shared>> -> memref<80x64xf32, #tpu.memory_space<vmem_shared>>
          tpu.enqueue_dma source(%dma_start3A_200 : memref<80x64xf32, #tpu.memory_space<vmem_shared>>) target(%arg11 : memref<80x64xf32, #tpu.memory_space<vmem>>) target_semaphore(%run_scoped3A : memref<!tpu.dma_semaphore, #tpu.memory_space<semaphore_mem>>)
          %dma_wait3A_201 = arith.constant 0 : i32
          %dma_wait3A_202 = tpu.memref_slice %arg6[%add3A_194, %dma_wait3A_201] : memref<10000x64xf32, #tpu.memory_space<vmem_shared>> -> memref<80x64xf32, #tpu.memory_space<vmem_shared>>
          %dma_wait3A_203 = arith.constant 0 : i32
          %dma_wait3A_204 = tpu.memref_slice %arg6[%add3A_194, %dma_wait3A_203] : memref<10000x64xf32, #tpu.memory_space<vmem_shared>> -> memref<80x64xf32, #tpu.memory_space<vmem_shared>>
          tpu.wait_dma2 semaphore(%run_scoped3A : memref<!tpu.dma_semaphore, #tpu.memory_space<semaphore_mem>>) src(%dma_wait3A_204 : memref<80x64xf32, #tpu.memory_space<vmem_shared>>) dst(%arg11 : memref<80x64xf32, #tpu.memory_space<vmem>>)
          tpu.yield
        }) : () -> ()
        %add3A_195 = arith.constant 560 : i32
        %add3A_196 = arith.addi %mul3A_6, %add3A_195 : i32
        "tpu.region"() ({
          %run_scoped3A = tpu.sem_alloc : memref<!tpu.dma_semaphore, #tpu.memory_space<semaphore_mem>>
          %dma_start3A_197 = arith.constant 0 : i32
          %dma_start3A_198 = tpu.memref_slice %arg4[%add3A_196, %dma_start3A_197] : memref<10000x64xf32, #tpu.memory_space<hbm>> -> memref<80x64xf32, #tpu.memory_space<hbm>>
          %dma_start3A_199 = arith.constant 0 : i32
          %dma_start3A_200 = tpu.memref_slice %arg4[%add3A_196, %dma_start3A_199] : memref<10000x64xf32, #tpu.memory_space<hbm>> -> memref<80x64xf32, #tpu.memory_space<hbm>>
          tpu.enqueue_dma source(%arg11 : memref<80x64xf32, #tpu.memory_space<vmem>>) target(%dma_start3A_200 : memref<80x64xf32, #tpu.memory_space<hbm>>) target_semaphore(%run_scoped3A : memref<!tpu.dma_semaphore, #tpu.memory_space<semaphore_mem>>)
          %dma_wait3A_201 = arith.constant 0 : i32
          %dma_wait3A_202 = tpu.memref_slice %arg4[%add3A_196, %dma_wait3A_201] : memref<10000x64xf32, #tpu.memory_space<hbm>> -> memref<80x64xf32, #tpu.memory_space<hbm>>
          %dma_wait3A_203 = arith.constant 0 : i32
          %dma_wait3A_204 = tpu.memref_slice %arg4[%add3A_196, %dma_wait3A_203] : memref<10000x64xf32, #tpu.memory_space<hbm>> -> memref<80x64xf32, #tpu.memory_space<hbm>>
          tpu.wait_dma2 semaphore(%run_scoped3A : memref<!tpu.dma_semaphore, #tpu.memory_space<semaphore_mem>>) src(%arg11 : memref<80x64xf32, #tpu.memory_space<vmem>>) dst(%dma_wait3A_204 : memref<80x64xf32, #tpu.memory_space<hbm>>)
          tpu.yield
        }) : () -> ()
      } else {
      }
    } else {
    }
    %eq3A_150 = arith.constant 1 : i32
    %eq3A_151 = arith.cmpi eq, %arg0, %eq3A_150 : i32
    %convert_element_type3A_152 = arith.extui %eq3A_151 : i1 to i32
    %cond3A_153 = arith.constant 0 : i32
    %cond3A_154 = arith.cmpi ne, %convert_element_type3A_152, %cond3A_153 : i32
    scf.if %cond3A_154 {
      %add3A_155 = arith.constant 0 : i32
      %add3A_156 = arith.addi %mul3A_6, %add3A_155 : i32
      "tpu.region"() ({
        %run_scoped3A = tpu.sem_alloc : memref<!tpu.dma_semaphore, #tpu.memory_space<semaphore_mem>>
        %dma_start3A_193 = arith.constant 0 : i32
        %dma_start3A_194 = tpu.memref_slice %arg6[%add3A_156, %dma_start3A_193] : memref<10000x64xf32, #tpu.memory_space<vmem_shared>> -> memref<80x64xf32, #tpu.memory_space<vmem_shared>>
        %dma_start3A_195 = arith.constant 0 : i32
        %dma_start3A_196 = tpu.memref_slice %arg6[%add3A_156, %dma_start3A_195] : memref<10000x64xf32, #tpu.memory_space<vmem_shared>> -> memref<80x64xf32, #tpu.memory_space<vmem_shared>>
        tpu.enqueue_dma source(%dma_start3A_196 : memref<80x64xf32, #tpu.memory_space<vmem_shared>>) target(%arg11 : memref<80x64xf32, #tpu.memory_space<vmem>>) target_semaphore(%run_scoped3A : memref<!tpu.dma_semaphore, #tpu.memory_space<semaphore_mem>>)
        %dma_wait3A_197 = arith.constant 0 : i32
        %dma_wait3A_198 = tpu.memref_slice %arg6[%add3A_156, %dma_wait3A_197] : memref<10000x64xf32, #tpu.memory_space<vmem_shared>> -> memref<80x64xf32, #tpu.memory_space<vmem_shared>>
        %dma_wait3A_199 = arith.constant 0 : i32
        %dma_wait3A_200 = tpu.memref_slice %arg6[%add3A_156, %dma_wait3A_199] : memref<10000x64xf32, #tpu.memory_space<vmem_shared>> -> memref<80x64xf32, #tpu.memory_space<vmem_shared>>
        tpu.wait_dma2 semaphore(%run_scoped3A : memref<!tpu.dma_semaphore, #tpu.memory_space<semaphore_mem>>) src(%dma_wait3A_200 : memref<80x64xf32, #tpu.memory_space<vmem_shared>>) dst(%arg11 : memref<80x64xf32, #tpu.memory_space<vmem>>)
        tpu.yield
      }) : () -> ()
      %add3A_157 = arith.constant 0 : i32
      %add3A_158 = arith.addi %mul3A_6, %add3A_157 : i32
      "tpu.region"() ({
        %run_scoped3A = tpu.sem_alloc : memref<!tpu.dma_semaphore, #tpu.memory_space<semaphore_mem>>
        %dma_start3A_193 = arith.constant 0 : i32
        %dma_start3A_194 = tpu.memref_slice %arg5[%add3A_158, %dma_start3A_193] : memref<10000x64xf32, #tpu.memory_space<hbm>> -> memref<80x64xf32, #tpu.memory_space<hbm>>
        %dma_start3A_195 = arith.constant 0 : i32
        %dma_start3A_196 = tpu.memref_slice %arg5[%add3A_158, %dma_start3A_195] : memref<10000x64xf32, #tpu.memory_space<hbm>> -> memref<80x64xf32, #tpu.memory_space<hbm>>
        tpu.enqueue_dma source(%arg11 : memref<80x64xf32, #tpu.memory_space<vmem>>) target(%dma_start3A_196 : memref<80x64xf32, #tpu.memory_space<hbm>>) target_semaphore(%run_scoped3A : memref<!tpu.dma_semaphore, #tpu.memory_space<semaphore_mem>>)
        %dma_wait3A_197 = arith.constant 0 : i32
        %dma_wait3A_198 = tpu.memref_slice %arg5[%add3A_158, %dma_wait3A_197] : memref<10000x64xf32, #tpu.memory_space<hbm>> -> memref<80x64xf32, #tpu.memory_space<hbm>>
        %dma_wait3A_199 = arith.constant 0 : i32
        %dma_wait3A_200 = tpu.memref_slice %arg5[%add3A_158, %dma_wait3A_199] : memref<10000x64xf32, #tpu.memory_space<hbm>> -> memref<80x64xf32, #tpu.memory_space<hbm>>
        tpu.wait_dma2 semaphore(%run_scoped3A : memref<!tpu.dma_semaphore, #tpu.memory_space<semaphore_mem>>) src(%arg11 : memref<80x64xf32, #tpu.memory_space<vmem>>) dst(%dma_wait3A_200 : memref<80x64xf32, #tpu.memory_space<hbm>>)
        tpu.yield
      }) : () -> ()
      %add3A_159 = arith.constant 80 : i32
      %add3A_160 = arith.addi %mul3A_6, %add3A_159 : i32
      "tpu.region"() ({
        %run_scoped3A = tpu.sem_alloc : memref<!tpu.dma_semaphore, #tpu.memory_space<semaphore_mem>>
        %dma_start3A_193 = arith.constant 0 : i32
        %dma_start3A_194 = tpu.memref_slice %arg6[%add3A_160, %dma_start3A_193] : memref<10000x64xf32, #tpu.memory_space<vmem_shared>> -> memref<80x64xf32, #tpu.memory_space<vmem_shared>>
        %dma_start3A_195 = arith.constant 0 : i32
        %dma_start3A_196 = tpu.memref_slice %arg6[%add3A_160, %dma_start3A_195] : memref<10000x64xf32, #tpu.memory_space<vmem_shared>> -> memref<80x64xf32, #tpu.memory_space<vmem_shared>>
        tpu.enqueue_dma source(%dma_start3A_196 : memref<80x64xf32, #tpu.memory_space<vmem_shared>>) target(%arg11 : memref<80x64xf32, #tpu.memory_space<vmem>>) target_semaphore(%run_scoped3A : memref<!tpu.dma_semaphore, #tpu.memory_space<semaphore_mem>>)
        %dma_wait3A_197 = arith.constant 0 : i32
        %dma_wait3A_198 = tpu.memref_slice %arg6[%add3A_160, %dma_wait3A_197] : memref<10000x64xf32, #tpu.memory_space<vmem_shared>> -> memref<80x64xf32, #tpu.memory_space<vmem_shared>>
        %dma_wait3A_199 = arith.constant 0 : i32
        %dma_wait3A_200 = tpu.memref_slice %arg6[%add3A_160, %dma_wait3A_199] : memref<10000x64xf32, #tpu.memory_space<vmem_shared>> -> memref<80x64xf32, #tpu.memory_space<vmem_shared>>
        tpu.wait_dma2 semaphore(%run_scoped3A : memref<!tpu.dma_semaphore, #tpu.memory_space<semaphore_mem>>) src(%dma_wait3A_200 : memref<80x64xf32, #tpu.memory_space<vmem_shared>>) dst(%arg11 : memref<80x64xf32, #tpu.memory_space<vmem>>)
        tpu.yield
      }) : () -> ()
      %add3A_161 = arith.constant 80 : i32
      %add3A_162 = arith.addi %mul3A_6, %add3A_161 : i32
      "tpu.region"() ({
        %run_scoped3A = tpu.sem_alloc : memref<!tpu.dma_semaphore, #tpu.memory_space<semaphore_mem>>
        %dma_start3A_193 = arith.constant 0 : i32
        %dma_start3A_194 = tpu.memref_slice %arg5[%add3A_162, %dma_start3A_193] : memref<10000x64xf32, #tpu.memory_space<hbm>> -> memref<80x64xf32, #tpu.memory_space<hbm>>
        %dma_start3A_195 = arith.constant 0 : i32
        %dma_start3A_196 = tpu.memref_slice %arg5[%add3A_162, %dma_start3A_195] : memref<10000x64xf32, #tpu.memory_space<hbm>> -> memref<80x64xf32, #tpu.memory_space<hbm>>
        tpu.enqueue_dma source(%arg11 : memref<80x64xf32, #tpu.memory_space<vmem>>) target(%dma_start3A_196 : memref<80x64xf32, #tpu.memory_space<hbm>>) target_semaphore(%run_scoped3A : memref<!tpu.dma_semaphore, #tpu.memory_space<semaphore_mem>>)
        %dma_wait3A_197 = arith.constant 0 : i32
        %dma_wait3A_198 = tpu.memref_slice %arg5[%add3A_162, %dma_wait3A_197] : memref<10000x64xf32, #tpu.memory_space<hbm>> -> memref<80x64xf32, #tpu.memory_space<hbm>>
        %dma_wait3A_199 = arith.constant 0 : i32
        %dma_wait3A_200 = tpu.memref_slice %arg5[%add3A_162, %dma_wait3A_199] : memref<10000x64xf32, #tpu.memory_space<hbm>> -> memref<80x64xf32, #tpu.memory_space<hbm>>
        tpu.wait_dma2 semaphore(%run_scoped3A : memref<!tpu.dma_semaphore, #tpu.memory_space<semaphore_mem>>) src(%arg11 : memref<80x64xf32, #tpu.memory_space<vmem>>) dst(%dma_wait3A_200 : memref<80x64xf32, #tpu.memory_space<hbm>>)
        tpu.yield
      }) : () -> ()
      %add3A_163 = arith.constant 160 : i32
      %add3A_164 = arith.addi %mul3A_6, %add3A_163 : i32
      "tpu.region"() ({
        %run_scoped3A = tpu.sem_alloc : memref<!tpu.dma_semaphore, #tpu.memory_space<semaphore_mem>>
        %dma_start3A_193 = arith.constant 0 : i32
        %dma_start3A_194 = tpu.memref_slice %arg6[%add3A_164, %dma_start3A_193] : memref<10000x64xf32, #tpu.memory_space<vmem_shared>> -> memref<80x64xf32, #tpu.memory_space<vmem_shared>>
        %dma_start3A_195 = arith.constant 0 : i32
        %dma_start3A_196 = tpu.memref_slice %arg6[%add3A_164, %dma_start3A_195] : memref<10000x64xf32, #tpu.memory_space<vmem_shared>> -> memref<80x64xf32, #tpu.memory_space<vmem_shared>>
        tpu.enqueue_dma source(%dma_start3A_196 : memref<80x64xf32, #tpu.memory_space<vmem_shared>>) target(%arg11 : memref<80x64xf32, #tpu.memory_space<vmem>>) target_semaphore(%run_scoped3A : memref<!tpu.dma_semaphore, #tpu.memory_space<semaphore_mem>>)
        %dma_wait3A_197 = arith.constant 0 : i32
        %dma_wait3A_198 = tpu.memref_slice %arg6[%add3A_164, %dma_wait3A_197] : memref<10000x64xf32, #tpu.memory_space<vmem_shared>> -> memref<80x64xf32, #tpu.memory_space<vmem_shared>>
        %dma_wait3A_199 = arith.constant 0 : i32
        %dma_wait3A_200 = tpu.memref_slice %arg6[%add3A_164, %dma_wait3A_199] : memref<10000x64xf32, #tpu.memory_space<vmem_shared>> -> memref<80x64xf32, #tpu.memory_space<vmem_shared>>
        tpu.wait_dma2 semaphore(%run_scoped3A : memref<!tpu.dma_semaphore, #tpu.memory_space<semaphore_mem>>) src(%dma_wait3A_200 : memref<80x64xf32, #tpu.memory_space<vmem_shared>>) dst(%arg11 : memref<80x64xf32, #tpu.memory_space<vmem>>)
        tpu.yield
      }) : () -> ()
      %add3A_165 = arith.constant 160 : i32
      %add3A_166 = arith.addi %mul3A_6, %add3A_165 : i32
      "tpu.region"() ({
        %run_scoped3A = tpu.sem_alloc : memref<!tpu.dma_semaphore, #tpu.memory_space<semaphore_mem>>
        %dma_start3A_193 = arith.constant 0 : i32
        %dma_start3A_194 = tpu.memref_slice %arg5[%add3A_166, %dma_start3A_193] : memref<10000x64xf32, #tpu.memory_space<hbm>> -> memref<80x64xf32, #tpu.memory_space<hbm>>
        %dma_start3A_195 = arith.constant 0 : i32
        %dma_start3A_196 = tpu.memref_slice %arg5[%add3A_166, %dma_start3A_195] : memref<10000x64xf32, #tpu.memory_space<hbm>> -> memref<80x64xf32, #tpu.memory_space<hbm>>
        tpu.enqueue_dma source(%arg11 : memref<80x64xf32, #tpu.memory_space<vmem>>) target(%dma_start3A_196 : memref<80x64xf32, #tpu.memory_space<hbm>>) target_semaphore(%run_scoped3A : memref<!tpu.dma_semaphore, #tpu.memory_space<semaphore_mem>>)
        %dma_wait3A_197 = arith.constant 0 : i32
        %dma_wait3A_198 = tpu.memref_slice %arg5[%add3A_166, %dma_wait3A_197] : memref<10000x64xf32, #tpu.memory_space<hbm>> -> memref<80x64xf32, #tpu.memory_space<hbm>>
        %dma_wait3A_199 = arith.constant 0 : i32
        %dma_wait3A_200 = tpu.memref_slice %arg5[%add3A_166, %dma_wait3A_199] : memref<10000x64xf32, #tpu.memory_space<hbm>> -> memref<80x64xf32, #tpu.memory_space<hbm>>
        tpu.wait_dma2 semaphore(%run_scoped3A : memref<!tpu.dma_semaphore, #tpu.memory_space<semaphore_mem>>) src(%arg11 : memref<80x64xf32, #tpu.memory_space<vmem>>) dst(%dma_wait3A_200 : memref<80x64xf32, #tpu.memory_space<hbm>>)
        tpu.yield
      }) : () -> ()
      %add3A_167 = arith.constant 240 : i32
      %add3A_168 = arith.addi %mul3A_6, %add3A_167 : i32
      "tpu.region"() ({
        %run_scoped3A = tpu.sem_alloc : memref<!tpu.dma_semaphore, #tpu.memory_space<semaphore_mem>>
        %dma_start3A_193 = arith.constant 0 : i32
        %dma_start3A_194 = tpu.memref_slice %arg6[%add3A_168, %dma_start3A_193] : memref<10000x64xf32, #tpu.memory_space<vmem_shared>> -> memref<80x64xf32, #tpu.memory_space<vmem_shared>>
        %dma_start3A_195 = arith.constant 0 : i32
        %dma_start3A_196 = tpu.memref_slice %arg6[%add3A_168, %dma_start3A_195] : memref<10000x64xf32, #tpu.memory_space<vmem_shared>> -> memref<80x64xf32, #tpu.memory_space<vmem_shared>>
        tpu.enqueue_dma source(%dma_start3A_196 : memref<80x64xf32, #tpu.memory_space<vmem_shared>>) target(%arg11 : memref<80x64xf32, #tpu.memory_space<vmem>>) target_semaphore(%run_scoped3A : memref<!tpu.dma_semaphore, #tpu.memory_space<semaphore_mem>>)
        %dma_wait3A_197 = arith.constant 0 : i32
        %dma_wait3A_198 = tpu.memref_slice %arg6[%add3A_168, %dma_wait3A_197] : memref<10000x64xf32, #tpu.memory_space<vmem_shared>> -> memref<80x64xf32, #tpu.memory_space<vmem_shared>>
        %dma_wait3A_199 = arith.constant 0 : i32
        %dma_wait3A_200 = tpu.memref_slice %arg6[%add3A_168, %dma_wait3A_199] : memref<10000x64xf32, #tpu.memory_space<vmem_shared>> -> memref<80x64xf32, #tpu.memory_space<vmem_shared>>
        tpu.wait_dma2 semaphore(%run_scoped3A : memref<!tpu.dma_semaphore, #tpu.memory_space<semaphore_mem>>) src(%dma_wait3A_200 : memref<80x64xf32, #tpu.memory_space<vmem_shared>>) dst(%arg11 : memref<80x64xf32, #tpu.memory_space<vmem>>)
        tpu.yield
      }) : () -> ()
      %add3A_169 = arith.constant 240 : i32
      %add3A_170 = arith.addi %mul3A_6, %add3A_169 : i32
      "tpu.region"() ({
        %run_scoped3A = tpu.sem_alloc : memref<!tpu.dma_semaphore, #tpu.memory_space<semaphore_mem>>
        %dma_start3A_193 = arith.constant 0 : i32
        %dma_start3A_194 = tpu.memref_slice %arg5[%add3A_170, %dma_start3A_193] : memref<10000x64xf32, #tpu.memory_space<hbm>> -> memref<80x64xf32, #tpu.memory_space<hbm>>
        %dma_start3A_195 = arith.constant 0 : i32
        %dma_start3A_196 = tpu.memref_slice %arg5[%add3A_170, %dma_start3A_195] : memref<10000x64xf32, #tpu.memory_space<hbm>> -> memref<80x64xf32, #tpu.memory_space<hbm>>
        tpu.enqueue_dma source(%arg11 : memref<80x64xf32, #tpu.memory_space<vmem>>) target(%dma_start3A_196 : memref<80x64xf32, #tpu.memory_space<hbm>>) target_semaphore(%run_scoped3A : memref<!tpu.dma_semaphore, #tpu.memory_space<semaphore_mem>>)
        %dma_wait3A_197 = arith.constant 0 : i32
        %dma_wait3A_198 = tpu.memref_slice %arg5[%add3A_170, %dma_wait3A_197] : memref<10000x64xf32, #tpu.memory_space<hbm>> -> memref<80x64xf32, #tpu.memory_space<hbm>>
        %dma_wait3A_199 = arith.constant 0 : i32
        %dma_wait3A_200 = tpu.memref_slice %arg5[%add3A_170, %dma_wait3A_199] : memref<10000x64xf32, #tpu.memory_space<hbm>> -> memref<80x64xf32, #tpu.memory_space<hbm>>
        tpu.wait_dma2 semaphore(%run_scoped3A : memref<!tpu.dma_semaphore, #tpu.memory_space<semaphore_mem>>) src(%arg11 : memref<80x64xf32, #tpu.memory_space<vmem>>) dst(%dma_wait3A_200 : memref<80x64xf32, #tpu.memory_space<hbm>>)
        tpu.yield
      }) : () -> ()
      %add3A_171 = arith.constant 320 : i32
      %add3A_172 = arith.addi %mul3A_6, %add3A_171 : i32
      "tpu.region"() ({
        %run_scoped3A = tpu.sem_alloc : memref<!tpu.dma_semaphore, #tpu.memory_space<semaphore_mem>>
        %dma_start3A_193 = arith.constant 0 : i32
        %dma_start3A_194 = tpu.memref_slice %arg6[%add3A_172, %dma_start3A_193] : memref<10000x64xf32, #tpu.memory_space<vmem_shared>> -> memref<80x64xf32, #tpu.memory_space<vmem_shared>>
        %dma_start3A_195 = arith.constant 0 : i32
        %dma_start3A_196 = tpu.memref_slice %arg6[%add3A_172, %dma_start3A_195] : memref<10000x64xf32, #tpu.memory_space<vmem_shared>> -> memref<80x64xf32, #tpu.memory_space<vmem_shared>>
        tpu.enqueue_dma source(%dma_start3A_196 : memref<80x64xf32, #tpu.memory_space<vmem_shared>>) target(%arg11 : memref<80x64xf32, #tpu.memory_space<vmem>>) target_semaphore(%run_scoped3A : memref<!tpu.dma_semaphore, #tpu.memory_space<semaphore_mem>>)
        %dma_wait3A_197 = arith.constant 0 : i32
        %dma_wait3A_198 = tpu.memref_slice %arg6[%add3A_172, %dma_wait3A_197] : memref<10000x64xf32, #tpu.memory_space<vmem_shared>> -> memref<80x64xf32, #tpu.memory_space<vmem_shared>>
        %dma_wait3A_199 = arith.constant 0 : i32
        %dma_wait3A_200 = tpu.memref_slice %arg6[%add3A_172, %dma_wait3A_199] : memref<10000x64xf32, #tpu.memory_space<vmem_shared>> -> memref<80x64xf32, #tpu.memory_space<vmem_shared>>
        tpu.wait_dma2 semaphore(%run_scoped3A : memref<!tpu.dma_semaphore, #tpu.memory_space<semaphore_mem>>) src(%dma_wait3A_200 : memref<80x64xf32, #tpu.memory_space<vmem_shared>>) dst(%arg11 : memref<80x64xf32, #tpu.memory_space<vmem>>)
        tpu.yield
      }) : () -> ()
      %add3A_173 = arith.constant 320 : i32
      %add3A_174 = arith.addi %mul3A_6, %add3A_173 : i32
      "tpu.region"() ({
        %run_scoped3A = tpu.sem_alloc : memref<!tpu.dma_semaphore, #tpu.memory_space<semaphore_mem>>
        %dma_start3A_193 = arith.constant 0 : i32
        %dma_start3A_194 = tpu.memref_slice %arg5[%add3A_174, %dma_start3A_193] : memref<10000x64xf32, #tpu.memory_space<hbm>> -> memref<80x64xf32, #tpu.memory_space<hbm>>
        %dma_start3A_195 = arith.constant 0 : i32
        %dma_start3A_196 = tpu.memref_slice %arg5[%add3A_174, %dma_start3A_195] : memref<10000x64xf32, #tpu.memory_space<hbm>> -> memref<80x64xf32, #tpu.memory_space<hbm>>
        tpu.enqueue_dma source(%arg11 : memref<80x64xf32, #tpu.memory_space<vmem>>) target(%dma_start3A_196 : memref<80x64xf32, #tpu.memory_space<hbm>>) target_semaphore(%run_scoped3A : memref<!tpu.dma_semaphore, #tpu.memory_space<semaphore_mem>>)
        %dma_wait3A_197 = arith.constant 0 : i32
        %dma_wait3A_198 = tpu.memref_slice %arg5[%add3A_174, %dma_wait3A_197] : memref<10000x64xf32, #tpu.memory_space<hbm>> -> memref<80x64xf32, #tpu.memory_space<hbm>>
        %dma_wait3A_199 = arith.constant 0 : i32
        %dma_wait3A_200 = tpu.memref_slice %arg5[%add3A_174, %dma_wait3A_199] : memref<10000x64xf32, #tpu.memory_space<hbm>> -> memref<80x64xf32, #tpu.memory_space<hbm>>
        tpu.wait_dma2 semaphore(%run_scoped3A : memref<!tpu.dma_semaphore, #tpu.memory_space<semaphore_mem>>) src(%arg11 : memref<80x64xf32, #tpu.memory_space<vmem>>) dst(%dma_wait3A_200 : memref<80x64xf32, #tpu.memory_space<hbm>>)
        tpu.yield
      }) : () -> ()
      %add3A_175 = arith.constant 400 : i32
      %add3A_176 = arith.addi %mul3A_6, %add3A_175 : i32
      "tpu.region"() ({
        %run_scoped3A = tpu.sem_alloc : memref<!tpu.dma_semaphore, #tpu.memory_space<semaphore_mem>>
        %dma_start3A_193 = arith.constant 0 : i32
        %dma_start3A_194 = tpu.memref_slice %arg6[%add3A_176, %dma_start3A_193] : memref<10000x64xf32, #tpu.memory_space<vmem_shared>> -> memref<80x64xf32, #tpu.memory_space<vmem_shared>>
        %dma_start3A_195 = arith.constant 0 : i32
        %dma_start3A_196 = tpu.memref_slice %arg6[%add3A_176, %dma_start3A_195] : memref<10000x64xf32, #tpu.memory_space<vmem_shared>> -> memref<80x64xf32, #tpu.memory_space<vmem_shared>>
        tpu.enqueue_dma source(%dma_start3A_196 : memref<80x64xf32, #tpu.memory_space<vmem_shared>>) target(%arg11 : memref<80x64xf32, #tpu.memory_space<vmem>>) target_semaphore(%run_scoped3A : memref<!tpu.dma_semaphore, #tpu.memory_space<semaphore_mem>>)
        %dma_wait3A_197 = arith.constant 0 : i32
        %dma_wait3A_198 = tpu.memref_slice %arg6[%add3A_176, %dma_wait3A_197] : memref<10000x64xf32, #tpu.memory_space<vmem_shared>> -> memref<80x64xf32, #tpu.memory_space<vmem_shared>>
        %dma_wait3A_199 = arith.constant 0 : i32
        %dma_wait3A_200 = tpu.memref_slice %arg6[%add3A_176, %dma_wait3A_199] : memref<10000x64xf32, #tpu.memory_space<vmem_shared>> -> memref<80x64xf32, #tpu.memory_space<vmem_shared>>
        tpu.wait_dma2 semaphore(%run_scoped3A : memref<!tpu.dma_semaphore, #tpu.memory_space<semaphore_mem>>) src(%dma_wait3A_200 : memref<80x64xf32, #tpu.memory_space<vmem_shared>>) dst(%arg11 : memref<80x64xf32, #tpu.memory_space<vmem>>)
        tpu.yield
      }) : () -> ()
      %add3A_177 = arith.constant 400 : i32
      %add3A_178 = arith.addi %mul3A_6, %add3A_177 : i32
      "tpu.region"() ({
        %run_scoped3A = tpu.sem_alloc : memref<!tpu.dma_semaphore, #tpu.memory_space<semaphore_mem>>
        %dma_start3A_193 = arith.constant 0 : i32
        %dma_start3A_194 = tpu.memref_slice %arg5[%add3A_178, %dma_start3A_193] : memref<10000x64xf32, #tpu.memory_space<hbm>> -> memref<80x64xf32, #tpu.memory_space<hbm>>
        %dma_start3A_195 = arith.constant 0 : i32
        %dma_start3A_196 = tpu.memref_slice %arg5[%add3A_178, %dma_start3A_195] : memref<10000x64xf32, #tpu.memory_space<hbm>> -> memref<80x64xf32, #tpu.memory_space<hbm>>
        tpu.enqueue_dma source(%arg11 : memref<80x64xf32, #tpu.memory_space<vmem>>) target(%dma_start3A_196 : memref<80x64xf32, #tpu.memory_space<hbm>>) target_semaphore(%run_scoped3A : memref<!tpu.dma_semaphore, #tpu.memory_space<semaphore_mem>>)
        %dma_wait3A_197 = arith.constant 0 : i32
        %dma_wait3A_198 = tpu.memref_slice %arg5[%add3A_178, %dma_wait3A_197] : memref<10000x64xf32, #tpu.memory_space<hbm>> -> memref<80x64xf32, #tpu.memory_space<hbm>>
        %dma_wait3A_199 = arith.constant 0 : i32
        %dma_wait3A_200 = tpu.memref_slice %arg5[%add3A_178, %dma_wait3A_199] : memref<10000x64xf32, #tpu.memory_space<hbm>> -> memref<80x64xf32, #tpu.memory_space<hbm>>
        tpu.wait_dma2 semaphore(%run_scoped3A : memref<!tpu.dma_semaphore, #tpu.memory_space<semaphore_mem>>) src(%arg11 : memref<80x64xf32, #tpu.memory_space<vmem>>) dst(%dma_wait3A_200 : memref<80x64xf32, #tpu.memory_space<hbm>>)
        tpu.yield
      }) : () -> ()
      %add3A_179 = arith.constant 480 : i32
      %add3A_180 = arith.addi %mul3A_6, %add3A_179 : i32
      "tpu.region"() ({
        %run_scoped3A = tpu.sem_alloc : memref<!tpu.dma_semaphore, #tpu.memory_space<semaphore_mem>>
        %dma_start3A_193 = arith.constant 0 : i32
        %dma_start3A_194 = tpu.memref_slice %arg6[%add3A_180, %dma_start3A_193] : memref<10000x64xf32, #tpu.memory_space<vmem_shared>> -> memref<80x64xf32, #tpu.memory_space<vmem_shared>>
        %dma_start3A_195 = arith.constant 0 : i32
        %dma_start3A_196 = tpu.memref_slice %arg6[%add3A_180, %dma_start3A_195] : memref<10000x64xf32, #tpu.memory_space<vmem_shared>> -> memref<80x64xf32, #tpu.memory_space<vmem_shared>>
        tpu.enqueue_dma source(%dma_start3A_196 : memref<80x64xf32, #tpu.memory_space<vmem_shared>>) target(%arg11 : memref<80x64xf32, #tpu.memory_space<vmem>>) target_semaphore(%run_scoped3A : memref<!tpu.dma_semaphore, #tpu.memory_space<semaphore_mem>>)
        %dma_wait3A_197 = arith.constant 0 : i32
        %dma_wait3A_198 = tpu.memref_slice %arg6[%add3A_180, %dma_wait3A_197] : memref<10000x64xf32, #tpu.memory_space<vmem_shared>> -> memref<80x64xf32, #tpu.memory_space<vmem_shared>>
        %dma_wait3A_199 = arith.constant 0 : i32
        %dma_wait3A_200 = tpu.memref_slice %arg6[%add3A_180, %dma_wait3A_199] : memref<10000x64xf32, #tpu.memory_space<vmem_shared>> -> memref<80x64xf32, #tpu.memory_space<vmem_shared>>
        tpu.wait_dma2 semaphore(%run_scoped3A : memref<!tpu.dma_semaphore, #tpu.memory_space<semaphore_mem>>) src(%dma_wait3A_200 : memref<80x64xf32, #tpu.memory_space<vmem_shared>>) dst(%arg11 : memref<80x64xf32, #tpu.memory_space<vmem>>)
        tpu.yield
      }) : () -> ()
      %add3A_181 = arith.constant 480 : i32
      %add3A_182 = arith.addi %mul3A_6, %add3A_181 : i32
      "tpu.region"() ({
        %run_scoped3A = tpu.sem_alloc : memref<!tpu.dma_semaphore, #tpu.memory_space<semaphore_mem>>
        %dma_start3A_193 = arith.constant 0 : i32
        %dma_start3A_194 = tpu.memref_slice %arg5[%add3A_182, %dma_start3A_193] : memref<10000x64xf32, #tpu.memory_space<hbm>> -> memref<80x64xf32, #tpu.memory_space<hbm>>
        %dma_start3A_195 = arith.constant 0 : i32
        %dma_start3A_196 = tpu.memref_slice %arg5[%add3A_182, %dma_start3A_195] : memref<10000x64xf32, #tpu.memory_space<hbm>> -> memref<80x64xf32, #tpu.memory_space<hbm>>
        tpu.enqueue_dma source(%arg11 : memref<80x64xf32, #tpu.memory_space<vmem>>) target(%dma_start3A_196 : memref<80x64xf32, #tpu.memory_space<hbm>>) target_semaphore(%run_scoped3A : memref<!tpu.dma_semaphore, #tpu.memory_space<semaphore_mem>>)
        %dma_wait3A_197 = arith.constant 0 : i32
        %dma_wait3A_198 = tpu.memref_slice %arg5[%add3A_182, %dma_wait3A_197] : memref<10000x64xf32, #tpu.memory_space<hbm>> -> memref<80x64xf32, #tpu.memory_space<hbm>>
        %dma_wait3A_199 = arith.constant 0 : i32
        %dma_wait3A_200 = tpu.memref_slice %arg5[%add3A_182, %dma_wait3A_199] : memref<10000x64xf32, #tpu.memory_space<hbm>> -> memref<80x64xf32, #tpu.memory_space<hbm>>
        tpu.wait_dma2 semaphore(%run_scoped3A : memref<!tpu.dma_semaphore, #tpu.memory_space<semaphore_mem>>) src(%arg11 : memref<80x64xf32, #tpu.memory_space<vmem>>) dst(%dma_wait3A_200 : memref<80x64xf32, #tpu.memory_space<hbm>>)
        tpu.yield
      }) : () -> ()
      %lt3A_183 = arith.constant 15 : i32
      %lt3A_184 = arith.cmpi slt, %arg1, %lt3A_183 : i32
      %convert_element_type3A_185 = arith.extui %lt3A_184 : i1 to i32
      %cond3A_186 = arith.constant 0 : i32
      %cond3A_187 = arith.cmpi ne, %convert_element_type3A_185, %cond3A_186 : i32
      scf.if %cond3A_187 {
        %add3A_193 = arith.constant 560 : i32
        %add3A_194 = arith.addi %mul3A_6, %add3A_193 : i32
        "tpu.region"() ({
          %run_scoped3A = tpu.sem_alloc : memref<!tpu.dma_semaphore, #tpu.memory_space<semaphore_mem>>
          %dma_start3A_197 = arith.constant 0 : i32
          %dma_start3A_198 = arith.constant 0 : i32
          %dma_start3A_199 = tpu.memref_slice %arg11[%dma_start3A_197, %dma_start3A_198] : memref<80x64xf32, #tpu.memory_space<vmem>> -> memref<64x64xf32, #tpu.memory_space<vmem>>
          %dma_start3A_200 = arith.constant 0 : i32
          %dma_start3A_201 = tpu.memref_slice %arg6[%add3A_194, %dma_start3A_200] : memref<10000x64xf32, #tpu.memory_space<vmem_shared>> -> memref<64x64xf32, #tpu.memory_space<vmem_shared>>
          %dma_start3A_202 = arith.constant 0 : i32
          %dma_start3A_203 = arith.constant 0 : i32
          %dma_start3A_204 = tpu.memref_slice %arg11[%dma_start3A_202, %dma_start3A_203] : memref<80x64xf32, #tpu.memory_space<vmem>> -> memref<64x64xf32, #tpu.memory_space<vmem>>
          %dma_start3A_205 = arith.constant 0 : i32
          %dma_start3A_206 = tpu.memref_slice %arg6[%add3A_194, %dma_start3A_205] : memref<10000x64xf32, #tpu.memory_space<vmem_shared>> -> memref<64x64xf32, #tpu.memory_space<vmem_shared>>
          tpu.enqueue_dma source(%dma_start3A_206 : memref<64x64xf32, #tpu.memory_space<vmem_shared>>) target(%dma_start3A_204 : memref<64x64xf32, #tpu.memory_space<vmem>>) target_semaphore(%run_scoped3A : memref<!tpu.dma_semaphore, #tpu.memory_space<semaphore_mem>>)
          %dma_wait3A_207 = arith.constant 0 : i32
          %dma_wait3A_208 = arith.constant 0 : i32
          %dma_wait3A_209 = tpu.memref_slice %arg11[%dma_wait3A_207, %dma_wait3A_208] : memref<80x64xf32, #tpu.memory_space<vmem>> -> memref<64x64xf32, #tpu.memory_space<vmem>>
          %dma_wait3A_210 = arith.constant 0 : i32
          %dma_wait3A_211 = tpu.memref_slice %arg6[%add3A_194, %dma_wait3A_210] : memref<10000x64xf32, #tpu.memory_space<vmem_shared>> -> memref<64x64xf32, #tpu.memory_space<vmem_shared>>
          %dma_wait3A_212 = arith.constant 0 : i32
          %dma_wait3A_213 = arith.constant 0 : i32
          %dma_wait3A_214 = tpu.memref_slice %arg11[%dma_wait3A_212, %dma_wait3A_213] : memref<80x64xf32, #tpu.memory_space<vmem>> -> memref<64x64xf32, #tpu.memory_space<vmem>>
          %dma_wait3A_215 = arith.constant 0 : i32
          %dma_wait3A_216 = tpu.memref_slice %arg6[%add3A_194, %dma_wait3A_215] : memref<10000x64xf32, #tpu.memory_space<vmem_shared>> -> memref<64x64xf32, #tpu.memory_space<vmem_shared>>
          tpu.wait_dma2 semaphore(%run_scoped3A : memref<!tpu.dma_semaphore, #tpu.memory_space<semaphore_mem>>) src(%dma_wait3A_216 : memref<64x64xf32, #tpu.memory_space<vmem_shared>>) dst(%dma_wait3A_214 : memref<64x64xf32, #tpu.memory_space<vmem>>)
          tpu.yield
        }) : () -> ()
        %add3A_195 = arith.constant 560 : i32
        %add3A_196 = arith.addi %mul3A_6, %add3A_195 : i32
        "tpu.region"() ({
          %run_scoped3A = tpu.sem_alloc : memref<!tpu.dma_semaphore, #tpu.memory_space<semaphore_mem>>
          %dma_start3A_197 = arith.constant 0 : i32
          %dma_start3A_198 = arith.constant 0 : i32
          %dma_start3A_199 = tpu.memref_slice %arg11[%dma_start3A_197, %dma_start3A_198] : memref<80x64xf32, #tpu.memory_space<vmem>> -> memref<64x64xf32, #tpu.memory_space<vmem>>
          %dma_start3A_200 = arith.constant 0 : i32
          %dma_start3A_201 = tpu.memref_slice %arg5[%add3A_196, %dma_start3A_200] : memref<10000x64xf32, #tpu.memory_space<hbm>> -> memref<64x64xf32, #tpu.memory_space<hbm>>
          %dma_start3A_202 = arith.constant 0 : i32
          %dma_start3A_203 = tpu.memref_slice %arg5[%add3A_196, %dma_start3A_202] : memref<10000x64xf32, #tpu.memory_space<hbm>> -> memref<64x64xf32, #tpu.memory_space<hbm>>
          %dma_start3A_204 = arith.constant 0 : i32
          %dma_start3A_205 = arith.constant 0 : i32
          %dma_start3A_206 = tpu.memref_slice %arg11[%dma_start3A_204, %dma_start3A_205] : memref<80x64xf32, #tpu.memory_space<vmem>> -> memref<64x64xf32, #tpu.memory_space<vmem>>
          tpu.enqueue_dma source(%dma_start3A_206 : memref<64x64xf32, #tpu.memory_space<vmem>>) target(%dma_start3A_203 : memref<64x64xf32, #tpu.memory_space<hbm>>) target_semaphore(%run_scoped3A : memref<!tpu.dma_semaphore, #tpu.memory_space<semaphore_mem>>)
          %dma_wait3A_207 = arith.constant 0 : i32
          %dma_wait3A_208 = arith.constant 0 : i32
          %dma_wait3A_209 = tpu.memref_slice %arg11[%dma_wait3A_207, %dma_wait3A_208] : memref<80x64xf32, #tpu.memory_space<vmem>> -> memref<64x64xf32, #tpu.memory_space<vmem>>
          %dma_wait3A_210 = arith.constant 0 : i32
          %dma_wait3A_211 = tpu.memref_slice %arg5[%add3A_196, %dma_wait3A_210] : memref<10000x64xf32, #tpu.memory_space<hbm>> -> memref<64x64xf32, #tpu.memory_space<hbm>>
          %dma_wait3A_212 = arith.constant 0 : i32
          %dma_wait3A_213 = tpu.memref_slice %arg5[%add3A_196, %dma_wait3A_212] : memref<10000x64xf32, #tpu.memory_space<hbm>> -> memref<64x64xf32, #tpu.memory_space<hbm>>
          %dma_wait3A_214 = arith.constant 0 : i32
          %dma_wait3A_215 = arith.constant 0 : i32
          %dma_wait3A_216 = tpu.memref_slice %arg11[%dma_wait3A_214, %dma_wait3A_215] : memref<80x64xf32, #tpu.memory_space<vmem>> -> memref<64x64xf32, #tpu.memory_space<vmem>>
          tpu.wait_dma2 semaphore(%run_scoped3A : memref<!tpu.dma_semaphore, #tpu.memory_space<semaphore_mem>>) src(%dma_wait3A_216 : memref<64x64xf32, #tpu.memory_space<vmem>>) dst(%dma_wait3A_213 : memref<64x64xf32, #tpu.memory_space<hbm>>)
          tpu.yield
        }) : () -> ()
      } else {
      }
      %eq3A_188 = arith.constant 15 : i32
      %eq3A_189 = arith.cmpi eq, %arg1, %eq3A_188 : i32
      %convert_element_type3A_190 = arith.extui %eq3A_189 : i1 to i32
      %cond3A_191 = arith.constant 0 : i32
      %cond3A_192 = arith.cmpi ne, %convert_element_type3A_190, %cond3A_191 : i32
      scf.if %cond3A_192 {
        %add3A_193 = arith.constant 560 : i32
        %add3A_194 = arith.addi %mul3A_6, %add3A_193 : i32
        "tpu.region"() ({
          %run_scoped3A = tpu.sem_alloc : memref<!tpu.dma_semaphore, #tpu.memory_space<semaphore_mem>>
          %dma_start3A_197 = arith.constant 0 : i32
          %dma_start3A_198 = tpu.memref_slice %arg6[%add3A_194, %dma_start3A_197] : memref<10000x64xf32, #tpu.memory_space<vmem_shared>> -> memref<80x64xf32, #tpu.memory_space<vmem_shared>>
          %dma_start3A_199 = arith.constant 0 : i32
          %dma_start3A_200 = tpu.memref_slice %arg6[%add3A_194, %dma_start3A_199] : memref<10000x64xf32, #tpu.memory_space<vmem_shared>> -> memref<80x64xf32, #tpu.memory_space<vmem_shared>>
          tpu.enqueue_dma source(%dma_start3A_200 : memref<80x64xf32, #tpu.memory_space<vmem_shared>>) target(%arg11 : memref<80x64xf32, #tpu.memory_space<vmem>>) target_semaphore(%run_scoped3A : memref<!tpu.dma_semaphore, #tpu.memory_space<semaphore_mem>>)
          %dma_wait3A_201 = arith.constant 0 : i32
          %dma_wait3A_202 = tpu.memref_slice %arg6[%add3A_194, %dma_wait3A_201] : memref<10000x64xf32, #tpu.memory_space<vmem_shared>> -> memref<80x64xf32, #tpu.memory_space<vmem_shared>>
          %dma_wait3A_203 = arith.constant 0 : i32
          %dma_wait3A_204 = tpu.memref_slice %arg6[%add3A_194, %dma_wait3A_203] : memref<10000x64xf32, #tpu.memory_space<vmem_shared>> -> memref<80x64xf32, #tpu.memory_space<vmem_shared>>
          tpu.wait_dma2 semaphore(%run_scoped3A : memref<!tpu.dma_semaphore, #tpu.memory_space<semaphore_mem>>) src(%dma_wait3A_204 : memref<80x64xf32, #tpu.memory_space<vmem_shared>>) dst(%arg11 : memref<80x64xf32, #tpu.memory_space<vmem>>)
          tpu.yield
        }) : () -> ()
        %add3A_195 = arith.constant 560 : i32
        %add3A_196 = arith.addi %mul3A_6, %add3A_195 : i32
        "tpu.region"() ({
          %run_scoped3A = tpu.sem_alloc : memref<!tpu.dma_semaphore, #tpu.memory_space<semaphore_mem>>
          %dma_start3A_197 = arith.constant 0 : i32
          %dma_start3A_198 = tpu.memref_slice %arg5[%add3A_196, %dma_start3A_197] : memref<10000x64xf32, #tpu.memory_space<hbm>> -> memref<80x64xf32, #tpu.memory_space<hbm>>
          %dma_start3A_199 = arith.constant 0 : i32
          %dma_start3A_200 = tpu.memref_slice %arg5[%add3A_196, %dma_start3A_199] : memref<10000x64xf32, #tpu.memory_space<hbm>> -> memref<80x64xf32, #tpu.memory_space<hbm>>
          tpu.enqueue_dma source(%arg11 : memref<80x64xf32, #tpu.memory_space<vmem>>) target(%dma_start3A_200 : memref<80x64xf32, #tpu.memory_space<hbm>>) target_semaphore(%run_scoped3A : memref<!tpu.dma_semaphore, #tpu.memory_space<semaphore_mem>>)
          %dma_wait3A_201 = arith.constant 0 : i32
          %dma_wait3A_202 = tpu.memref_slice %arg5[%add3A_196, %dma_wait3A_201] : memref<10000x64xf32, #tpu.memory_space<hbm>> -> memref<80x64xf32, #tpu.memory_space<hbm>>
          %dma_wait3A_203 = arith.constant 0 : i32
          %dma_wait3A_204 = tpu.memref_slice %arg5[%add3A_196, %dma_wait3A_203] : memref<10000x64xf32, #tpu.memory_space<hbm>> -> memref<80x64xf32, #tpu.memory_space<hbm>>
          tpu.wait_dma2 semaphore(%run_scoped3A : memref<!tpu.dma_semaphore, #tpu.memory_space<semaphore_mem>>) src(%arg11 : memref<80x64xf32, #tpu.memory_space<vmem>>) dst(%dma_wait3A_204 : memref<80x64xf32, #tpu.memory_space<hbm>>)
          tpu.yield
        }) : () -> ()
      } else {
      }
    } else {
    }
    return
  }
}

module attributes {stable_mosaic.version = 14 : i64} {
  func.func @_tc_pre_body(%arg0: i32, %arg1: memref<400x128xf32, #tpu.memory_space<vmem>>, %arg2: memref<16x128xf32, #tpu.memory_space<vmem>>, %arg3: memref<256x256xf32, #tpu.memory_space<vmem>>, %arg4: memref<1x256xf32, #tpu.memory_space<vmem>>, %arg5: memref<256x64xf32, #tpu.memory_space<vmem>>, %arg6: memref<1x64xf32, #tpu.memory_space<vmem>>, %arg7: memref<128x128xf32, #tpu.memory_space<vmem>>, %arg8: memref<1x128xf32, #tpu.memory_space<vmem>>, %arg9: memref<128x64xf32, #tpu.memory_space<vmem>>, %arg10: memref<1x64xf32, #tpu.memory_space<vmem>>, %arg11: memref<16x400x64xf32, #tpu.memory_space<vmem>>, %arg12: memref<400x64xf32, #tpu.memory_space<vmem>>) attributes {dimension_semantics = [#tpu.dimension_semantics<arbitrary>], iteration_bounds = array<i64: 25>, scalar_prefetch = 0 : i64, scratch_operands = 0 : i64, tpu.core_type = #tpu.core_type<tc>, window_params = [{transform_indices = @transform_0, window_bounds = array<i64: 400, 128>}, {pipeline_mode = #tpu.pipeline_mode<synchronous>, transform_indices = @transform_1, window_bounds = array<i64: 16, 128>}, {pipeline_mode = #tpu.pipeline_mode<synchronous>, transform_indices = @transform_2, window_bounds = array<i64: 256, 256>}, {pipeline_mode = #tpu.pipeline_mode<synchronous>, transform_indices = @transform_3, window_bounds = array<i64: 1, 256>}, {pipeline_mode = #tpu.pipeline_mode<synchronous>, transform_indices = @transform_4, window_bounds = array<i64: 256, 64>}, {pipeline_mode = #tpu.pipeline_mode<synchronous>, transform_indices = @transform_5, window_bounds = array<i64: 1, 64>}, {pipeline_mode = #tpu.pipeline_mode<synchronous>, transform_indices = @transform_6, window_bounds = array<i64: 128, 128>}, {pipeline_mode = #tpu.pipeline_mode<synchronous>, transform_indices = @transform_7, window_bounds = array<i64: 1, 128>}, {pipeline_mode = #tpu.pipeline_mode<synchronous>, transform_indices = @transform_8, window_bounds = array<i64: 128, 64>}, {pipeline_mode = #tpu.pipeline_mode<synchronous>, transform_indices = @transform_9, window_bounds = array<i64: 1, 64>}, {transform_indices = @transform_10, window_bounds = array<i64: 16, 400, 64>}, {transform_indices = @transform_11, window_bounds = array<i64: 400, 64>}]} {
    %get3A = arith.constant 0 : index
    %get3A_0 = arith.constant 0 : index
    %get3A_1 = vector.load %arg1[%get3A, %get3A_0] : memref<400x128xf32, #tpu.memory_space<vmem>>, vector<400x128xf32>
    %get3A_2 = arith.constant 0 : index
    %get3A_3 = arith.constant 0 : index
    %get3A_4 = vector.load %arg3[%get3A_2, %get3A_3] : memref<256x256xf32, #tpu.memory_space<vmem>>, vector<256x256xf32>
    %get3A_5 = arith.constant 0 : index
    %get3A_6 = arith.constant 0 : index
    %get3A_7 = vector.load %arg5[%get3A_5, %get3A_6] : memref<256x64xf32, #tpu.memory_space<vmem>>, vector<256x64xf32>
    %get3A_8 = arith.constant 0 : index
    %get3A_9 = arith.constant 0 : index
    %get3A_10 = vector.load %arg6[%get3A_8, %get3A_9] : memref<1x64xf32, #tpu.memory_space<vmem>>, vector<1x64xf32>
    %slice3A = vector.extract_strided_slice %get3A_4 {offsets = [128, 0], sizes = [128, 256], strides = [1, 1]} : vector<256x256xf32> to vector<128x256xf32>
    %dot_general3A = arith.constant dense<0.000000e+00> : vector<400x256xf32>
    %dot_general3A_11 = tpu.matmul %get3A_1, %slice3A, %dot_general3A {dimension_numbers = #tpu.dot_dimension_numbers<[1], [0], [0], [1], [0, 0, 1, 1], [], []>, transpose_lhs_hint = false} : vector<400x128xf32>, vector<128x256xf32>, vector<400x256xf32> -> vector<400x256xf32>
    %get3A_12 = arith.constant 0 : index
    %get3A_13 = arith.constant 0 : index
    %get3A_14 = vector.load %arg2[%get3A_12, %get3A_13] : memref<16x128xf32, #tpu.memory_space<vmem>>, vector<16x128xf32>
    %slice3A_15 = vector.extract_strided_slice %get3A_4 {offsets = [0, 0], sizes = [128, 256], strides = [1, 1]} : vector<256x256xf32> to vector<128x256xf32>
    %dot_general3A_16 = arith.constant dense<0.000000e+00> : vector<16x256xf32>
    %dot_general3A_17 = tpu.matmul %get3A_14, %slice3A_15, %dot_general3A_16 {dimension_numbers = #tpu.dot_dimension_numbers<[1], [0], [0], [1], [0, 0, 1, 1], [], []>, transpose_lhs_hint = false} : vector<16x128xf32>, vector<128x256xf32>, vector<16x256xf32> -> vector<16x256xf32>
    %get3A_18 = arith.constant 0 : index
    %get3A_19 = arith.constant 0 : index
    %get3A_20 = vector.load %arg4[%get3A_18, %get3A_19] : memref<1x256xf32, #tpu.memory_space<vmem>>, vector<1x256xf32>
    %add3A = vector.broadcast %get3A_20 : vector<1x256xf32> to vector<16x256xf32>
    %add3A_21 = arith.addf %dot_general3A_17, %add3A : vector<16x256xf32>
    %slice3A_22 = vector.extract_strided_slice %add3A_21 {offsets = [0, 0], sizes = [1, 256], strides = [1, 1]} : vector<16x256xf32> to vector<1x256xf32>
    %add3A_23 = vector.broadcast %slice3A_22 : vector<1x256xf32> to vector<400x256xf32>
    %add3A_24 = arith.addf %dot_general3A_11, %add3A_23 : vector<400x256xf32>
    %max3A = arith.constant 0.000000e+00 : f32
    %max3A_25 = vector.broadcast %max3A : f32 to vector<400x256xf32>
    %max3A_26 = arith.maximumf %add3A_24, %max3A_25 : vector<400x256xf32>
    %dot_general3A_27 = arith.constant dense<0.000000e+00> : vector<400x64xf32>
    %dot_general3A_28 = tpu.matmul %max3A_26, %get3A_7, %dot_general3A_27 {dimension_numbers = #tpu.dot_dimension_numbers<[1], [0], [0], [1], [0, 0, 1, 1], [], []>, transpose_lhs_hint = false} : vector<400x256xf32>, vector<256x64xf32>, vector<400x64xf32> -> vector<400x64xf32>
    %add3A_29 = vector.broadcast %get3A_10 : vector<1x64xf32> to vector<400x64xf32>
    %add3A_30 = arith.addf %dot_general3A_28, %add3A_29 : vector<400x64xf32>
    %swap3A = arith.constant 0 : index
    %swap3A_31 = arith.constant 0 : index
    %swap3A_32 = arith.constant 0 : index
    %swap3A_33 = vector.load %arg11[%swap3A, %swap3A_31, %swap3A_32] : memref<16x400x64xf32, #tpu.memory_space<vmem>>, vector<1x400x64xf32>
    %swap3A_34 = vector.shape_cast %swap3A_33 : vector<1x400x64xf32> to vector<400x64xf32>
    %swap3A_35 = vector.shape_cast %add3A_30 : vector<400x64xf32> to vector<1x400x64xf32>
    tpu.vector_store %arg11[%swap3A, %swap3A_31, %swap3A_32], %swap3A_35 {strides = array<i32>} : memref<16x400x64xf32, #tpu.memory_space<vmem>>, vector<1x400x64xf32>,
    %slice3A_36 = vector.extract_strided_slice %add3A_21 {offsets = [1, 0], sizes = [1, 256], strides = [1, 1]} : vector<16x256xf32> to vector<1x256xf32>
    %add3A_37 = vector.broadcast %slice3A_36 : vector<1x256xf32> to vector<400x256xf32>
    %add3A_38 = arith.addf %dot_general3A_11, %add3A_37 : vector<400x256xf32>
    %max3A_39 = arith.constant 0.000000e+00 : f32
    %max3A_40 = vector.broadcast %max3A_39 : f32 to vector<400x256xf32>
    %max3A_41 = arith.maximumf %add3A_38, %max3A_40 : vector<400x256xf32>
    %dot_general3A_42 = arith.constant dense<0.000000e+00> : vector<400x64xf32>
    %dot_general3A_43 = tpu.matmul %max3A_41, %get3A_7, %dot_general3A_42 {dimension_numbers = #tpu.dot_dimension_numbers<[1], [0], [0], [1], [0, 0, 1, 1], [], []>, transpose_lhs_hint = false} : vector<400x256xf32>, vector<256x64xf32>, vector<400x64xf32> -> vector<400x64xf32>
    %add3A_44 = vector.broadcast %get3A_10 : vector<1x64xf32> to vector<400x64xf32>
    %add3A_45 = arith.addf %dot_general3A_43, %add3A_44 : vector<400x64xf32>
    %swap3A_46 = arith.constant 1 : index
    %swap3A_47 = arith.constant 0 : index
    %swap3A_48 = arith.constant 0 : index
    %swap3A_49 = vector.load %arg11[%swap3A_46, %swap3A_47, %swap3A_48] : memref<16x400x64xf32, #tpu.memory_space<vmem>>, vector<1x400x64xf32>
    %swap3A_50 = vector.shape_cast %swap3A_49 : vector<1x400x64xf32> to vector<400x64xf32>
    %swap3A_51 = vector.shape_cast %add3A_45 : vector<400x64xf32> to vector<1x400x64xf32>
    tpu.vector_store %arg11[%swap3A_46, %swap3A_47, %swap3A_48], %swap3A_51 {strides = array<i32>} : memref<16x400x64xf32, #tpu.memory_space<vmem>>, vector<1x400x64xf32>,
    %slice3A_52 = vector.extract_strided_slice %add3A_21 {offsets = [2, 0], sizes = [1, 256], strides = [1, 1]} : vector<16x256xf32> to vector<1x256xf32>
    %add3A_53 = vector.broadcast %slice3A_52 : vector<1x256xf32> to vector<400x256xf32>
    %add3A_54 = arith.addf %dot_general3A_11, %add3A_53 : vector<400x256xf32>
    %max3A_55 = arith.constant 0.000000e+00 : f32
    %max3A_56 = vector.broadcast %max3A_55 : f32 to vector<400x256xf32>
    %max3A_57 = arith.maximumf %add3A_54, %max3A_56 : vector<400x256xf32>
    %dot_general3A_58 = arith.constant dense<0.000000e+00> : vector<400x64xf32>
    %dot_general3A_59 = tpu.matmul %max3A_57, %get3A_7, %dot_general3A_58 {dimension_numbers = #tpu.dot_dimension_numbers<[1], [0], [0], [1], [0, 0, 1, 1], [], []>, transpose_lhs_hint = false} : vector<400x256xf32>, vector<256x64xf32>, vector<400x64xf32> -> vector<400x64xf32>
    %add3A_60 = vector.broadcast %get3A_10 : vector<1x64xf32> to vector<400x64xf32>
    %add3A_61 = arith.addf %dot_general3A_59, %add3A_60 : vector<400x64xf32>
    %swap3A_62 = arith.constant 2 : index
    %swap3A_63 = arith.constant 0 : index
    %swap3A_64 = arith.constant 0 : index
    %swap3A_65 = vector.load %arg11[%swap3A_62, %swap3A_63, %swap3A_64] : memref<16x400x64xf32, #tpu.memory_space<vmem>>, vector<1x400x64xf32>
    %swap3A_66 = vector.shape_cast %swap3A_65 : vector<1x400x64xf32> to vector<400x64xf32>
    %swap3A_67 = vector.shape_cast %add3A_61 : vector<400x64xf32> to vector<1x400x64xf32>
    tpu.vector_store %arg11[%swap3A_62, %swap3A_63, %swap3A_64], %swap3A_67 {strides = array<i32>} : memref<16x400x64xf32, #tpu.memory_space<vmem>>, vector<1x400x64xf32>,
    %slice3A_68 = vector.extract_strided_slice %add3A_21 {offsets = [3, 0], sizes = [1, 256], strides = [1, 1]} : vector<16x256xf32> to vector<1x256xf32>
    %add3A_69 = vector.broadcast %slice3A_68 : vector<1x256xf32> to vector<400x256xf32>
    %add3A_70 = arith.addf %dot_general3A_11, %add3A_69 : vector<400x256xf32>
    %max3A_71 = arith.constant 0.000000e+00 : f32
    %max3A_72 = vector.broadcast %max3A_71 : f32 to vector<400x256xf32>
    %max3A_73 = arith.maximumf %add3A_70, %max3A_72 : vector<400x256xf32>
    %dot_general3A_74 = arith.constant dense<0.000000e+00> : vector<400x64xf32>
    %dot_general3A_75 = tpu.matmul %max3A_73, %get3A_7, %dot_general3A_74 {dimension_numbers = #tpu.dot_dimension_numbers<[1], [0], [0], [1], [0, 0, 1, 1], [], []>, transpose_lhs_hint = false} : vector<400x256xf32>, vector<256x64xf32>, vector<400x64xf32> -> vector<400x64xf32>
    %add3A_76 = vector.broadcast %get3A_10 : vector<1x64xf32> to vector<400x64xf32>
    %add3A_77 = arith.addf %dot_general3A_75, %add3A_76 : vector<400x64xf32>
    %swap3A_78 = arith.constant 3 : index
    %swap3A_79 = arith.constant 0 : index
    %swap3A_80 = arith.constant 0 : index
    %swap3A_81 = vector.load %arg11[%swap3A_78, %swap3A_79, %swap3A_80] : memref<16x400x64xf32, #tpu.memory_space<vmem>>, vector<1x400x64xf32>
    %swap3A_82 = vector.shape_cast %swap3A_81 : vector<1x400x64xf32> to vector<400x64xf32>
    %swap3A_83 = vector.shape_cast %add3A_77 : vector<400x64xf32> to vector<1x400x64xf32>
    tpu.vector_store %arg11[%swap3A_78, %swap3A_79, %swap3A_80], %swap3A_83 {strides = array<i32>} : memref<16x400x64xf32, #tpu.memory_space<vmem>>, vector<1x400x64xf32>,
    %slice3A_84 = vector.extract_strided_slice %add3A_21 {offsets = [4, 0], sizes = [1, 256], strides = [1, 1]} : vector<16x256xf32> to vector<1x256xf32>
    %add3A_85 = vector.broadcast %slice3A_84 : vector<1x256xf32> to vector<400x256xf32>
    %add3A_86 = arith.addf %dot_general3A_11, %add3A_85 : vector<400x256xf32>
    %max3A_87 = arith.constant 0.000000e+00 : f32
    %max3A_88 = vector.broadcast %max3A_87 : f32 to vector<400x256xf32>
    %max3A_89 = arith.maximumf %add3A_86, %max3A_88 : vector<400x256xf32>
    %dot_general3A_90 = arith.constant dense<0.000000e+00> : vector<400x64xf32>
    %dot_general3A_91 = tpu.matmul %max3A_89, %get3A_7, %dot_general3A_90 {dimension_numbers = #tpu.dot_dimension_numbers<[1], [0], [0], [1], [0, 0, 1, 1], [], []>, transpose_lhs_hint = false} : vector<400x256xf32>, vector<256x64xf32>, vector<400x64xf32> -> vector<400x64xf32>
    %add3A_92 = vector.broadcast %get3A_10 : vector<1x64xf32> to vector<400x64xf32>
    %add3A_93 = arith.addf %dot_general3A_91, %add3A_92 : vector<400x64xf32>
    %swap3A_94 = arith.constant 4 : index
    %swap3A_95 = arith.constant 0 : index
    %swap3A_96 = arith.constant 0 : index
    %swap3A_97 = vector.load %arg11[%swap3A_94, %swap3A_95, %swap3A_96] : memref<16x400x64xf32, #tpu.memory_space<vmem>>, vector<1x400x64xf32>
    %swap3A_98 = vector.shape_cast %swap3A_97 : vector<1x400x64xf32> to vector<400x64xf32>
    %swap3A_99 = vector.shape_cast %add3A_93 : vector<400x64xf32> to vector<1x400x64xf32>
    tpu.vector_store %arg11[%swap3A_94, %swap3A_95, %swap3A_96], %swap3A_99 {strides = array<i32>} : memref<16x400x64xf32, #tpu.memory_space<vmem>>, vector<1x400x64xf32>,
    %slice3A_100 = vector.extract_strided_slice %add3A_21 {offsets = [5, 0], sizes = [1, 256], strides = [1, 1]} : vector<16x256xf32> to vector<1x256xf32>
    %add3A_101 = vector.broadcast %slice3A_100 : vector<1x256xf32> to vector<400x256xf32>
    %add3A_102 = arith.addf %dot_general3A_11, %add3A_101 : vector<400x256xf32>
    %max3A_103 = arith.constant 0.000000e+00 : f32
    %max3A_104 = vector.broadcast %max3A_103 : f32 to vector<400x256xf32>
    %max3A_105 = arith.maximumf %add3A_102, %max3A_104 : vector<400x256xf32>
    %dot_general3A_106 = arith.constant dense<0.000000e+00> : vector<400x64xf32>
    %dot_general3A_107 = tpu.matmul %max3A_105, %get3A_7, %dot_general3A_106 {dimension_numbers = #tpu.dot_dimension_numbers<[1], [0], [0], [1], [0, 0, 1, 1], [], []>, transpose_lhs_hint = false} : vector<400x256xf32>, vector<256x64xf32>, vector<400x64xf32> -> vector<400x64xf32>
    %add3A_108 = vector.broadcast %get3A_10 : vector<1x64xf32> to vector<400x64xf32>
    %add3A_109 = arith.addf %dot_general3A_107, %add3A_108 : vector<400x64xf32>
    %swap3A_110 = arith.constant 5 : index
    %swap3A_111 = arith.constant 0 : index
    %swap3A_112 = arith.constant 0 : index
    %swap3A_113 = vector.load %arg11[%swap3A_110, %swap3A_111, %swap3A_112] : memref<16x400x64xf32, #tpu.memory_space<vmem>>, vector<1x400x64xf32>
    %swap3A_114 = vector.shape_cast %swap3A_113 : vector<1x400x64xf32> to vector<400x64xf32>
    %swap3A_115 = vector.shape_cast %add3A_109 : vector<400x64xf32> to vector<1x400x64xf32>
    tpu.vector_store %arg11[%swap3A_110, %swap3A_111, %swap3A_112], %swap3A_115 {strides = array<i32>} : memref<16x400x64xf32, #tpu.memory_space<vmem>>, vector<1x400x64xf32>,
    %slice3A_116 = vector.extract_strided_slice %add3A_21 {offsets = [6, 0], sizes = [1, 256], strides = [1, 1]} : vector<16x256xf32> to vector<1x256xf32>
    %add3A_117 = vector.broadcast %slice3A_116 : vector<1x256xf32> to vector<400x256xf32>
    %add3A_118 = arith.addf %dot_general3A_11, %add3A_117 : vector<400x256xf32>
    %max3A_119 = arith.constant 0.000000e+00 : f32
    %max3A_120 = vector.broadcast %max3A_119 : f32 to vector<400x256xf32>
    %max3A_121 = arith.maximumf %add3A_118, %max3A_120 : vector<400x256xf32>
    %dot_general3A_122 = arith.constant dense<0.000000e+00> : vector<400x64xf32>
    %dot_general3A_123 = tpu.matmul %max3A_121, %get3A_7, %dot_general3A_122 {dimension_numbers = #tpu.dot_dimension_numbers<[1], [0], [0], [1], [0, 0, 1, 1], [], []>, transpose_lhs_hint = false} : vector<400x256xf32>, vector<256x64xf32>, vector<400x64xf32> -> vector<400x64xf32>
    %add3A_124 = vector.broadcast %get3A_10 : vector<1x64xf32> to vector<400x64xf32>
    %add3A_125 = arith.addf %dot_general3A_123, %add3A_124 : vector<400x64xf32>
    %swap3A_126 = arith.constant 6 : index
    %swap3A_127 = arith.constant 0 : index
    %swap3A_128 = arith.constant 0 : index
    %swap3A_129 = vector.load %arg11[%swap3A_126, %swap3A_127, %swap3A_128] : memref<16x400x64xf32, #tpu.memory_space<vmem>>, vector<1x400x64xf32>
    %swap3A_130 = vector.shape_cast %swap3A_129 : vector<1x400x64xf32> to vector<400x64xf32>
    %swap3A_131 = vector.shape_cast %add3A_125 : vector<400x64xf32> to vector<1x400x64xf32>
    tpu.vector_store %arg11[%swap3A_126, %swap3A_127, %swap3A_128], %swap3A_131 {strides = array<i32>} : memref<16x400x64xf32, #tpu.memory_space<vmem>>, vector<1x400x64xf32>,
    %slice3A_132 = vector.extract_strided_slice %add3A_21 {offsets = [7, 0], sizes = [1, 256], strides = [1, 1]} : vector<16x256xf32> to vector<1x256xf32>
    %add3A_133 = vector.broadcast %slice3A_132 : vector<1x256xf32> to vector<400x256xf32>
    %add3A_134 = arith.addf %dot_general3A_11, %add3A_133 : vector<400x256xf32>
    %max3A_135 = arith.constant 0.000000e+00 : f32
    %max3A_136 = vector.broadcast %max3A_135 : f32 to vector<400x256xf32>
    %max3A_137 = arith.maximumf %add3A_134, %max3A_136 : vector<400x256xf32>
    %dot_general3A_138 = arith.constant dense<0.000000e+00> : vector<400x64xf32>
    %dot_general3A_139 = tpu.matmul %max3A_137, %get3A_7, %dot_general3A_138 {dimension_numbers = #tpu.dot_dimension_numbers<[1], [0], [0], [1], [0, 0, 1, 1], [], []>, transpose_lhs_hint = false} : vector<400x256xf32>, vector<256x64xf32>, vector<400x64xf32> -> vector<400x64xf32>
    %add3A_140 = vector.broadcast %get3A_10 : vector<1x64xf32> to vector<400x64xf32>
    %add3A_141 = arith.addf %dot_general3A_139, %add3A_140 : vector<400x64xf32>
    %swap3A_142 = arith.constant 7 : index
    %swap3A_143 = arith.constant 0 : index
    %swap3A_144 = arith.constant 0 : index
    %swap3A_145 = vector.load %arg11[%swap3A_142, %swap3A_143, %swap3A_144] : memref<16x400x64xf32, #tpu.memory_space<vmem>>, vector<1x400x64xf32>
    %swap3A_146 = vector.shape_cast %swap3A_145 : vector<1x400x64xf32> to vector<400x64xf32>
    %swap3A_147 = vector.shape_cast %add3A_141 : vector<400x64xf32> to vector<1x400x64xf32>
    tpu.vector_store %arg11[%swap3A_142, %swap3A_143, %swap3A_144], %swap3A_147 {strides = array<i32>} : memref<16x400x64xf32, #tpu.memory_space<vmem>>, vector<1x400x64xf32>,
    %slice3A_148 = vector.extract_strided_slice %add3A_21 {offsets = [8, 0], sizes = [1, 256], strides = [1, 1]} : vector<16x256xf32> to vector<1x256xf32>
    %add3A_149 = vector.broadcast %slice3A_148 : vector<1x256xf32> to vector<400x256xf32>
    %add3A_150 = arith.addf %dot_general3A_11, %add3A_149 : vector<400x256xf32>
    %max3A_151 = arith.constant 0.000000e+00 : f32
    %max3A_152 = vector.broadcast %max3A_151 : f32 to vector<400x256xf32>
    %max3A_153 = arith.maximumf %add3A_150, %max3A_152 : vector<400x256xf32>
    %dot_general3A_154 = arith.constant dense<0.000000e+00> : vector<400x64xf32>
    %dot_general3A_155 = tpu.matmul %max3A_153, %get3A_7, %dot_general3A_154 {dimension_numbers = #tpu.dot_dimension_numbers<[1], [0], [0], [1], [0, 0, 1, 1], [], []>, transpose_lhs_hint = false} : vector<400x256xf32>, vector<256x64xf32>, vector<400x64xf32> -> vector<400x64xf32>
    %add3A_156 = vector.broadcast %get3A_10 : vector<1x64xf32> to vector<400x64xf32>
    %add3A_157 = arith.addf %dot_general3A_155, %add3A_156 : vector<400x64xf32>
    %swap3A_158 = arith.constant 8 : index
    %swap3A_159 = arith.constant 0 : index
    %swap3A_160 = arith.constant 0 : index
    %swap3A_161 = vector.load %arg11[%swap3A_158, %swap3A_159, %swap3A_160] : memref<16x400x64xf32, #tpu.memory_space<vmem>>, vector<1x400x64xf32>
    %swap3A_162 = vector.shape_cast %swap3A_161 : vector<1x400x64xf32> to vector<400x64xf32>
    %swap3A_163 = vector.shape_cast %add3A_157 : vector<400x64xf32> to vector<1x400x64xf32>
    tpu.vector_store %arg11[%swap3A_158, %swap3A_159, %swap3A_160], %swap3A_163 {strides = array<i32>} : memref<16x400x64xf32, #tpu.memory_space<vmem>>, vector<1x400x64xf32>,
    %slice3A_164 = vector.extract_strided_slice %add3A_21 {offsets = [9, 0], sizes = [1, 256], strides = [1, 1]} : vector<16x256xf32> to vector<1x256xf32>
    %add3A_165 = vector.broadcast %slice3A_164 : vector<1x256xf32> to vector<400x256xf32>
    %add3A_166 = arith.addf %dot_general3A_11, %add3A_165 : vector<400x256xf32>
    %max3A_167 = arith.constant 0.000000e+00 : f32
    %max3A_168 = vector.broadcast %max3A_167 : f32 to vector<400x256xf32>
    %max3A_169 = arith.maximumf %add3A_166, %max3A_168 : vector<400x256xf32>
    %dot_general3A_170 = arith.constant dense<0.000000e+00> : vector<400x64xf32>
    %dot_general3A_171 = tpu.matmul %max3A_169, %get3A_7, %dot_general3A_170 {dimension_numbers = #tpu.dot_dimension_numbers<[1], [0], [0], [1], [0, 0, 1, 1], [], []>, transpose_lhs_hint = false} : vector<400x256xf32>, vector<256x64xf32>, vector<400x64xf32> -> vector<400x64xf32>
    %add3A_172 = vector.broadcast %get3A_10 : vector<1x64xf32> to vector<400x64xf32>
    %add3A_173 = arith.addf %dot_general3A_171, %add3A_172 : vector<400x64xf32>
    %swap3A_174 = arith.constant 9 : index
    %swap3A_175 = arith.constant 0 : index
    %swap3A_176 = arith.constant 0 : index
    %swap3A_177 = vector.load %arg11[%swap3A_174, %swap3A_175, %swap3A_176] : memref<16x400x64xf32, #tpu.memory_space<vmem>>, vector<1x400x64xf32>
    %swap3A_178 = vector.shape_cast %swap3A_177 : vector<1x400x64xf32> to vector<400x64xf32>
    %swap3A_179 = vector.shape_cast %add3A_173 : vector<400x64xf32> to vector<1x400x64xf32>
    tpu.vector_store %arg11[%swap3A_174, %swap3A_175, %swap3A_176], %swap3A_179 {strides = array<i32>} : memref<16x400x64xf32, #tpu.memory_space<vmem>>, vector<1x400x64xf32>,
    %slice3A_180 = vector.extract_strided_slice %add3A_21 {offsets = [10, 0], sizes = [1, 256], strides = [1, 1]} : vector<16x256xf32> to vector<1x256xf32>
    %add3A_181 = vector.broadcast %slice3A_180 : vector<1x256xf32> to vector<400x256xf32>
    %add3A_182 = arith.addf %dot_general3A_11, %add3A_181 : vector<400x256xf32>
    %max3A_183 = arith.constant 0.000000e+00 : f32
    %max3A_184 = vector.broadcast %max3A_183 : f32 to vector<400x256xf32>
    %max3A_185 = arith.maximumf %add3A_182, %max3A_184 : vector<400x256xf32>
    %dot_general3A_186 = arith.constant dense<0.000000e+00> : vector<400x64xf32>
    %dot_general3A_187 = tpu.matmul %max3A_185, %get3A_7, %dot_general3A_186 {dimension_numbers = #tpu.dot_dimension_numbers<[1], [0], [0], [1], [0, 0, 1, 1], [], []>, transpose_lhs_hint = false} : vector<400x256xf32>, vector<256x64xf32>, vector<400x64xf32> -> vector<400x64xf32>
    %add3A_188 = vector.broadcast %get3A_10 : vector<1x64xf32> to vector<400x64xf32>
    %add3A_189 = arith.addf %dot_general3A_187, %add3A_188 : vector<400x64xf32>
    %swap3A_190 = arith.constant 10 : index
    %swap3A_191 = arith.constant 0 : index
    %swap3A_192 = arith.constant 0 : index
    %swap3A_193 = vector.load %arg11[%swap3A_190, %swap3A_191, %swap3A_192] : memref<16x400x64xf32, #tpu.memory_space<vmem>>, vector<1x400x64xf32>
    %swap3A_194 = vector.shape_cast %swap3A_193 : vector<1x400x64xf32> to vector<400x64xf32>
    %swap3A_195 = vector.shape_cast %add3A_189 : vector<400x64xf32> to vector<1x400x64xf32>
    tpu.vector_store %arg11[%swap3A_190, %swap3A_191, %swap3A_192], %swap3A_195 {strides = array<i32>} : memref<16x400x64xf32, #tpu.memory_space<vmem>>, vector<1x400x64xf32>,
    %slice3A_196 = vector.extract_strided_slice %add3A_21 {offsets = [11, 0], sizes = [1, 256], strides = [1, 1]} : vector<16x256xf32> to vector<1x256xf32>
    %add3A_197 = vector.broadcast %slice3A_196 : vector<1x256xf32> to vector<400x256xf32>
    %add3A_198 = arith.addf %dot_general3A_11, %add3A_197 : vector<400x256xf32>
    %max3A_199 = arith.constant 0.000000e+00 : f32
    %max3A_200 = vector.broadcast %max3A_199 : f32 to vector<400x256xf32>
    %max3A_201 = arith.maximumf %add3A_198, %max3A_200 : vector<400x256xf32>
    %dot_general3A_202 = arith.constant dense<0.000000e+00> : vector<400x64xf32>
    %dot_general3A_203 = tpu.matmul %max3A_201, %get3A_7, %dot_general3A_202 {dimension_numbers = #tpu.dot_dimension_numbers<[1], [0], [0], [1], [0, 0, 1, 1], [], []>, transpose_lhs_hint = false} : vector<400x256xf32>, vector<256x64xf32>, vector<400x64xf32> -> vector<400x64xf32>
    %add3A_204 = vector.broadcast %get3A_10 : vector<1x64xf32> to vector<400x64xf32>
    %add3A_205 = arith.addf %dot_general3A_203, %add3A_204 : vector<400x64xf32>
    %swap3A_206 = arith.constant 11 : index
    %swap3A_207 = arith.constant 0 : index
    %swap3A_208 = arith.constant 0 : index
    %swap3A_209 = vector.load %arg11[%swap3A_206, %swap3A_207, %swap3A_208] : memref<16x400x64xf32, #tpu.memory_space<vmem>>, vector<1x400x64xf32>
    %swap3A_210 = vector.shape_cast %swap3A_209 : vector<1x400x64xf32> to vector<400x64xf32>
    %swap3A_211 = vector.shape_cast %add3A_205 : vector<400x64xf32> to vector<1x400x64xf32>
    tpu.vector_store %arg11[%swap3A_206, %swap3A_207, %swap3A_208], %swap3A_211 {strides = array<i32>} : memref<16x400x64xf32, #tpu.memory_space<vmem>>, vector<1x400x64xf32>,
    %slice3A_212 = vector.extract_strided_slice %add3A_21 {offsets = [12, 0], sizes = [1, 256], strides = [1, 1]} : vector<16x256xf32> to vector<1x256xf32>
    %add3A_213 = vector.broadcast %slice3A_212 : vector<1x256xf32> to vector<400x256xf32>
    %add3A_214 = arith.addf %dot_general3A_11, %add3A_213 : vector<400x256xf32>
    %max3A_215 = arith.constant 0.000000e+00 : f32
    %max3A_216 = vector.broadcast %max3A_215 : f32 to vector<400x256xf32>
    %max3A_217 = arith.maximumf %add3A_214, %max3A_216 : vector<400x256xf32>
    %dot_general3A_218 = arith.constant dense<0.000000e+00> : vector<400x64xf32>
    %dot_general3A_219 = tpu.matmul %max3A_217, %get3A_7, %dot_general3A_218 {dimension_numbers = #tpu.dot_dimension_numbers<[1], [0], [0], [1], [0, 0, 1, 1], [], []>, transpose_lhs_hint = false} : vector<400x256xf32>, vector<256x64xf32>, vector<400x64xf32> -> vector<400x64xf32>
    %add3A_220 = vector.broadcast %get3A_10 : vector<1x64xf32> to vector<400x64xf32>
    %add3A_221 = arith.addf %dot_general3A_219, %add3A_220 : vector<400x64xf32>
    %swap3A_222 = arith.constant 12 : index
    %swap3A_223 = arith.constant 0 : index
    %swap3A_224 = arith.constant 0 : index
    %swap3A_225 = vector.load %arg11[%swap3A_222, %swap3A_223, %swap3A_224] : memref<16x400x64xf32, #tpu.memory_space<vmem>>, vector<1x400x64xf32>
    %swap3A_226 = vector.shape_cast %swap3A_225 : vector<1x400x64xf32> to vector<400x64xf32>
    %swap3A_227 = vector.shape_cast %add3A_221 : vector<400x64xf32> to vector<1x400x64xf32>
    tpu.vector_store %arg11[%swap3A_222, %swap3A_223, %swap3A_224], %swap3A_227 {strides = array<i32>} : memref<16x400x64xf32, #tpu.memory_space<vmem>>, vector<1x400x64xf32>,
    %slice3A_228 = vector.extract_strided_slice %add3A_21 {offsets = [13, 0], sizes = [1, 256], strides = [1, 1]} : vector<16x256xf32> to vector<1x256xf32>
    %add3A_229 = vector.broadcast %slice3A_228 : vector<1x256xf32> to vector<400x256xf32>
    %add3A_230 = arith.addf %dot_general3A_11, %add3A_229 : vector<400x256xf32>
    %max3A_231 = arith.constant 0.000000e+00 : f32
    %max3A_232 = vector.broadcast %max3A_231 : f32 to vector<400x256xf32>
    %max3A_233 = arith.maximumf %add3A_230, %max3A_232 : vector<400x256xf32>
    %dot_general3A_234 = arith.constant dense<0.000000e+00> : vector<400x64xf32>
    %dot_general3A_235 = tpu.matmul %max3A_233, %get3A_7, %dot_general3A_234 {dimension_numbers = #tpu.dot_dimension_numbers<[1], [0], [0], [1], [0, 0, 1, 1], [], []>, transpose_lhs_hint = false} : vector<400x256xf32>, vector<256x64xf32>, vector<400x64xf32> -> vector<400x64xf32>
    %add3A_236 = vector.broadcast %get3A_10 : vector<1x64xf32> to vector<400x64xf32>
    %add3A_237 = arith.addf %dot_general3A_235, %add3A_236 : vector<400x64xf32>
    %swap3A_238 = arith.constant 13 : index
    %swap3A_239 = arith.constant 0 : index
    %swap3A_240 = arith.constant 0 : index
    %swap3A_241 = vector.load %arg11[%swap3A_238, %swap3A_239, %swap3A_240] : memref<16x400x64xf32, #tpu.memory_space<vmem>>, vector<1x400x64xf32>
    %swap3A_242 = vector.shape_cast %swap3A_241 : vector<1x400x64xf32> to vector<400x64xf32>
    %swap3A_243 = vector.shape_cast %add3A_237 : vector<400x64xf32> to vector<1x400x64xf32>
    tpu.vector_store %arg11[%swap3A_238, %swap3A_239, %swap3A_240], %swap3A_243 {strides = array<i32>} : memref<16x400x64xf32, #tpu.memory_space<vmem>>, vector<1x400x64xf32>,
    %slice3A_244 = vector.extract_strided_slice %add3A_21 {offsets = [14, 0], sizes = [1, 256], strides = [1, 1]} : vector<16x256xf32> to vector<1x256xf32>
    %add3A_245 = vector.broadcast %slice3A_244 : vector<1x256xf32> to vector<400x256xf32>
    %add3A_246 = arith.addf %dot_general3A_11, %add3A_245 : vector<400x256xf32>
    %max3A_247 = arith.constant 0.000000e+00 : f32
    %max3A_248 = vector.broadcast %max3A_247 : f32 to vector<400x256xf32>
    %max3A_249 = arith.maximumf %add3A_246, %max3A_248 : vector<400x256xf32>
    %dot_general3A_250 = arith.constant dense<0.000000e+00> : vector<400x64xf32>
    %dot_general3A_251 = tpu.matmul %max3A_249, %get3A_7, %dot_general3A_250 {dimension_numbers = #tpu.dot_dimension_numbers<[1], [0], [0], [1], [0, 0, 1, 1], [], []>, transpose_lhs_hint = false} : vector<400x256xf32>, vector<256x64xf32>, vector<400x64xf32> -> vector<400x64xf32>
    %add3A_252 = vector.broadcast %get3A_10 : vector<1x64xf32> to vector<400x64xf32>
    %add3A_253 = arith.addf %dot_general3A_251, %add3A_252 : vector<400x64xf32>
    %swap3A_254 = arith.constant 14 : index
    %swap3A_255 = arith.constant 0 : index
    %swap3A_256 = arith.constant 0 : index
    %swap3A_257 = vector.load %arg11[%swap3A_254, %swap3A_255, %swap3A_256] : memref<16x400x64xf32, #tpu.memory_space<vmem>>, vector<1x400x64xf32>
    %swap3A_258 = vector.shape_cast %swap3A_257 : vector<1x400x64xf32> to vector<400x64xf32>
    %swap3A_259 = vector.shape_cast %add3A_253 : vector<400x64xf32> to vector<1x400x64xf32>
    tpu.vector_store %arg11[%swap3A_254, %swap3A_255, %swap3A_256], %swap3A_259 {strides = array<i32>} : memref<16x400x64xf32, #tpu.memory_space<vmem>>, vector<1x400x64xf32>,
    %slice3A_260 = vector.extract_strided_slice %add3A_21 {offsets = [15, 0], sizes = [1, 256], strides = [1, 1]} : vector<16x256xf32> to vector<1x256xf32>
    %add3A_261 = vector.broadcast %slice3A_260 : vector<1x256xf32> to vector<400x256xf32>
    %add3A_262 = arith.addf %dot_general3A_11, %add3A_261 : vector<400x256xf32>
    %max3A_263 = arith.constant 0.000000e+00 : f32
    %max3A_264 = vector.broadcast %max3A_263 : f32 to vector<400x256xf32>
    %max3A_265 = arith.maximumf %add3A_262, %max3A_264 : vector<400x256xf32>
    %dot_general3A_266 = arith.constant dense<0.000000e+00> : vector<400x64xf32>
    %dot_general3A_267 = tpu.matmul %max3A_265, %get3A_7, %dot_general3A_266 {dimension_numbers = #tpu.dot_dimension_numbers<[1], [0], [0], [1], [0, 0, 1, 1], [], []>, transpose_lhs_hint = false} : vector<400x256xf32>, vector<256x64xf32>, vector<400x64xf32> -> vector<400x64xf32>
    %add3A_268 = vector.broadcast %get3A_10 : vector<1x64xf32> to vector<400x64xf32>
    %add3A_269 = arith.addf %dot_general3A_267, %add3A_268 : vector<400x64xf32>
    %swap3A_270 = arith.constant 15 : index
    %swap3A_271 = arith.constant 0 : index
    %swap3A_272 = arith.constant 0 : index
    %swap3A_273 = vector.load %arg11[%swap3A_270, %swap3A_271, %swap3A_272] : memref<16x400x64xf32, #tpu.memory_space<vmem>>, vector<1x400x64xf32>
    %swap3A_274 = vector.shape_cast %swap3A_273 : vector<1x400x64xf32> to vector<400x64xf32>
    %swap3A_275 = vector.shape_cast %add3A_269 : vector<400x64xf32> to vector<1x400x64xf32>
    tpu.vector_store %arg11[%swap3A_270, %swap3A_271, %swap3A_272], %swap3A_275 {strides = array<i32>} : memref<16x400x64xf32, #tpu.memory_space<vmem>>, vector<1x400x64xf32>,
    %get3A_276 = arith.constant 0 : index
    %get3A_277 = arith.constant 0 : index
    %get3A_278 = vector.load %arg7[%get3A_276, %get3A_277] : memref<128x128xf32, #tpu.memory_space<vmem>>, vector<128x128xf32>
    %dot_general3A_279 = arith.constant dense<0.000000e+00> : vector<400x128xf32>
    %dot_general3A_280 = tpu.matmul %get3A_1, %get3A_278, %dot_general3A_279 {dimension_numbers = #tpu.dot_dimension_numbers<[1], [0], [0], [1], [0, 0, 1, 1], [], []>, transpose_lhs_hint = false} : vector<400x128xf32>, vector<128x128xf32>, vector<400x128xf32> -> vector<400x128xf32>
    %get3A_281 = arith.constant 0 : index
    %get3A_282 = arith.constant 0 : index
    %get3A_283 = vector.load %arg8[%get3A_281, %get3A_282] : memref<1x128xf32, #tpu.memory_space<vmem>>, vector<1x128xf32>
    %add3A_284 = vector.broadcast %get3A_283 : vector<1x128xf32> to vector<400x128xf32>
    %add3A_285 = arith.addf %dot_general3A_280, %add3A_284 : vector<400x128xf32>
    %max3A_286 = arith.constant 0.000000e+00 : f32
    %max3A_287 = vector.broadcast %max3A_286 : f32 to vector<400x128xf32>
    %max3A_288 = arith.maximumf %add3A_285, %max3A_287 : vector<400x128xf32>
    %get3A_289 = arith.constant 0 : index
    %get3A_290 = arith.constant 0 : index
    %get3A_291 = vector.load %arg9[%get3A_289, %get3A_290] : memref<128x64xf32, #tpu.memory_space<vmem>>, vector<128x64xf32>
    %dot_general3A_292 = arith.constant dense<0.000000e+00> : vector<400x64xf32>
    %dot_general3A_293 = tpu.matmul %max3A_288, %get3A_291, %dot_general3A_292 {dimension_numbers = #tpu.dot_dimension_numbers<[1], [0], [0], [1], [0, 0, 1, 1], [], []>, transpose_lhs_hint = false} : vector<400x128xf32>, vector<128x64xf32>, vector<400x64xf32> -> vector<400x64xf32>
    %get3A_294 = arith.constant 0 : index
    %get3A_295 = arith.constant 0 : index
    %get3A_296 = vector.load %arg10[%get3A_294, %get3A_295] : memref<1x64xf32, #tpu.memory_space<vmem>>, vector<1x64xf32>
    %add3A_297 = vector.broadcast %get3A_296 : vector<1x64xf32> to vector<400x64xf32>
    %add3A_298 = arith.addf %dot_general3A_293, %add3A_297 : vector<400x64xf32>
    %swap3A_299 = arith.constant 0 : index
    %swap3A_300 = arith.constant 0 : index
    %swap3A_301 = vector.load %arg12[%swap3A_299, %swap3A_300] : memref<400x64xf32, #tpu.memory_space<vmem>>, vector<400x64xf32>
    tpu.vector_store %arg12[%swap3A_299, %swap3A_300], %add3A_298 {strides = array<i32>} : memref<400x64xf32, #tpu.memory_space<vmem>>, vector<400x64xf32>,
    return
  }
  func.func @transform_0(%arg0: i32) -> (i32, i32) {
    %c0_i32 = arith.constant 0 : i32
    %c0_i32_0 = arith.constant 0 : i32
    return %arg0, %c0_i32 : i32, i32
  }
  func.func @transform_1(%arg0: i32) -> (i32, i32) {
    %c0_i32 = arith.constant 0 : i32
    %c0_i32_0 = arith.constant 0 : i32
    %c0_i32_1 = arith.constant 0 : i32
    return %c0_i32, %c0_i32_0 : i32, i32
  }
  func.func @transform_2(%arg0: i32) -> (i32, i32) {
    %c0_i32 = arith.constant 0 : i32
    %c0_i32_0 = arith.constant 0 : i32
    %c0_i32_1 = arith.constant 0 : i32
    return %c0_i32, %c0_i32_0 : i32, i32
  }
  func.func @transform_3(%arg0: i32) -> (i32, i32) {
    %c0_i32 = arith.constant 0 : i32
    %c0_i32_0 = arith.constant 0 : i32
    %c0_i32_1 = arith.constant 0 : i32
    return %c0_i32, %c0_i32_0 : i32, i32
  }
  func.func @transform_4(%arg0: i32) -> (i32, i32) {
    %c0_i32 = arith.constant 0 : i32
    %c0_i32_0 = arith.constant 0 : i32
    %c0_i32_1 = arith.constant 0 : i32
    return %c0_i32, %c0_i32_0 : i32, i32
  }
  func.func @transform_5(%arg0: i32) -> (i32, i32) {
    %c0_i32 = arith.constant 0 : i32
    %c0_i32_0 = arith.constant 0 : i32
    %c0_i32_1 = arith.constant 0 : i32
    return %c0_i32, %c0_i32_0 : i32, i32
  }
  func.func @transform_6(%arg0: i32) -> (i32, i32) {
    %c0_i32 = arith.constant 0 : i32
    %c0_i32_0 = arith.constant 0 : i32
    %c0_i32_1 = arith.constant 0 : i32
    return %c0_i32, %c0_i32_0 : i32, i32
  }
  func.func @transform_7(%arg0: i32) -> (i32, i32) {
    %c0_i32 = arith.constant 0 : i32
    %c0_i32_0 = arith.constant 0 : i32
    %c0_i32_1 = arith.constant 0 : i32
    return %c0_i32, %c0_i32_0 : i32, i32
  }
  func.func @transform_8(%arg0: i32) -> (i32, i32) {
    %c0_i32 = arith.constant 0 : i32
    %c0_i32_0 = arith.constant 0 : i32
    %c0_i32_1 = arith.constant 0 : i32
    return %c0_i32, %c0_i32_0 : i32, i32
  }
  func.func @transform_9(%arg0: i32) -> (i32, i32) {
    %c0_i32 = arith.constant 0 : i32
    %c0_i32_0 = arith.constant 0 : i32
    %c0_i32_1 = arith.constant 0 : i32
    return %c0_i32, %c0_i32_0 : i32, i32
  }
  func.func @transform_10(%arg0: i32) -> (i32, i32, i32) {
    %c0_i32 = arith.constant 0 : i32
    %c0_i32_0 = arith.constant 0 : i32
    %c0_i32_1 = arith.constant 0 : i32
    return %c0_i32, %arg0, %c0_i32_0 : i32, i32, i32
  }
  func.func @transform_11(%arg0: i32) -> (i32, i32) {
    %c0_i32 = arith.constant 0 : i32
    %c0_i32_0 = arith.constant 0 : i32
    return %arg0, %c0_i32 : i32, i32
  }
}

module attributes {stable_mosaic.version = 14 : i64} {
  func.func @_tc_post_body(%arg0: memref<10000x64xf32, #tpu.memory_space<vmem>>, %arg1: memref<10000x64xf32, #tpu.memory_space<vmem>>, %arg2: memref<10000x64xf32, #tpu.memory_space<vmem>>, %arg3: memref<10000x128xf32, #tpu.memory_space<vmem>>) attributes {dimension_semantics = [], scalar_prefetch = 0 : i64, scratch_operands = 0 : i64, tpu.core_type = #tpu.core_type<tc>} {
    %get3A = arith.constant 0 : index
    %get3A_0 = arith.constant 0 : index
    %get3A_1 = vector.load %arg0[%get3A, %get3A_0] : memref<10000x64xf32, #tpu.memory_space<vmem>>, vector<10000x64xf32>
    %get3A_2 = arith.constant 0 : index
    %get3A_3 = arith.constant 0 : index
    %get3A_4 = vector.load %arg1[%get3A_2, %get3A_3] : memref<10000x64xf32, #tpu.memory_space<vmem>>, vector<10000x64xf32>
    %add3A = arith.addf %get3A_1, %get3A_4 : vector<10000x64xf32>
    %get3A_5 = arith.constant 0 : index
    %get3A_6 = arith.constant 0 : index
    %get3A_7 = vector.load %arg2[%get3A_5, %get3A_6] : memref<10000x64xf32, #tpu.memory_space<vmem>>, vector<10000x64xf32>
    %concatenate3A = tpu.concatenate %get3A_7, %add3A in 1 : vector<10000x64xf32>, vector<10000x64xf32> -> vector<10000x128xf32>
    %swap3A = arith.constant 0 : index
    %swap3A_8 = arith.constant 0 : index
    %swap3A_9 = vector.load %arg3[%swap3A, %swap3A_8] : memref<10000x128xf32, #tpu.memory_space<vmem>>, vector<10000x128xf32>
    tpu.vector_store %arg3[%swap3A, %swap3A_8], %concatenate3A {strides = array<i32>} : memref<10000x128xf32, #tpu.memory_space<vmem>>, vector<10000x128xf32>,
    return
  }
}

</mosaic_0001>

<sc_bundles>
// kernel: kernel.5.cloned.1.call-start
scs
__scs_entry_jumppad:
0x0: {  	(pc) =	sbr.rel $0x88, $3  }
0x1: {  	(tag) =	ssettag $0x0;
	lr =	simm.s32 $0x1  }
0x2: {  	[smem:$0x3F95] =	sst lr;
	_ =	strace $0xD0000000  }
0x3: {  	_ = 	snop  }
0x4: {  	_ = 	snop  }
0x5: {  	_ = 	snop  }
0x6: {  	_ = 	snop  }
0x7: {  	_ = 	snop  }
__scs_overlays_trampoline_lowered:
0x8: {  	[smem:$0x3FA4] =	sst s0  }
0x9: {  	[smem:$0x3FA5] =	sst s1  }
0xa: {  	[smem:$0x3FA6] =	sst s2  }
0xb: {  	[smem:$0x3FA7] =	sst s3  }
0xc: {  	[smem:$0x3FA8] =	sst s4  }
0xd: {  	[smem:$0x3FA9] =	sst s5  }
0xe: {  	[smem:$0x3FAA] =	sst s6  }
0xf: {  	[smem:$0x3FAB] =	sst s7  }
0x10: {  	[smem:$0x3FAC] =	sst s8  }
0x11: {  	[smem:$0x3FAD] =	sst s9;
	s0 =	simm.s32 @!p0 $0x0  }
0x12: {  	s1 =	sld [smem:$0x3F93];
	s0 =	simm.s32 @p0 $0x1  }
0x13: {  	[smem:$0x3FAE] =	sst s0;
	s0 =	simm.s32 @!p1 $0x0  }
0x14: {  	s2 =	sld [smem:$0x3F92];
	s0 =	simm.s32 @p1 $0x1  }
0x15: {  	[smem:$0x3FAF] =	sst s0;
	s0 =	simm.s32 @!p2 $0x0  }
0x16: {  	s3 =	sld [smem:$0x3FDB];
	s0 =	simm.s32 @p2 $0x1  }
0x17: {  	s4 =	simm.s32 $0x1BF5;
	[smem:$0x3FB1] =	sst s0  }
0x18: {  	s0 =	sld [smem:$0x3F94];
	_ =	swait.ge [sflag:s4], $0x0  }
0x19: {  	s7 =	sld [smem:$0x3F95]  }
0x1a: {  	s8 =	sadd.s32 $0xFFFFE003, lr  }
0x1b: {  	s9 =	sadd.s32 $0xFFFFFEF7, lr;
	s5 =	simm.s32 $0xFFFFFFFF;
	p2 =	slt.u32 s8, $0xFFFFF086  }
0x1c: {  	p1 =	slt.u32 s9, $0xF7A;
	s5 =	simm.s32 @!p2 $0x0  }
0x1d: {  	s5 =	simm.s32 @p1 $0x1;
	p0 =	seq.s32 s7, s2  }
0x1e: {  	s7 =	smul.u32 @!p0 $0xF7A, s2;
	p2 =	seq.s32 @!p0 s5, $0x0  }
0x1f: {  	s9 =	smul.u32 $0xF7A, s1;
	s8 =	simm.s32 @!p0 $0x1BF5;
	p2 =	por !p2, p0  }
0x20: {  	[sflag:s8] =	ssyncset.s32 @!p0 $0xFFFFF086;
	s6 =	sadd.s32 @!p0 s3, s7;
	s7 =	simm.s32 @!p0 $0x108  }
0x21: {  	s3 =	sadd.s32 s3, s9;
	s6 =	sadd.s32 @!p0 $0x88, s6;
	s7 =	simm.s32 @p2 $0x1082  }
0x22: {  	[simem:s7], [sflag:s8] =	dma.local @!p0 [hbm:s6], $0xF7A  }
0x23: {  	s9 =	sor.u32 $0xD0000000, s2;
	s6 =	simm.s32 $0x108;
	_ =	swait.ge @!p0 [sflag:s8], $0x0  }
0x24: {  	s3 =	sadd.s32 $0x88, s3;
	s6 =	simm.s32 @!p1 $0x1082;
	[sflag:s4] =	ssyncset.s32 $0xFFFFF086  }
0x25: {  	[simem:s6], [sflag:s4] =	dma.local [hbm:s3], $0xF7A  }
0x26: {  	[smem:$0x3F95] =	sst s1;
	(tag) =	ssettag s2;
	_ =	strace s9  }
0x27: {  	s1 =	sld [smem:$0x3FA5]  }
0x28: {  	s2 =	sld [smem:$0x3FA6]  }
0x29: {  	s4 =	sld [smem:$0x3FA8]  }
0x2a: {  	p0 =	seq.s32 s5, $0x0;
	s5 =	sld [smem:$0x3FA9]  }
0x2b: {  	s6 =	sld [smem:$0x3FAA]  }
0x2c: {  	s7 =	sld [smem:$0x3FAB]  }
0x2d: {  	s3 =	simm.s32 $0x108;
	s8 =	sld [smem:$0x3FAC]  }
0x2e: {  	s3 =	simm.s32 @!p0 $0x1082;
	s9 =	sld [smem:$0x3FAD]  }
0x2f: {  	lr =	sadd.s32 s0, s3;
	s0 =	sld [smem:$0x3FA4]  }
0x30: {  	s3 =	sld [smem:$0x3FA7]  }
0x31: {  	[smem:$0x3FB0] =	sst s10  }
0x32: {  	s10 =	sld [smem:$0x3FAE];
	_ =	sdelay $0x3  }
0x33: {  	p0 =	seq.s32 s10, $0x1;
	s10 =	sld [smem:$0x3FB0];
	_ =	sdelay $0x3  }
0x34: {  	[smem:$0x3FB0] =	sst s10  }
0x35: {  	s10 =	sld [smem:$0x3FAF];
	_ =	sdelay $0x3  }
0x36: {  	p1 =	seq.s32 s10, $0x1;
	s10 =	sld [smem:$0x3FB0];
	_ =	sdelay $0x3  }
0x37: {  	[smem:$0x3FB0] =	sst s10  }
0x38: {  	s10 =	sld [smem:$0x3FB1]  }
0x39: {  	_ = 	snop;
	(pc) =	sbr.ind lr, $3  }
0x3a: {  	_ = 	snop  }
0x3b: {  	_ = 	snop  }
0x3c: {  	p2 =	seq.s32 s10, $0x1;
	s10 =	sld [smem:$0x3FB0]  }
0x3d: {  	_ =	shalt  }
0x3e: {  	_ =	shalt  }
0x3f: {  	_ =	shalt  }
0x40: {  	_ =	shalt  }
0x41: {  	_ =	shalt  }
0x42: {  	_ =	shalt  }
0x43: {  	_ =	shalt  }
0x44: {  	_ =	shalt  }
0x45: {  	_ =	shalt  }
0x46: {  	_ =	shalt  }
0x47: {  	_ =	shalt  }
0x48: {  	_ =	shalt  }
0x49: {  	_ =	shalt  }
0x4a: {  	_ =	shalt  }
0x4b: {  	_ =	shalt  }
0x4c: {  	_ =	shalt  }
0x4d: {  	_ =	shalt  }
0x4e: {  	_ =	shalt  }
0x4f: {  	_ =	shalt  }
0x50: {  	_ =	shalt  }
0x51: {  	_ =	shalt  }
0x52: {  	_ =	shalt  }
0x53: {  	_ =	shalt  }
0x54: {  	_ =	shalt  }
0x55: {  	_ =	shalt  }
0x56: {  	_ =	shalt  }
0x57: {  	_ =	shalt  }
0x58: {  	_ =	shalt  }
0x59: {  	_ =	shalt  }
0x5a: {  	_ =	shalt  }
0x5b: {  	_ =	shalt  }
0x5c: {  	_ =	shalt  }
0x5d: {  	_ =	shalt  }
0x5e: {  	_ =	shalt  }
0x5f: {  	_ =	shalt  }
0x60: {  	_ =	shalt  }
0x61: {  	_ =	shalt  }
0x62: {  	_ =	shalt  }
0x63: {  	_ =	shalt  }
0x64: {  	_ =	shalt  }
0x65: {  	_ =	shalt  }
0x66: {  	_ =	shalt  }
0x67: {  	_ =	shalt  }
0x68: {  	_ =	shalt  }
0x69: {  	_ =	shalt  }
0x6a: {  	_ =	shalt  }
0x6b: {  	_ =	shalt  }
0x6c: {  	_ =	shalt  }
0x6d: {  	_ =	shalt  }
0x6e: {  	_ =	shalt  }
0x6f: {  	_ =	shalt  }
0x70: {  	_ =	shalt  }
0x71: {  	_ =	shalt  }
0x72: {  	_ =	shalt  }
0x73: {  	_ =	shalt  }
0x74: {  	_ =	shalt  }
0x75: {  	_ =	shalt  }
0x76: {  	_ =	shalt  }
0x77: {  	_ =	shalt  }
0x78: {  	_ =	shalt  }
0x79: {  	_ =	shalt  }
0x7a: {  	_ =	shalt  }
0x7b: {  	_ =	shalt  }
0x7c: {  	_ =	shalt  }
0x7d: {  	_ =	shalt  }
0x7e: {  	_ =	shalt  }
0x7f: {  	_ =	shalt  }
0x80: {  	_ =	shalt  }
0x81: {  	_ =	shalt  }
0x82: {  	_ =	shalt  }
0x83: {  	_ =	shalt  }
0x84: {  	_ =	shalt  }
0x85: {  	_ =	shalt  }
0x86: {  	_ =	shalt  }
0x87: {  	_ =	shalt  }
.Lfunc_end0:
.L_simem_size_0:
called_computation_lowered:
.L_overlay_start_0:
0x88: {  	s2 =	sld [smem:$0x3FD9]  }
0x89: {  	s3 =	sld [smem:$0x3FFE];
	_ =	sdelay $0x1  }
0x8a: {  	s1 =	srdreg.scid  }
0x8b: {  	s0 =	sand.u32 $0x1, s1  }
0x8c: {  	s17 =	sshll.u32 s0, $0xA;
	s2 =	sadd.s32 s3, s2  }
0x8d: {  	s2 =	sadd.s32 s2, s17  }
0x8e: {  	[smem:$0x3FBC] =	sst s2  }
0x8f: {  	_ = 	snop  }
0x90: {  	s2 =	sld [smem:$0x3FD0];
	(tm) =	ssettm $0x1  }
0x91: {  	s18 =	sld [smem:$0x3FFB];
	_ =	sdelay $0x3  }
0x92: {  	_ =	strace s18  }
0x93: {  	s3 =	sld [smem:$0x3FFC];
	_ =	sdelay $0x3  }
0x94: {  	_ =	strace s3  }
0x95: {  	s3 =	sld [smem:$0x3FFD];
	_ =	sdelay $0x3  }
0x96: {  	_ =	strace s3  }
0x97: {  	_ =	strace $0x8FFFFFFF  }
0x98: {  	s19 =	sld [smem:$0x3FDB];
	_ =	sdelay $0x1  }
0x99: {  	s4 =	simm.s32 $_scs_section_size  }
0x9a: {  	s5 =	simm.s32 $_size__tile_overlayer_lowered;
	s6 =	simm.s32 $_tile_overlayer_lowered  }
0x9b: {  	s22 =	simm.s32 $0x1BFF;
	s21 =	sshll.u32 s6, $0x1;
	s3 =	sadd.s32 s4, s19  }
0x9c: {  	s7 =	simm.s32 $0x0;
	s20 =	sshll.u32 s5, $0x1;
	s5 =	sadd.s32 s21, s3  }
0x9d: {  	[timem:s7], [sflag:s22] =	dma.local [hbm:s5], s20  }
0x9e: {  	_ =	swait.ge [sflag:s22], s20  }
0x9f: {  	s4 =	ssub.s32 $0x0, s20;
	[sflag:s22] =	ssyncset.done $0x0  }
0xa0: {  	[sflag:s22] =	ssyncadd.s32 s4;
	_ =	sdelay $0x1  }
0xa1: {  	s23 =	simm.s32 $0x1B8B  }
0xa2: {  	_ =	swait.ge [sflag:s23], $0x1  }
0xa3: {  	[sflag:s23] =	ssyncset.done $0x0  }
0xa4: {  	s25 =	simm.s32 $0x1B8E;
	s24 =	sld [smem:$0x3FFE];
	[sflag:s23] =	ssyncadd.s32 $0xFFFFFFFF  }
0xa5: {  	s26 =	simm.s32 $execute0_lowered;
	[smem:$0x3FD2] =	sst s25  }
0xa6: {  	s5 =	sshll.u32 s26, $0x1;
	_ =	strace $0x80000046;
	[dreg:$0x1] =	wrdreg $0xFFFFFFFF  }
0xa7: {  	s28 =	simm.s32 $_size_execute0_lowered;
	s3 =	sadd.s32 s3, s5;
	[dreg:$0x0] =	wrdreg $0x0  }
0xa8: {  	s5 =	sshll.u32 s28, $0x1;
	[dreg:$0x2] =	wrdreg s3  }
0xa9: {  	[dreg:$0x3] =	wrdreg s5  }
0xaa: {  	[dreg:$0x4] =	wrdreg $0xC0  }
0xab: {  	_ =	task [dreg:s7], $0x5FFFF  }
0xac: {  	[dreg:$0x1] =	wrdreg $0xFFFFFFFF  }
0xad: {  	[dreg:$0x0] =	wrdreg $0x60  }
0xae: {  	[dreg:$0x2] =	wrdreg s2  }
0xaf: {  	[dreg:$0x3] =	wrdreg s24  }
0xb0: {  	[dreg:$0x4] =	wrdreg $0x0  }
0xb1: {  	[dreg:$0x5] =	wrdreg $0x9  }
0xb2: {  	_ =	task.clear_ibuf [dreg:s7], $0x6FFFF;
	_ =	strace $0x90000046  }
0xb3: {  	s29 =	simm.s32 $0x9;
	_ =	strace $0x80000048  }
0xb4: {  	_ =	swait.ge [sflag:s29], $0x1  }
0xb5: {  	[sflag:s29] =	ssyncadd.s32 $0xFFFFFFFF  }
0xb6: {  	_ =	strace $0x90000048  }
0xb7: {  	_ =	sfence  }
0xb8: {  	s30 =	sld [smem:$0x0];
	_ =	sdelay $0x2  }
0xb9: {  	s31 =	sshll.u32 s1, $0xD;
	s1 =	sshrl.u32 s1, $0x2  }
0xba: {  	s3 =	sand.u32 $0x4000, s31;
	s1 =	sadd.s32 s1, s30  }
0xbb: {  	s0 =	sor.u32 s3, s0;
	s1 =	sshll.u32 s1, $0x11  }
0xbc: {  	s0 =	sor.u32 s1, s0  }
0xbd: {  	s0 =	sadd.s32 $0x8F2B, s0  }
0xbe: {  	[sflag:s0] =	ssyncadd.remote.s32 $0x1  }
0xbf: {  	_ =	sfence.sel $0xFFFF  }
0xc0: {  	[dreg:$0x0] =	wrdreg $0xFFFFFFFF;
	(pc) =	sbr.abs _section_cstart, $3  }
0xc1: {  	[dreg:$0x1] =	wrdreg $0xFFFFFFFF  }
0xc2: {  	_ =	task.clear_ibuf [dreg:s7], $0x2FFFF;
	_ =	strace $0x9FFFFFFF  }
0xc3: {  	(tm) =	ssettm $0x7FFFFFFF  }
tec
execute0_lowered:
.L_overlay_start_1:
0x0: {  	(tag) =	ssettag $0x1  }
0x1: {  	s0 =	srdreg.scid;
	s22 =	stileid.u32  }
0x2: {  	s1 =	rddreg [dreg:$0x1];
	s30 =	simm.s32 $0x50;
	s31 =	simm.s32 $0x9D80  }
0x3: {  	s0 =	sand.u32 $0x1, s0;
	s3 =	smul.u32 $0x9C00, s22;
	s6 =	sadd.s32 $0x15600, s1  }
0x4: {  	s21 =	smul.u32 $0x7D, s22;
	s28 =	sadd.s32 $0x1C00, s1;
	p1 =	seq.s32 s22, $0xF  }
0x5: {  	s2 =	ssub.s32 $0x2, s0;
	s5 =	smul.u32 $0x7D0, s0;
	p0 =	seq.s32 s0, $0x1  }
0x6: {  	s0 =	smul.u32 $0x9C40, s0;
	s4 =	sshrl.u32 s2, $0x1;
	s7 =	sadd.s32 $0x1400, s3  }
0x7: {  	s8 =	sadd.s32 $0x2800, s3;
	s9 =	sadd.s32 $0x3C00, s3;
	s13 =	sshrl.u32 s3, $0x3  }
0x8: {  	s10 =	sadd.s32 $0x5000, s3;
	s11 =	sadd.s32 $0x6400, s3;
	s14 =	sadd.s32 s6, s13  }
0x9: {  	s16 =	sshrl.u32 s9, $0x3;
	s13 =	sadd.s32 s28, s13;
	[dreg:$0x4] =	wrdreg s14  }
0xa: {  	s24 =	sshrl.u32 s10, $0x3;
	s23 =	sadd.s32 s6, s16;
	[dreg:$0xc] =	wrdreg s13  }
0xb: {  	s25 =	sshrl.u32 s11, $0x3;
	s18 =	sadd.s32 s6, s24;
	[dreg:$0x7] =	wrdreg s23  }
0xc: {  	s2 =	ssub.s32 s2, s4;
	s20 =	sadd.s32 s6, s25;
	[dreg:$0x8] =	wrdreg s18  }
0xd: {  	s4 =	sadd.s32 s21, s5;
	s16 =	sadd.s32 s28, s16;
	[dreg:$0x9] =	wrdreg s20  }
0xe: {  	s5 =	sadd.s32 $0x7800, s3;
	s14 =	sshrl.u32 s7, $0x3;
	[dreg:$0xf] =	wrdreg s16  }
0xf: {  	s26 =	sshrl.u32 s5, $0x3;
	s15 =	sadd.s32 s6, s14;
	s20 =	rddreg [dreg:$0x2]  }
0x10: {  	s19 =	sadd.s32 $0x8C00, s3;
	s23 =	sadd.s32 s6, s26;
	[dreg:$0x5] =	wrdreg s15  }
0x11: {  	s12 =	smul.u32 $0x14, s4;
	s14 =	sadd.s32 s28, s14;
	[dreg:$0xa] =	wrdreg s23  }
0x12: {  	s21 =	sshrl.u32 s19, $0x3;
	s4 =	smul.u32 $0xA0, s4;
	[dreg:$0xd] =	wrdreg s14  }
0x13: {  	s16 =	simm.s32 $0x0;
	s23 =	sadd.s32 s28, s25;
	s25 =	rddreg [dreg:$0x0]  }
0x14: {  	s15 =	sshrl.u32 s8, $0x3;
	[smem:$0x7FF] =	sst s16;
	s4 =	sshrl.u32 s4, $0x3  }
0x15: {  	s7 =	sadd.s32 s7, s20;
	s17 =	sadd.s32 s6, s15;
	[dreg:$0x11] =	wrdreg s23  }
0x16: {  	s8 =	sadd.s32 s8, s20;
	s6 =	sadd.s32 s6, s21;
	[dreg:$0x6] =	wrdreg s17  }
0x17: {  	s13 =	sadd.s32 s9, s20;
	s15 =	sadd.s32 s28, s15;
	[dreg:$0xb] =	wrdreg s6  }
0x18: {  	s29 =	sadd.s32 s5, s20;
	[dreg:$0xe] =	wrdreg s15;
	s17 =	sadd.s32 s28, s24  }
0x19: {  	s19 =	sadd.s32 s19, s20;
	s24 =	sadd.s32 s28, s26;
	[dreg:$0x10] =	wrdreg s17  }
0x1a: {  	s9 =	simm.s32 $0x9C40;
	s6 =	sadd.s32 s28, s21;
	[dreg:$0x12] =	wrdreg s24  }
0x1b: {  	s5 =	simm.s32 $0x9DD0;
	s14 =	sadd.s32 s25, s12;
	[dreg:$0x13] =	wrdreg s6  }
0x1c: {  	s4 =	sadd.s32 s25, s4;
	_ =	strace $0x80000047;
	[dreg:$0x15] =	wrdreg s7  }
0x1d: {  	s0 =	sadd.s32 s0, s25;
	s23 =	sadd.s32 $0x28C00, s1;
	[dreg:$0x16] =	wrdreg s8  }
0x1e: {  	s26 =	smul.u32 $0x9C4, s22;
	s15 =	sadd.s32 s10, s20;
	[dreg:$0x17] =	wrdreg s13  }
0x1f: {  	s28 =	smul.u32 $0x27000, s22;
	s17 =	sadd.s32 s11, s20;
	[dreg:$0x18] =	wrdreg s15  }
0x20: {  	s18 =	sadd.s32 $0x14, s4;
	s4 =	sadd.s32 $0x9B000, s20;
	[dreg:$0x19] =	wrdreg s17  }
0x21: {  	s25 =	sadd.s32 $0x28, s14;
	s10 =	simm.s32 $0x9CE0;
	[dreg:$0x1b] =	wrdreg s18  }
0x22: {  	s22 =	simm.s32 $0x0;
	s24 =	smax.u32 s2, $0x1;
	[dreg:$0x1c] =	wrdreg s19  }
0x23: {  	s11 =	simm.s32 $0x28;
	s2 =	simm.s32 $0x3;
	[dreg:$0x1d] =	wrdreg s23  }
0x24: {  	s6 =	simm.s32 $0x6;
	s21 =	sadd.s32 s26, s0;
	[dreg:$0x1f] =	wrdreg s24  }
0x25: {  	s26 =	sadd.s32 s3, s20;
	s12 =	sshrl.u32 s28, $0x2;
	[smem:$0x7FC] =	sst s25  }
0x26: {  	[dreg:$0x14] =	wrdreg s14;
	s28 =	sadd.s32 $0x3C, s14;
	s7 =	simm.s32 $0x9E20  }
0x27: {  	s8 =	simm.s32 $0x7;
	s13 =	simm.s32 $0xA820;
	s14 =	simm.s32 $0x2  }
.Ltmp0:
0x28: {  	s15 =	simm.s32 $0xB220;
	s17 =	simm.s32 $0x9D08;
	(pc) =	sbr.rel .LBB2_1-.Ltmp0, $4  }
0x29: {  	s19 =	simm.s32 $0x5;
	s18 =	simm.s32 $0x1;
	s0 =	sadd.s32 s12, s20  }
0x2a: {  	s3 =	simm.s32 $0x4;
	[smem:$0x7FD] =	sst s28;
	s0 =	sadd.s32 $0x8C00, s0  }
0x2b: {  	[dreg:$0x1a] =	wrdreg s0;
	s0 =	sadd.s32 $0x272C00, s1;
	s1 =	sadd.s32 $0x15200, s1  }
0x2c: {  	v0 =	vimm.f32 $0.0e+00;
	s12 =	simm.s32 $0x9C68;
	[dreg:$0x1e] =	wrdreg s1;
	s1 =	simm.s32 $0xBC20  }
.LBB2_8:
0x2d: {  	s23 =	rddreg [dreg:$0xc]  }
0x2e: {  	[hbm4b:s23+s16] =	stream.linear.scatter [tilespmem:s7], [sflag:$0x7], $0x1400, $0x38;
	[tilespmem:$0xC620] =	vst v63  }
0x2f: {  	_ =	swait.ge [sflag:s8], $0x1400  }
0x30: {  	[sflag:s8] =	ssyncset.done $0x0  }
0x31: {  	s25 =	rddreg [dreg:$0x15];
	[sflag:s8] =	ssyncadd.s32 $0xFFFFEC00  }
0x32: {  	[tilespmem:s7], [sflag:$0x7] =	stream.linear.gather [spmem:s25], $0x1400, $0x38;
	[tilespmem:$0xC620] =	vst v63  }
0x33: {  	_ =	swait.ge [sflag:s8], $0x1400  }
0x34: {  	[sflag:s8] =	ssyncset.done $0x0  }
0x35: {  	s26 =	rddreg [dreg:$0xd];
	[sflag:s8] =	ssyncadd.s32 $0xFFFFEC00  }
0x36: {  	[hbm4b:s26+s16] =	stream.linear.scatter [tilespmem:s7], [sflag:$0x7], $0x1400, $0x38;
	[tilespmem:$0xC620] =	vst v63  }
0x37: {  	_ =	swait.ge [sflag:s8], $0x1400  }
0x38: {  	[sflag:s8] =	ssyncset.done $0x0  }
0x39: {  	s24 =	rddreg [dreg:$0x16];
	[sflag:s8] =	ssyncadd.s32 $0xFFFFEC00  }
0x3a: {  	[tilespmem:s7], [sflag:$0x7] =	stream.linear.gather [spmem:s24], $0x1400, $0x38;
	[tilespmem:$0xC620] =	vst v63  }
0x3b: {  	_ =	swait.ge [sflag:s8], $0x1400  }
0x3c: {  	[sflag:s8] =	ssyncset.done $0x0  }
0x3d: {  	s25 =	rddreg [dreg:$0xe];
	[sflag:s8] =	ssyncadd.s32 $0xFFFFEC00  }
0x3e: {  	[hbm4b:s25+s16] =	stream.linear.scatter [tilespmem:s7], [sflag:$0x7], $0x1400, $0x38;
	[tilespmem:$0xC620] =	vst v63  }
0x3f: {  	_ =	swait.ge [sflag:s8], $0x1400  }
0x40: {  	[sflag:s8] =	ssyncset.done $0x0  }
0x41: {  	s26 =	rddreg [dreg:$0x17];
	[sflag:s8] =	ssyncadd.s32 $0xFFFFEC00  }
0x42: {  	[tilespmem:s7], [sflag:$0x7] =	stream.linear.gather [spmem:s26], $0x1400, $0x38;
	[tilespmem:$0xC620] =	vst v63  }
0x43: {  	_ =	swait.ge [sflag:s8], $0x1400  }
0x44: {  	[sflag:s8] =	ssyncset.done $0x0  }
0x45: {  	s24 =	rddreg [dreg:$0xf];
	[sflag:s8] =	ssyncadd.s32 $0xFFFFEC00  }
0x46: {  	[hbm4b:s24+s16] =	stream.linear.scatter [tilespmem:s7], [sflag:$0x7], $0x1400, $0x38;
	[tilespmem:$0xC620] =	vst v63  }
0x47: {  	_ =	swait.ge [sflag:s8], $0x1400  }
0x48: {  	[sflag:s8] =	ssyncset.done $0x0  }
0x49: {  	s25 =	rddreg [dreg:$0x18];
	[sflag:s8] =	ssyncadd.s32 $0xFFFFEC00  }
0x4a: {  	[tilespmem:s7], [sflag:$0x7] =	stream.linear.gather [spmem:s25], $0x1400, $0x38;
	[tilespmem:$0xC620] =	vst v63  }
0x4b: {  	_ =	swait.ge [sflag:s8], $0x1400  }
0x4c: {  	[sflag:s8] =	ssyncset.done $0x0  }
0x4d: {  	s26 =	rddreg [dreg:$0x10];
	[sflag:s8] =	ssyncadd.s32 $0xFFFFEC00  }
0x4e: {  	[hbm4b:s26+s16] =	stream.linear.scatter [tilespmem:s7], [sflag:$0x7], $0x1400, $0x38;
	[tilespmem:$0xC620] =	vst v63  }
0x4f: {  	_ =	swait.ge [sflag:s8], $0x1400  }
0x50: {  	[sflag:s8] =	ssyncset.done $0x0  }
0x51: {  	s24 =	rddreg [dreg:$0x19];
	[sflag:s8] =	ssyncadd.s32 $0xFFFFEC00  }
0x52: {  	[tilespmem:s7], [sflag:$0x7] =	stream.linear.gather [spmem:s24], $0x1400, $0x38;
	[tilespmem:$0xC620] =	vst v63  }
0x53: {  	_ =	swait.ge [sflag:s8], $0x1400  }
0x54: {  	[sflag:s8] =	ssyncset.done $0x0  }
0x55: {  	s25 =	rddreg [dreg:$0x11];
	[sflag:s8] =	ssyncadd.s32 $0xFFFFEC00  }
0x56: {  	[hbm4b:s25+s16] =	stream.linear.scatter [tilespmem:s7], [sflag:$0x7], $0x1400, $0x38;
	[tilespmem:$0xC620] =	vst v63  }
0x57: {  	_ =	swait.ge [sflag:s8], $0x1400  }
0x58: {  	[sflag:s8] =	ssyncset.done $0x0  }
0x59: {  	[sflag:s8] =	ssyncadd.s32 $0xFFFFEC00  }
0x5a: {  	[tilespmem:s7], [sflag:$0x7] =	stream.linear.gather [spmem:s29], $0x1400, $0x38;
	[tilespmem:$0xC620] =	vst v63  }
0x5b: {  	_ =	swait.ge [sflag:s8], $0x1400  }
0x5c: {  	[sflag:s8] =	ssyncset.done $0x0  }
0x5d: {  	s26 =	rddreg [dreg:$0x12];
	[sflag:s8] =	ssyncadd.s32 $0xFFFFEC00  }
0x5e: {  	[hbm4b:s26+s16] =	stream.linear.scatter [tilespmem:s7], [sflag:$0x7], $0x1400, $0x38;
	[tilespmem:$0xC620] =	vst v63  }
0x5f: {  	_ =	swait.ge [sflag:s8], $0x1400  }
0x60: {  	[sflag:s8] =	ssyncset.done $0x0  }
0x61: {  	s23 =	simm.s32 @p1 $0x9E20;
	s24 =	simm.s32 @p1 $0x7;
	[sflag:s8] =	ssyncadd.s32 $0xFFFFEC00  }
0x62: {  	[tilespmem:s23], [sflag:$0x7] =	stream.linear.gather @p1 [spmem:s4], $0x1400, $0x38;
	[tilespmem:$0xC620] =	vst v63  }
0x63: {  	_ =	swait.ge @p1 [sflag:s24], $0x1400  }
0x64: {  	[sflag:s24] =	ssyncset.done @p1 $0x0  }
0x65: {  	s25 =	simm.s32 @p1 $0x0;
	s26 =	rddreg [dreg:$0x1e];
	[sflag:s24] =	ssyncadd.s32 @p1 $0xFFFFEC00  }
0x66: {  	[hbm4b:s26+s25] =	stream.linear.scatter @p1 [tilespmem:s23], [sflag:$0x7], $0x1400, $0x38;
	[tilespmem:$0xC620] =	vst v63  }
0x67: {  	_ =	swait.ge @p1 [sflag:s24], $0x1400  }
0x68: {  	[sflag:s24] =	ssyncset.done @p1 $0x0  }
0x69: {  	s23 =	simm.s32 @!p1 $0x9E20;
	[sflag:s24] =	ssyncadd.s32 @p1 $0xFFFFEC00;
	s24 =	rddreg [dreg:$0x1c]  }
0x6a: {  	[tilespmem:s23], [sflag:$0x7] =	stream.linear.gather @!p1 [spmem:s24], $0x1000, $0x38;
	[tilespmem:$0xC620] =	vst v63  }
0x6b: {  	s24 =	simm.s32 @!p1 $0x7  }
0x6c: {  	_ =	swait.ge @!p1 [sflag:s24], $0x1000  }
0x6d: {  	[sflag:s24] =	ssyncset.done @!p1 $0x0  }
0x6e: {  	s25 =	simm.s32 @!p1 $0x0;
	s26 =	rddreg [dreg:$0x13];
	[sflag:s24] =	ssyncadd.s32 @!p1 $0xFFFFF000  }
0x6f: {  	[hbm4b:s26+s25] =	stream.linear.scatter @!p1 [tilespmem:s23], [sflag:$0x7], $0x1000, $0x38;
	[tilespmem:$0xC620] =	vst v63  }
0x70: {  	_ =	swait.ge @!p1 [sflag:s24], $0x1000  }
0x71: {  	[sflag:s24] =	ssyncset.done @!p1 $0x0  }
0x72: {  	[sflag:s24] =	ssyncadd.s32 @!p1 $0xFFFFF000  }
.LBB2_9:
0x73: {  	s22 =	sadd.s32 $0x1, s22;
	s23 =	rddreg [dreg:$0x1f]  }
0x74: {  	p2 =	sne.s32 s22, s23  }
.Ltmp1:
0x75: {  	_ = 	snop;
	(pc) =	sbr.rel @!p2 .LBB2_10-.Ltmp1, $2  }
0x76: {  	_ =	sdelay $0x2  }
0x77: {  	s26 =	smov.u32 s28  }
.LBB2_1:
0x78: {  	s24 =	simm.s32 $0x100;
	s23 =	simm.s32 $0x0  }
.LBB2_2:
0x79: {  	p2 =	sne.s32 s24, $0x4F00;
	[tilespmem:s23+$0x9E50] =	vst v0;
	s25 =	smov.u32 s24;
	s24 =	sadd.s32 $0x100, s24  }
.Ltmp2:
0x7a: {  	[tilespmem:s23+$0x9E40] =	vst v0;
	(pc) =	sbr.rel @p2 .LBB2_2-.Ltmp2, $3  }
0x7b: {  	[tilespmem:s23+$0x9E20] =	vst v0  }
0x7c: {  	[tilespmem:s23+$0x9E30] =	vst v0;
	_ =	sdelay $0x1  }
0x7d: {  	s23 =	sshra.s32 s25, $0x2  }
0x7e: {  	[tilespmem:s23+$0x9E50] =	vst v0  }
0x7f: {  	[tilespmem:s23+$0x9E40] =	vst v0  }
0x80: {  	[tilespmem:s23+$0x9E20] =	vst v0  }
0x81: {  	[tilespmem:s23+$0x9E30] =	vst v0  }
0x82: {  	[spmem:s26] =	stream.linear.scatter [tilespmem:s7], [sflag:$0x7], $0x1400, $0x38;
	[tilespmem:$0xC620] =	vst v63  }
0x83: {  	_ =	swait.ge [sflag:s8], $0x1400  }
0x84: {  	[sflag:s8] =	ssyncset.done $0x0  }
0x85: {  	s24 =	rddreg [dreg:$0x15];
	[sflag:s8] =	ssyncadd.s32 $0xFFFFEC00  }
0x86: {  	[spmem:s24] =	stream.linear.scatter [tilespmem:s7], [sflag:$0x7], $0x1400, $0x38;
	[tilespmem:$0xC620] =	vst v63  }
0x87: {  	_ =	swait.ge [sflag:s8], $0x1400  }
0x88: {  	[sflag:s8] =	ssyncset.done $0x0  }
0x89: {  	s25 =	rddreg [dreg:$0x16];
	[sflag:s8] =	ssyncadd.s32 $0xFFFFEC00  }
0x8a: {  	[spmem:s25] =	stream.linear.scatter [tilespmem:s7], [sflag:$0x7], $0x1400, $0x38;
	[tilespmem:$0xC620] =	vst v63  }
0x8b: {  	_ =	swait.ge [sflag:s8], $0x1400  }
0x8c: {  	[sflag:s8] =	ssyncset.done $0x0  }
0x8d: {  	s28 =	rddreg [dreg:$0x17];
	[sflag:s8] =	ssyncadd.s32 $0xFFFFEC00  }
0x8e: {  	[spmem:s28] =	stream.linear.scatter [tilespmem:s7], [sflag:$0x7], $0x1400, $0x38;
	[tilespmem:$0xC620] =	vst v63  }
0x8f: {  	_ =	swait.ge [sflag:s8], $0x1400  }
0x90: {  	[sflag:s8] =	ssyncset.done $0x0  }
0x91: {  	s24 =	rddreg [dreg:$0x18];
	[sflag:s8] =	ssyncadd.s32 $0xFFFFEC00  }
0x92: {  	[spmem:s24] =	stream.linear.scatter [tilespmem:s7], [sflag:$0x7], $0x1400, $0x38;
	[tilespmem:$0xC620] =	vst v63  }
0x93: {  	_ =	swait.ge [sflag:s8], $0x1400  }
0x94: {  	[sflag:s8] =	ssyncset.done $0x0  }
0x95: {  	s25 =	rddreg [dreg:$0x19];
	[sflag:s8] =	ssyncadd.s32 $0xFFFFEC00  }
0x96: {  	[spmem:s25] =	stream.linear.scatter [tilespmem:s7], [sflag:$0x7], $0x1400, $0x38;
	[tilespmem:$0xC620] =	vst v63  }
0x97: {  	_ =	swait.ge [sflag:s8], $0x1400  }
0x98: {  	[sflag:s8] =	ssyncset.done $0x0  }
0x99: {  	[sflag:s8] =	ssyncadd.s32 $0xFFFFEC00  }
0x9a: {  	[spmem:s29] =	stream.linear.scatter [tilespmem:s7], [sflag:$0x7], $0x1400, $0x38;
	[tilespmem:$0xC620] =	vst v63  }
0x9b: {  	_ =	swait.ge [sflag:s8], $0x1400  }
0x9c: {  	[sflag:s8] =	ssyncset.done $0x0  }
0x9d: {  	s23 =	simm.s32 @p1 $0x9E20;
	[sflag:s8] =	ssyncadd.s32 $0xFFFFEC00  }
0x9e: {  	[spmem:s4] =	stream.linear.scatter @p1 [tilespmem:s23], [sflag:$0x7], $0x1400, $0x38;
	[tilespmem:$0xC620] =	vst v63  }
0x9f: {  	s23 =	simm.s32 @p1 $0x7  }
0xa0: {  	_ =	swait.ge @p1 [sflag:s23], $0x1400  }
0xa1: {  	[sflag:s23] =	ssyncset.done @p1 $0x0  }
0xa2: {  	s24 =	rddreg [dreg:$0x1a];
	[sflag:s23] =	ssyncadd.s32 @p1 $0xFFFFEC00;
	s23 =	simm.s32 @!p1 $0x9E20  }
0xa3: {  	[spmem:s24] =	stream.linear.scatter @!p1 [tilespmem:s23], [sflag:$0x7], $0x1000, $0x38;
	[tilespmem:$0xC620] =	vst v63  }
0xa4: {  	s23 =	simm.s32 @!p1 $0x7  }
0xa5: {  	_ =	swait.ge @!p1 [sflag:s23], $0x1000  }
0xa6: {  	[sflag:s23] =	ssyncset.done @!p1 $0x0  }
0xa7: {  	[sflag:s23] =	ssyncadd.s32 @!p1 $0xFFFFF000  }
0xa8: {  	[bflag:$0x0] =	sbarrier.arrive $0xFFFF  }
0xa9: {  	s28 =	rddreg [dreg:$0x14]  }
0xaa: {  	[tilespmem:s9], [sflag:$0x7] =	stream.linear.gather [hbm4b:s28+s16], $0xA0, $0x38;
	[tilespmem:$0xC620] =	vst v63  }
0xab: {  	_ =	swait.ge [sflag:s8], $0xA0  }
0xac: {  	[sflag:s8] =	ssyncset.done $0x0  }
0xad: {  	s24 =	rddreg [dreg:$0x1b];
	[sflag:s8] =	ssyncadd.s32 $0xFFFFFF60  }
0xae: {  	[tilespmem:s10], [sflag:$0x2] =	stream.linear.gather [hbm4b:s24+s16], $0xA0, $0x38;
	[tilespmem:$0xC620] =	vst v63  }
0xaf: {  	_ = 	snop  }
0xb0: {  	[tilespmem:s7], [sflag:$0x3] =	stream.indirect.gather [hbm4b:s0+s11], $0x40, s9, s11, $0xb8;
	[tilespmem:$0xC620] =	vst v63  }
0xb1: {  	_ = 	snop  }
0xb2: {  	[tilespmem:s13], [sflag:$0x3] =	stream.indirect.gather [hbm4b:s0+s11], $0x40, s12, s11, $0xb8;
	[tilespmem:$0xC620] =	vst v63  }
0xb3: {  	_ =	swait.ge [sflag:s14], $0xA0  }
0xb4: {  	[sflag:s14] =	ssyncset.done $0x0  }
0xb5: {  	[sflag:s14] =	ssyncadd.s32 $0xFFFFFF60  }
0xb6: {  	[tilespmem:s15], [sflag:$0x4] =	stream.indirect.gather [hbm4b:s0+s11], $0x40, s10, s11, $0xb8;
	[tilespmem:$0xC620] =	vst v63  }
0xb7: {  	_ = 	snop  }
0xb8: {  	[tilespmem:s1], [sflag:$0x4] =	stream.indirect.gather [hbm4b:s0+s11], $0x40, s17, s11, $0xb8;
	[tilespmem:$0xC620] =	vst v63  }
0xb9: {  	_ =	swait.ge [sflag:s2], $0xA00  }
0xba: {  	[sflag:s2] =	ssyncset.done $0x0  }
0xbb: {  	[sflag:s2] =	ssyncadd.s32 $0xFFFFF600  }
0xbc: {  	_ =	swait.ge [sflag:s2], $0xA00  }
0xbd: {  	[sflag:s2] =	ssyncset.done $0x0  }
0xbe: {  	[sflag:s2] =	ssyncadd.s32 $0xFFFFF600  }
0xbf: {  	v1 =	vld [tilespmem:$0x9C90]  }
0xc0: {  	v2 =	vld [tilespmem:$0x9CA0]  }
0xc1: {  	v3 =	vld [tilespmem:$0x9CB0]  }
0xc2: {  	v4 =	vld [tilespmem:$0x9CC0]  }
0xc3: {  	v5 =	vld [tilespmem:$0x9CD0]  }
0xc4: {  	[tilespmem:$0x9D80] =	vst v1  }
0xc5: {  	[tilespmem:$0x9D90] =	vst v2  }
0xc6: {  	s25 =	sld [smem:$0x7FC];
	[tilespmem:$0x9DA0] =	vst v3  }
0xc7: {  	[tilespmem:$0x9DB0] =	vst v4  }
0xc8: {  	[tilespmem:$0x9DC0] =	vst v5  }
0xc9: {  	[tilespmem:s9], [sflag:$0x1] =	stream.linear.gather [hbm4b:s25+s16], $0xA0, $0x38;
	[tilespmem:$0xC620] =	vst v63  }
0xca: {  	_ = 	snop  }
0xcb: {  	[spmem:s20] =	stream.indirect.scatter.add.f32 [tilespmem:s7], [sflag:$0x5], $0x40, s31, s30, $0xb8;
	[tilespmem:$0xC620] =	vst v63  }
0xcc: {  	_ =	swait.ge [sflag:s19], $0x1400  }
0xcd: {  	[sflag:s19] =	ssyncset.done $0x0  }
0xce: {  	[sflag:s19] =	ssyncadd.s32 $0xFFFFEC00  }
0xcf: {  	_ =	swait.ge [sflag:s18], $0xA0  }
0xd0: {  	[sflag:s18] =	ssyncset.done $0x0  }
0xd1: {  	[sflag:s18] =	ssyncadd.s32 $0xFFFFFF60  }
0xd2: {  	[tilespmem:s7], [sflag:$0x3] =	stream.indirect.gather [hbm4b:s0+s11], $0x40, s9, s11, $0xb8;
	[tilespmem:$0xC620] =	vst v63  }
0xd3: {  	_ = 	snop  }
0xd4: {  	[tilespmem:s13], [sflag:$0x3] =	stream.indirect.gather [hbm4b:s0+s11], $0x40, s12, s11, $0xb8;
	[tilespmem:$0xC620] =	vst v63  }
0xd5: {  	_ =	swait.ge [sflag:s3], $0xA00  }
0xd6: {  	[sflag:s3] =	ssyncset.done $0x0  }
0xd7: {  	[sflag:s3] =	ssyncadd.s32 $0xFFFFF600  }
0xd8: {  	_ =	swait.ge [sflag:s3], $0xA00  }
0xd9: {  	[sflag:s3] =	ssyncset.done $0x0  }
0xda: {  	[sflag:s3] =	ssyncadd.s32 $0xFFFFF600  }
0xdb: {  	v1 =	vld [tilespmem:$0x9D30]  }
0xdc: {  	v2 =	vld [tilespmem:$0x9D40]  }
0xdd: {  	v3 =	vld [tilespmem:$0x9D50]  }
0xde: {  	v62 =	vld [tilespmem:$0x9D60]  }
0xdf: {  	v63 =	vld [tilespmem:$0x9D70]  }
0xe0: {  	[tilespmem:$0x9DD0] =	vst v1  }
0xe1: {  	[tilespmem:$0x9DE0] =	vst v2  }
0xe2: {  	s28 =	sld [smem:$0x7FD];
	[tilespmem:$0x9DF0] =	vst v3  }
0xe3: {  	[tilespmem:$0x9E00] =	vst v62  }
0xe4: {  	[tilespmem:$0x9E10] =	vst v63  }
0xe5: {  	[tilespmem:s10], [sflag:$0x2] =	stream.linear.gather [hbm4b:s28+s16], $0xA0, $0x38;
	[tilespmem:$0xC620] =	vst v63  }
0xe6: {  	s23 =	simm.s32 $0xFFFFF6A0  }
0xe7: {  	[spmem:s20] =	stream.indirect.scatter.add.f32 [tilespmem:s15], [sflag:$0x6], $0x40, s5, s30, $0xb8;
	[tilespmem:$0xC620] =	vst v63  }
.LBB2_4:
0xe8: {  	_ =	swait.ge [sflag:s6], $0x1400  }
0xe9: {  	[sflag:s6] =	ssyncset.done $0x0  }
0xea: {  	[sflag:s6] =	ssyncadd.s32 $0xFFFFEC00  }
0xeb: {  	_ =	swait.ge [sflag:s14], $0xA0  }
0xec: {  	[sflag:s14] =	ssyncset.done $0x0  }
0xed: {  	[sflag:s14] =	ssyncadd.s32 $0xFFFFFF60  }
0xee: {  	[tilespmem:s15], [sflag:$0x4] =	stream.indirect.gather [hbm4b:s0+s11], $0x40, s10, s11, $0xb8;
	[tilespmem:$0xC620] =	vst v63  }
0xef: {  	_ = 	snop  }
0xf0: {  	[tilespmem:s1], [sflag:$0x4] =	stream.indirect.gather [hbm4b:s0+s11], $0x40, s17, s11, $0xb8;
	[tilespmem:$0xC620] =	vst v63  }
0xf1: {  	_ =	swait.ge [sflag:s2], $0xA00  }
0xf2: {  	[sflag:s2] =	ssyncset.done $0x0  }
0xf3: {  	[sflag:s2] =	ssyncadd.s32 $0xFFFFF600  }
0xf4: {  	_ =	swait.ge [sflag:s2], $0xA00  }
0xf5: {  	[sflag:s2] =	ssyncset.done $0x0  }
0xf6: {  	[sflag:s2] =	ssyncadd.s32 $0xFFFFF600  }
0xf7: {  	v1 =	vld [tilespmem:$0x9C90]  }
0xf8: {  	v2 =	vld [tilespmem:$0x9CA0]  }
0xf9: {  	v3 =	vld [tilespmem:$0x9CB0]  }
0xfa: {  	v4 =	vld [tilespmem:$0x9CC0]  }
0xfb: {  	v5 =	vld [tilespmem:$0x9CD0]  }
0xfc: {  	[tilespmem:$0x9D80] =	vst v1  }
0xfd: {  	[tilespmem:$0x9D90] =	vst v2  }
0xfe: {  	[tilespmem:$0x9DA0] =	vst v3  }
0xff: {  	s24 =	sadd.s32 s23, s21;
	[tilespmem:$0x9DB0] =	vst v4  }
0x100: {  	s25 =	sadd.s32 $0x9B0, s24;
	[tilespmem:$0x9DC0] =	vst v5  }
0x101: {  	[tilespmem:s9], [sflag:$0x1] =	stream.linear.gather [hbm4b:s25+s16], $0xA0, $0x38;
	[tilespmem:$0xC620] =	vst v63  }
0x102: {  	_ = 	snop  }
0x103: {  	[spmem:s20] =	stream.indirect.scatter.add.f32 [tilespmem:s7], [sflag:$0x5], $0x40, s31, s30, $0xb8;
	[tilespmem:$0xC620] =	vst v63  }
0x104: {  	_ =	swait.ge [sflag:s19], $0x1400  }
0x105: {  	[sflag:s19] =	ssyncset.done $0x0  }
0x106: {  	[sflag:s19] =	ssyncadd.s32 $0xFFFFEC00  }
0x107: {  	_ =	swait.ge [sflag:s18], $0xA0  }
0x108: {  	[sflag:s18] =	ssyncset.done $0x0  }
0x109: {  	[sflag:s18] =	ssyncadd.s32 $0xFFFFFF60  }
0x10a: {  	[tilespmem:s7], [sflag:$0x3] =	stream.indirect.gather [hbm4b:s0+s11], $0x40, s9, s11, $0xb8;
	[tilespmem:$0xC620] =	vst v63  }
0x10b: {  	_ = 	snop  }
0x10c: {  	[tilespmem:s13], [sflag:$0x3] =	stream.indirect.gather [hbm4b:s0+s11], $0x40, s12, s11, $0xb8;
	[tilespmem:$0xC620] =	vst v63  }
0x10d: {  	_ =	swait.ge [sflag:s3], $0xA00  }
0x10e: {  	[sflag:s3] =	ssyncset.done $0x0  }
0x10f: {  	[sflag:s3] =	ssyncadd.s32 $0xFFFFF600  }
0x110: {  	_ =	swait.ge [sflag:s3], $0xA00  }
0x111: {  	[sflag:s3] =	ssyncset.done $0x0  }
0x112: {  	[sflag:s3] =	ssyncadd.s32 $0xFFFFF600  }
0x113: {  	v1 =	vld [tilespmem:$0x9D30]  }
0x114: {  	v2 =	vld [tilespmem:$0x9D40]  }
0x115: {  	v3 =	vld [tilespmem:$0x9D50]  }
0x116: {  	v62 =	vld [tilespmem:$0x9D60]  }
0x117: {  	p2 =	seq.s32 s23, $0x0;
	v63 =	vld [tilespmem:$0x9D70]  }
.Ltmp3:
0x118: {  	[tilespmem:$0x9DD0] =	vst v1;
	(pc) =	sbr.rel @p2 .LBB2_6-.Ltmp3, $4  }
0x119: {  	[tilespmem:$0x9DE0] =	vst v2  }
0x11a: {  	[tilespmem:$0x9DF0] =	vst v3  }
0x11b: {  	[tilespmem:$0x9E00] =	vst v62  }
0x11c: {  	[tilespmem:$0x9E10] =	vst v63  }
.Ltmp4:
0x11d: {  	(pc) =	sbr.rel .LBB2_4-.Ltmp4, $4  }
0x11e: {  	s24 =	sadd.s32 $0x9C4, s24  }
0x11f: {  	[tilespmem:s10], [sflag:$0x2] =	stream.linear.gather [hbm4b:s24+s16], $0xA0, $0x38;
	[tilespmem:$0xC620] =	vst v63  }
0x120: {  	s23 =	sadd.s32 $0x28, s23  }
0x121: {  	[spmem:s20] =	stream.indirect.scatter.add.f32 [tilespmem:s15], [sflag:$0x6], $0x40, s5, s30, $0xb8;
	[tilespmem:$0xC620] =	vst v63  }
.LBB2_6:
0x122: {  	[spmem:s20] =	stream.indirect.scatter.add.f32 [tilespmem:s15], [sflag:$0x6], $0x40, s5, s30, $0xb8;
	[tilespmem:$0xC620] =	vst v63  }
0x123: {  	_ =	swait.ge [sflag:s6], $0x1400  }
0x124: {  	[sflag:s6] =	ssyncset.done $0x0  }
0x125: {  	[sflag:s6] =	ssyncadd.s32 $0xFFFFEC00  }
0x126: {  	_ =	swait.ge [sflag:s2], $0xA00  }
0x127: {  	[sflag:s2] =	ssyncset.done $0x0  }
0x128: {  	[sflag:s2] =	ssyncadd.s32 $0xFFFFF600  }
0x129: {  	_ =	swait.ge [sflag:s2], $0xA00  }
0x12a: {  	[sflag:s2] =	ssyncset.done $0x0  }
0x12b: {  	[sflag:s2] =	ssyncadd.s32 $0xFFFFF600  }
0x12c: {  	v1 =	vld [tilespmem:$0x9C90]  }
0x12d: {  	v2 =	vld [tilespmem:$0x9CA0]  }
0x12e: {  	v3 =	vld [tilespmem:$0x9CB0]  }
0x12f: {  	v4 =	vld [tilespmem:$0x9CC0]  }
0x130: {  	v5 =	vld [tilespmem:$0x9CD0]  }
0x131: {  	[tilespmem:$0x9D80] =	vst v1  }
0x132: {  	[tilespmem:$0x9D90] =	vst v2  }
0x133: {  	[tilespmem:$0x9DA0] =	vst v3  }
0x134: {  	[tilespmem:$0x9DB0] =	vst v4  }
0x135: {  	[tilespmem:$0x9DC0] =	vst v5  }
0x136: {  	[spmem:s20] =	stream.indirect.scatter.add.f32 [tilespmem:s7], [sflag:$0x5], $0x40, s31, s30, $0xb8;
	[tilespmem:$0xC620] =	vst v63  }
0x137: {  	_ =	swait.ge [sflag:s19], $0x1400  }
0x138: {  	[sflag:s19] =	ssyncset.done $0x0  }
0x139: {  	[sflag:s19] =	ssyncadd.s32 $0xFFFFEC00  }
.Ltmp5:
0x13a: {  	[bflag:$0x0] =	sbarrier.arrive $0xFFFF;
	(pc) =	sbr.rel @p0 .LBB2_8-.Ltmp5, $4  }
0x13b: {  	[tilespmem:s7], [sflag:$0x7] =	stream.linear.gather [spmem:s26], $0x1400, $0x38;
	[tilespmem:$0xC620] =	vst v63  }
0x13c: {  	_ =	swait.ge [sflag:s8], $0x1400  }
0x13d: {  	[sflag:s8] =	ssyncset.done $0x0  }
0x13e: {  	s28 =	smov.u32 s26;
	[sflag:s8] =	ssyncadd.s32 $0xFFFFEC00  }
0x13f: {  	s23 =	rddreg [dreg:$0x4]  }
0x140: {  	[hbm4b:s23+s16] =	stream.linear.scatter [tilespmem:s7], [sflag:$0x7], $0x1400, $0x38;
	[tilespmem:$0xC620] =	vst v63  }
0x141: {  	_ =	swait.ge [sflag:s8], $0x1400  }
0x142: {  	[sflag:s8] =	ssyncset.done $0x0  }
0x143: {  	s25 =	rddreg [dreg:$0x15];
	[sflag:s8] =	ssyncadd.s32 $0xFFFFEC00  }
0x144: {  	[tilespmem:s7], [sflag:$0x7] =	stream.linear.gather [spmem:s25], $0x1400, $0x38;
	[tilespmem:$0xC620] =	vst v63  }
0x145: {  	_ =	swait.ge [sflag:s8], $0x1400  }
0x146: {  	[sflag:s8] =	ssyncset.done $0x0  }
0x147: {  	s26 =	rddreg [dreg:$0x5];
	[sflag:s8] =	ssyncadd.s32 $0xFFFFEC00  }
0x148: {  	[hbm4b:s26+s16] =	stream.linear.scatter [tilespmem:s7], [sflag:$0x7], $0x1400, $0x38;
	[tilespmem:$0xC620] =	vst v63  }
0x149: {  	_ =	swait.ge [sflag:s8], $0x1400  }
0x14a: {  	[sflag:s8] =	ssyncset.done $0x0  }
0x14b: {  	s24 =	rddreg [dreg:$0x16];
	[sflag:s8] =	ssyncadd.s32 $0xFFFFEC00  }
0x14c: {  	[tilespmem:s7], [sflag:$0x7] =	stream.linear.gather [spmem:s24], $0x1400, $0x38;
	[tilespmem:$0xC620] =	vst v63  }
0x14d: {  	_ =	swait.ge [sflag:s8], $0x1400  }
0x14e: {  	[sflag:s8] =	ssyncset.done $0x0  }
0x14f: {  	s25 =	rddreg [dreg:$0x6];
	[sflag:s8] =	ssyncadd.s32 $0xFFFFEC00  }
0x150: {  	[hbm4b:s25+s16] =	stream.linear.scatter [tilespmem:s7], [sflag:$0x7], $0x1400, $0x38;
	[tilespmem:$0xC620] =	vst v63  }
0x151: {  	_ =	swait.ge [sflag:s8], $0x1400  }
0x152: {  	[sflag:s8] =	ssyncset.done $0x0  }
0x153: {  	s26 =	rddreg [dreg:$0x17];
	[sflag:s8] =	ssyncadd.s32 $0xFFFFEC00  }
0x154: {  	[tilespmem:s7], [sflag:$0x7] =	stream.linear.gather [spmem:s26], $0x1400, $0x38;
	[tilespmem:$0xC620] =	vst v63  }
0x155: {  	_ =	swait.ge [sflag:s8], $0x1400  }
0x156: {  	[sflag:s8] =	ssyncset.done $0x0  }
0x157: {  	s24 =	rddreg [dreg:$0x7];
	[sflag:s8] =	ssyncadd.s32 $0xFFFFEC00  }
0x158: {  	[hbm4b:s24+s16] =	stream.linear.scatter [tilespmem:s7], [sflag:$0x7], $0x1400, $0x38;
	[tilespmem:$0xC620] =	vst v63  }
0x159: {  	_ =	swait.ge [sflag:s8], $0x1400  }
0x15a: {  	[sflag:s8] =	ssyncset.done $0x0  }
0x15b: {  	s25 =	rddreg [dreg:$0x18];
	[sflag:s8] =	ssyncadd.s32 $0xFFFFEC00  }
0x15c: {  	[tilespmem:s7], [sflag:$0x7] =	stream.linear.gather [spmem:s25], $0x1400, $0x38;
	[tilespmem:$0xC620] =	vst v63  }
0x15d: {  	_ =	swait.ge [sflag:s8], $0x1400  }
0x15e: {  	[sflag:s8] =	ssyncset.done $0x0  }
0x15f: {  	s26 =	rddreg [dreg:$0x8];
	[sflag:s8] =	ssyncadd.s32 $0xFFFFEC00  }
0x160: {  	[hbm4b:s26+s16] =	stream.linear.scatter [tilespmem:s7], [sflag:$0x7], $0x1400, $0x38;
	[tilespmem:$0xC620] =	vst v63  }
0x161: {  	_ =	swait.ge [sflag:s8], $0x1400  }
0x162: {  	[sflag:s8] =	ssyncset.done $0x0  }
0x163: {  	s24 =	rddreg [dreg:$0x19];
	[sflag:s8] =	ssyncadd.s32 $0xFFFFEC00  }
0x164: {  	[tilespmem:s7], [sflag:$0x7] =	stream.linear.gather [spmem:s24], $0x1400, $0x38;
	[tilespmem:$0xC620] =	vst v63  }
0x165: {  	_ =	swait.ge [sflag:s8], $0x1400  }
0x166: {  	[sflag:s8] =	ssyncset.done $0x0  }
0x167: {  	s25 =	rddreg [dreg:$0x9];
	[sflag:s8] =	ssyncadd.s32 $0xFFFFEC00  }
0x168: {  	[hbm4b:s25+s16] =	stream.linear.scatter [tilespmem:s7], [sflag:$0x7], $0x1400, $0x38;
	[tilespmem:$0xC620] =	vst v63  }
0x169: {  	_ =	swait.ge [sflag:s8], $0x1400  }
0x16a: {  	[sflag:s8] =	ssyncset.done $0x0  }
0x16b: {  	[sflag:s8] =	ssyncadd.s32 $0xFFFFEC00  }
0x16c: {  	[tilespmem:s7], [sflag:$0x7] =	stream.linear.gather [spmem:s29], $0x1400, $0x38;
	[tilespmem:$0xC620] =	vst v63  }
0x16d: {  	_ =	swait.ge [sflag:s8], $0x1400  }
0x16e: {  	[sflag:s8] =	ssyncset.done $0x0  }
0x16f: {  	s26 =	rddreg [dreg:$0xa];
	[sflag:s8] =	ssyncadd.s32 $0xFFFFEC00  }
0x170: {  	[hbm4b:s26+s16] =	stream.linear.scatter [tilespmem:s7], [sflag:$0x7], $0x1400, $0x38;
	[tilespmem:$0xC620] =	vst v63  }
0x171: {  	_ =	swait.ge [sflag:s8], $0x1400  }
0x172: {  	[sflag:s8] =	ssyncset.done $0x0  }
0x173: {  	s23 =	simm.s32 @p1 $0x9E20;
	s24 =	simm.s32 @p1 $0x7;
	[sflag:s8] =	ssyncadd.s32 $0xFFFFEC00  }
0x174: {  	[tilespmem:s23], [sflag:$0x7] =	stream.linear.gather @p1 [spmem:s4], $0x1400, $0x38;
	[tilespmem:$0xC620] =	vst v63  }
0x175: {  	_ =	swait.ge @p1 [sflag:s24], $0x1400  }
0x176: {  	[sflag:s24] =	ssyncset.done @p1 $0x0  }
0x177: {  	s25 =	simm.s32 @p1 $0x0;
	s26 =	rddreg [dreg:$0x1d];
	[sflag:s24] =	ssyncadd.s32 @p1 $0xFFFFEC00  }
0x178: {  	[hbm4b:s26+s25] =	stream.linear.scatter @p1 [tilespmem:s23], [sflag:$0x7], $0x1400, $0x38;
	[tilespmem:$0xC620] =	vst v63  }
0x179: {  	_ =	swait.ge @p1 [sflag:s24], $0x1400  }
0x17a: {  	[sflag:s24] =	ssyncset.done @p1 $0x0  }
0x17b: {  	s23 =	simm.s32 @!p1 $0x9E20;
	[sflag:s24] =	ssyncadd.s32 @p1 $0xFFFFEC00;
	s24 =	rddreg [dreg:$0x1c]  }
0x17c: {  	[tilespmem:s23], [sflag:$0x7] =	stream.linear.gather @!p1 [spmem:s24], $0x1000, $0x38;
	[tilespmem:$0xC620] =	vst v63  }
0x17d: {  	s24 =	simm.s32 @!p1 $0x7  }
0x17e: {  	_ =	swait.ge @!p1 [sflag:s24], $0x1000  }
0x17f: {  	s25 =	simm.s32 @!p1 $0x0;
	[sflag:s24] =	ssyncset.done @!p1 $0x0  }
.Ltmp6:
0x180: {  	s26 =	rddreg [dreg:$0xb];
	[sflag:s24] =	ssyncadd.s32 @!p1 $0xFFFFF000;
	(pc) =	sbr.rel .LBB2_9-.Ltmp6, $4  }
0x181: {  	[hbm4b:s26+s25] =	stream.linear.scatter @!p1 [tilespmem:s23], [sflag:$0x7], $0x1000, $0x38;
	[tilespmem:$0xC620] =	vst v63  }
0x182: {  	_ =	swait.ge @!p1 [sflag:s24], $0x1000  }
0x183: {  	[sflag:s24] =	ssyncset.done @!p1 $0x0  }
0x184: {  	[sflag:s24] =	ssyncadd.s32 @!p1 $0xFFFFF000  }
.LBB2_10:
0x185: {  	_ =	sfence.sel $0x180000  }
0x186: {  	[bflag:$0x0] =	sbarrier.arrive $0xFFFF  }
0x187: {  	_ =	strace $0x90000047  }
0x188: {  	s0 =	stileid.u32;
	[bflag:$0x2] =	sbarrier.arrive $0xFFFF  }
0x189: {  	p0 =	sne.s32 s0, $0x0;
	s0 =	rddreg [dreg:$0x3]  }
0x18a: {  	s0 =	sadd.s32 @!p0 $0x100000, s0  }
0x18b: {  	[sflag:s0] =	ssyncadd.tile.s32 @!p0 $0x1;
	_ =	shalt  }
.Lfunc_end2:
_tile_overlayer_lowered:
.L_overlay_start_2:
0x18c: {  	(tag) =	ssettag $0x2  }
0x18d: {  	s0 =	rddreg [dreg:$0x0];
	s2 =	stileid.u32  }
0x18e: {  	s1 =	rddreg [dreg:$0x1];
	p0 =	sne.s32 s2, $0x0  }
0x18f: {  	s3 =	rddreg [dreg:$0x2];
	[bflag:$0x3] =	sbarrier.arrive $0xFFFF;
	s2 =	simm.s32 @!p0 $0x1C07  }
0x190: {  	[timem:s3], [sflag:s2] =	dma.local @!p0 [hbm:s0], s1  }
0x191: {  	s0 =	simm.s32 @!p0 $0x7  }
0x192: {  	_ =	swait.ge @!p0 [sflag:s0], s1  }
0x193: {  	s1 =	ssub.s32 @!p0 $0x0, s1;
	[sflag:s0] =	ssyncset.done @!p0 $0x0  }
0x194: {  	[sflag:s0] =	ssyncadd.s32 @!p0 s1  }
0x195: {  	[bflag:$0x3] =	sbarrier.arrive $0xFFFF  }
0x196: {  	_ =	shalt  }

</sc_bundles>
